<compile_context>
chip_gen: v7x
topology: tpu7x:2x2x1
jax: 0.10.2.dev20260603
libtpu: 0.0.44.dev20260713+nightly
codegen_flags: <defaults>
</compile_context>

<pallas_src>
import functools

import jax
import jax.numpy as jnp
from jax import lax
from jax.experimental import pallas as pl
from jax.experimental.pallas import tpu as pltpu
from jax.experimental.pallas import tpu_sc as plsc

NPART = 5000
NBEAM = 90
NBP = 96
NV = NBP // 16
NCORES = 2
NSUB = 16
NTILES = NCORES * NSUB
PPT = 160
NPPAD = PPT * NTILES
NMETA = NPPAD + NTILES
MAPN = 800
L1MAX = 14
BLK = 5
W1_R = 2 * L1MAX + 3
W1_C = 40
WIN_R = 104
WIN_C = 112
NSTEP = 51
THRESH = 0.35
MAXRP = 50.0
MAGIC = 12582912.0


def _sc_raycast(occ, laser, cosb, sinb):
    mesh = plsc.VectorSubcoreMesh(core_axis_name="c", subcore_axis_name="s")

    @functools.partial(
        pl.kernel,
        out_type=jax.ShapeDtypeStruct((NPPAD, NBP), jnp.float32),
        mesh=mesh,
        scratch_types=[
            pltpu.VMEM((PPT + 2, 16), jnp.float32),
            pltpu.VMEM((PPT, NBP), jnp.float32),
            pltpu.VMEM((PPT, NBP), jnp.float32),
            pltpu.VMEM((PPT, NBP), jnp.float32),
            pltpu.VMEM((4 * W1_R, W1_C), jnp.float32),
            pltpu.VMEM((WIN_R, WIN_C), jnp.float32),
            pltpu.SemaphoreType.DMA,
            pltpu.SemaphoreType.DMA,
            pltpu.SemaphoreType.DMA,
            pltpu.SemaphoreType.DMA,
        ],
        compiler_params=pltpu.CompilerParams(
            use_tc_tiling_on_sc=False, needs_layout_passes=False,
            disable_bounds_checks=True),
    )
    def k(occ_hbm, las_hbm, cos_hbm, sin_hbm, out_hbm,
          las_v, cos_v, sin_v, acc_v, win_ring, win2_v,
          sem_0, sem_1, sem_2, sem_3):
        sems = (sem_0, sem_1, sem_2, sem_3)
        wid = lax.axis_index("c") * NSUB + lax.axis_index("s")
        p0 = wid * PPT
        pltpu.sync_copy(las_hbm.at[pl.ds(p0, PPT + 2), :], las_v)
        pltpu.sync_copy(cos_hbm.at[pl.ds(p0, PPT), :], cos_v)
        pltpu.sync_copy(sin_hbm.at[pl.ds(p0, PPT), :], sin_v)

        def n_unresolved(bhl):
            return plsc.all_reduce_population_count(bhl >= MAXRP)[0]

        def round_i(x):
            return ((x + MAGIC) - MAGIC).astype(jnp.int32)

        def clamp(x, lo, hi):
            return jnp.minimum(jnp.maximum(x, lo), hi)

        def win1_origin(p):
            row = las_v[p, :]
            riy = round_i(row[1])
            rix = round_i(row[0])
            r1 = clamp(riy - (L1MAX + 1), 0, MAPN - W1_R)
            c1 = (clamp(rix - (L1MAX + 1), 0, MAPN - W1_C) >> 3) << 3
            return r1, c1

        def issue_win1(p, slot):
            r1, c1 = win1_origin(p)
            return pltpu.async_copy(
                occ_hbm.at[pl.ds(r1, W1_R),
                           pl.ds(pl.multiple_of(c1, 8), W1_C)],
                win_ring.at[pl.ds(slot * W1_R, W1_R), :], sems[slot])

        def drain_slot(slot):
            pltpu.make_async_copy(
                occ_hbm.at[pl.ds(0, W1_R), pl.ds(0, W1_C)],
                win_ring.at[pl.ds(slot * W1_R, W1_R), :], sems[slot]).wait()

        def process(p, roff):
            win1_v = win_ring
            row = las_v[p, :]
            xl = row[0]
            yl = row[1]
            r1, c1 = win1_origin(p)
            r1 = r1 - roff

            cs = [cos_v[p, pl.ds(v * 16, 16)] for v in range(NV)]
            ss = [sin_v[p, pl.ds(v * 16, 16)] for v in range(NV)]

            def fast_cond(carry):
                L = carry[0]
                bhls = carry[1:]
                m = bhls[0]
                for b in bhls[1:]:
                    m = jnp.maximum(m, b)
                return (L < L1MAX + 1) & (n_unresolved(m) > 0)

            def fast_blk(carry):
                L = carry[0]
                bhls = list(carry[1:])
                for kk in range(BLK):
                    lf = lax.convert_element_type(L + kk, jnp.float32)
                    for v in range(NV):
                        xf = xl + cs[v] * lf
                        yf = yl + ss[v] * lf
                        xi = round_i(xf)
                        yi = round_i(yf)
                        val = plsc.load_gather(win1_v, [yi - r1, xi - c1])
                        bhls[v] = jnp.minimum(
                            bhls[v], jnp.where(val > THRESH, lf, MAXRP))
                return (L + BLK, *bhls)

            bhl0 = jnp.full((16,), MAXRP, dtype=jnp.float32)
            res = lax.while_loop(fast_cond, fast_blk, (0,) + (bhl0,) * NV)
            bhls = res[1:]
            mx = bhls[0]
            for b in bhls[1:]:
                mx = jnp.maximum(mx, b)
            total_unres = n_unresolved(mx)
            for v in range(NV):
                acc_v[p, pl.ds(v * 16, 16)] = bhls[v]

            @pl.when(total_unres > 0)
            def _fallback():
                riy = round_i(yl)
                rix = round_i(xl)
                row_lo = clamp(riy - 51, 0, MAPN - WIN_R)
                col_lo = (clamp(rix - 51, 0, MAPN - WIN_C) >> 3) << 3
                pltpu.sync_copy(
                    occ_hbm.at[pl.ds(row_lo, WIN_R),
                               pl.ds(pl.multiple_of(col_lo, 8), WIN_C)],
                    win2_v)

                for v in range(NV):
                    c = cos_v[p, pl.ds(v * 16, 16)]
                    s = sin_v[p, pl.ds(v * 16, 16)]

                    def slow_cond(carry):
                        L, bhl = carry
                        return (L < NSTEP) & (n_unresolved(bhl) > 0)

                    def slow_step(carry):
                        L, bhl = carry
                        lf = lax.convert_element_type(L, jnp.float32)
                        xf = xl + c * lf
                        yf = yl + s * lf
                        xi = clamp(round_i(xf), 0, MAPN - 1)
                        yi = clamp(round_i(yf), 0, MAPN - 1)
                        val = plsc.load_gather(
                            win2_v, [yi - row_lo, xi - col_lo])
                        hit = jnp.where(val > THRESH, lf, MAXRP)
                        return L + 1, jnp.minimum(bhl, hit)

                    bhl0 = acc_v[p, pl.ds(v * 16, 16)]
                    _, bhl = lax.while_loop(
                        slow_cond, slow_step, (L1MAX + 1, bhl0))
                    acc_v[p, pl.ds(v * 16, 16)] = bhl

        for j in range(4):
            issue_win1(j, j)

        def body(p, carry):
            jj = lax.rem(p, 4)
            for j in range(4):
                @pl.when(jj == j)
                def _drain():
                    drain_slot(j)
            process(p, jj * W1_R)

            @pl.when(p + 4 < PPT)
            def _refill():
                for j in range(4):
                    @pl.when(jj == j)
                    def _issue():
                        issue_win1(p + 4, j)

            return carry

        lax.fori_loop(0, PPT, body, 0)
        pltpu.sync_copy(acc_v, out_hbm.at[pl.ds(p0, PPT), :])

    return k(occ, laser, cosb, sinb)


def kernel(X_t1, occupancy_map):
    f32 = jnp.float32
    xb, yb, yaw = X_t1[:, 0], X_t1[:, 1], X_t1[:, 2]
    xl = (xb + 25.0 * jnp.cos(yaw)) / 10.0
    yl = (yb + 25.0 * jnp.sin(yaw)) / 10.0

    las2 = jnp.stack([xl, yl], axis=1)
    laser = jnp.pad(las2, ((0, NMETA - NPART), (0, 14)),
                    constant_values=400.0)

    angles = jnp.arange(-90, 90, 180 // NBEAM).astype(f32)
    angp = jnp.pad(jnp.deg2rad(angles), (0, NBP - NBEAM))
    yawp = jnp.pad(yaw, (0, NPPAD - NPART))
    beam_angle = angp[None, :] + yawp[:, None]
    cosp = jnp.cos(beam_angle)
    sinp = jnp.sin(beam_angle)

    out = _sc_raycast(occupancy_map, laser, cosp, sinp)
    return out[:NPART, :NBEAM]

# --- scband reference (transcript-rebuilt; emitter-appended) ---
"""Pipeline reference for scband-ray-caster-5987184411372 (READ-ONLY COPY).

The authoritative reference and input builder live on the scoring server;
editing this copy changes nothing except your own understanding.
"""

import jax, jax.numpy as jnp
import numpy as np

NUM_PARTICLES = 5000
DISCRETIZATION = 2
MAX_RANGE = 500.0
RESOLUTION = 10.0
THRESH = 0.35
MAP_SIZE = 800


def setup_inputs(seed: int = 0) -> dict:
    key = jax.random.key(seed)
    k1, k2, k3 = jax.random.split(key, 3)
    xy = jax.random.uniform(k1, (NUM_PARTICLES, 2), minval=500.0, maxval=7500.0, dtype=jnp.float32)
    yaw = jax.random.uniform(k2, (NUM_PARTICLES, 1), minval=-np.pi, maxval=np.pi, dtype=jnp.float32)
    X_t1 = jnp.concatenate([xy, yaw], axis=1)
    occupancy_map = jax.random.uniform(k3, (MAP_SIZE, MAP_SIZE), dtype=jnp.float32)
    return {"X_t1": X_t1, "occupancy_map": occupancy_map}


def reference(X_t1, occupancy_map):
    num_beams = 180 // DISCRETIZATION
    X_body, Y_body, Yaw = X_t1[:, 0], X_t1[:, 1], X_t1[:, 2]
    X_laser = (X_body + 25.0 * jnp.cos(Yaw)) / 10.0
    Y_laser = (Y_body + 25.0 * jnp.sin(Yaw)) / 10.0
    angles = jnp.arange(-90, 90, DISCRETIZATION).astype(jnp.float32)
    assert angles.shape[0] == num_beams
    max_range_pixels = MAX_RANGE / RESOLUTION
    # beam angle per (particle, beam); equivalent to the repeat_interleave in the torch code
    beam_angle = jnp.deg2rad(angles)[None, :] + Yaw[:, None]
    cos_b = jnp.cos(beam_angle)
    sin_b = jnp.sin(beam_angle)
    beam_hit_length_pixels = jnp.full((X_t1.shape[0], num_beams), max_range_pixels, dtype=jnp.float32)
    for ray_length in range(0, int(round(max_range_pixels)) + 1):
        X_beams_pixels = X_laser[:, None] + cos_b * float(ray_length)
        Y_beams_pixels = Y_laser[:, None] + sin_b * float(ray_length)
        Xi = jnp.clip(jnp.round(X_beams_pixels).astype(jnp.int32), 0, 799)
        Yi = jnp.clip(jnp.round(Y_beams_pixels).astype(jnp.int32), 0, 799)
        occupancy_vals = occupancy_map[Yi, Xi]
        beam_hit_length_pixels = jnp.minimum(
            beam_hit_length_pixels,
            jnp.where(occupancy_vals > THRESH, float(ray_length), max_range_pixels),
        )
    return beam_hit_length_pixels

if __name__ == "__main__":
    import jax
    _d = setup_inputs()
    print(jax.jit(kernel)(*tuple(_d.values())))

</pallas_src>

<mosaic_0001>
#map = affine_map<(d0, d1) -> (0, 0)>
module attributes {stable_mosaic.version = 14 : i64} {
  func.func @k(%arg0: i32, %arg1: i32, %arg2: memref<800x800xf32, #tpu.memory_space<hbm>>, %arg3: memref<5152x16xf32, #tpu.memory_space<hbm>>, %arg4: memref<5120x96xf32, #tpu.memory_space<hbm>>, %arg5: memref<5120x96xf32, #tpu.memory_space<hbm>>, %arg6: memref<5120x96xf32, #tpu.memory_space<hbm>>, %arg7: memref<162x16xf32, #tpu.memory_space<vmem>>, %arg8: memref<160x96xf32, #tpu.memory_space<vmem>>, %arg9: memref<160x96xf32, #tpu.memory_space<vmem>>, %arg10: memref<160x96xf32, #tpu.memory_space<vmem>>, %arg11: memref<124x40xf32, #tpu.memory_space<vmem>>, %arg12: memref<104x112xf32, #tpu.memory_space<vmem>>, %arg13: memref<!tpu.dma_semaphore, #tpu.memory_space<semaphore_mem>>, %arg14: memref<!tpu.dma_semaphore, #tpu.memory_space<semaphore_mem>>, %arg15: memref<!tpu.dma_semaphore, #tpu.memory_space<semaphore_mem>>, %arg16: memref<!tpu.dma_semaphore, #tpu.memory_space<semaphore_mem>>) attributes {dimension_semantics = [#tpu.dimension_semantics<core_parallel>, #tpu.dimension_semantics<subcore_parallel>], iteration_bounds = array<i64: 2, 16>, scalar_prefetch = 0 : i64, scratch_operands = 10 : i64, tpu.core_type = #tpu.core_type<sc_vector_subcore>, window_params = [{transform_indices = #map}, {transform_indices = #map}, {transform_indices = #map}, {transform_indices = #map}, {transform_indices = #map}]} {
    %mul3A = arith.constant 16 : i32
    %mul3A_0 = arith.muli %arg0, %mul3A : i32
    %add3A = arith.addi %mul3A_0, %arg1 : i32
    %mul3A_1 = arith.constant 160 : i32
    %mul3A_2 = arith.muli %add3A, %mul3A_1 : i32
    "tpu.region"() ({
      %run_scoped3A = tpu.sem_alloc : memref<!tpu.dma_semaphore, #tpu.memory_space<semaphore_mem>>
      %dma_start3A_169 = arith.constant 0 : i32
      %dma_start3A_170 = tpu.memref_slice %arg3[%mul3A_2, %dma_start3A_169] : memref<5152x16xf32, #tpu.memory_space<hbm>> -> memref<162x16xf32, #tpu.memory_space<hbm>>
      %dma_start3A_171 = arith.constant 0 : i32
      %dma_start3A_172 = tpu.memref_slice %arg3[%mul3A_2, %dma_start3A_171] : memref<5152x16xf32, #tpu.memory_space<hbm>> -> memref<162x16xf32, #tpu.memory_space<hbm>>
      tpu.enqueue_dma source(%dma_start3A_172 : memref<162x16xf32, #tpu.memory_space<hbm>>) target(%arg7 : memref<162x16xf32, #tpu.memory_space<vmem>>) target_semaphore(%run_scoped3A : memref<!tpu.dma_semaphore, #tpu.memory_space<semaphore_mem>>)
      %dma_wait3A = arith.constant 0 : i32
      %dma_wait3A_173 = tpu.memref_slice %arg3[%mul3A_2, %dma_wait3A] : memref<5152x16xf32, #tpu.memory_space<hbm>> -> memref<162x16xf32, #tpu.memory_space<hbm>>
      %dma_wait3A_174 = arith.constant 0 : i32
      %dma_wait3A_175 = tpu.memref_slice %arg3[%mul3A_2, %dma_wait3A_174] : memref<5152x16xf32, #tpu.memory_space<hbm>> -> memref<162x16xf32, #tpu.memory_space<hbm>>
      tpu.wait_dma2 semaphore(%run_scoped3A : memref<!tpu.dma_semaphore, #tpu.memory_space<semaphore_mem>>) src(%dma_wait3A_175 : memref<162x16xf32, #tpu.memory_space<hbm>>) dst(%arg7 : memref<162x16xf32, #tpu.memory_space<vmem>>)
      tpu.yield
    }) : () -> ()
    "tpu.region"() ({
      %run_scoped3A = tpu.sem_alloc : memref<!tpu.dma_semaphore, #tpu.memory_space<semaphore_mem>>
      %dma_start3A_169 = arith.constant 0 : i32
      %dma_start3A_170 = tpu.memref_slice %arg4[%mul3A_2, %dma_start3A_169] : memref<5120x96xf32, #tpu.memory_space<hbm>> -> memref<160x96xf32, #tpu.memory_space<hbm>>
      %dma_start3A_171 = arith.constant 0 : i32
      %dma_start3A_172 = tpu.memref_slice %arg4[%mul3A_2, %dma_start3A_171] : memref<5120x96xf32, #tpu.memory_space<hbm>> -> memref<160x96xf32, #tpu.memory_space<hbm>>
      tpu.enqueue_dma source(%dma_start3A_172 : memref<160x96xf32, #tpu.memory_space<hbm>>) target(%arg8 : memref<160x96xf32, #tpu.memory_space<vmem>>) target_semaphore(%run_scoped3A : memref<!tpu.dma_semaphore, #tpu.memory_space<semaphore_mem>>)
      %dma_wait3A = arith.constant 0 : i32
      %dma_wait3A_173 = tpu.memref_slice %arg4[%mul3A_2, %dma_wait3A] : memref<5120x96xf32, #tpu.memory_space<hbm>> -> memref<160x96xf32, #tpu.memory_space<hbm>>
      %dma_wait3A_174 = arith.constant 0 : i32
      %dma_wait3A_175 = tpu.memref_slice %arg4[%mul3A_2, %dma_wait3A_174] : memref<5120x96xf32, #tpu.memory_space<hbm>> -> memref<160x96xf32, #tpu.memory_space<hbm>>
      tpu.wait_dma2 semaphore(%run_scoped3A : memref<!tpu.dma_semaphore, #tpu.memory_space<semaphore_mem>>) src(%dma_wait3A_175 : memref<160x96xf32, #tpu.memory_space<hbm>>) dst(%arg8 : memref<160x96xf32, #tpu.memory_space<vmem>>)
      tpu.yield
    }) : () -> ()
    "tpu.region"() ({
      %run_scoped3A = tpu.sem_alloc : memref<!tpu.dma_semaphore, #tpu.memory_space<semaphore_mem>>
      %dma_start3A_169 = arith.constant 0 : i32
      %dma_start3A_170 = tpu.memref_slice %arg5[%mul3A_2, %dma_start3A_169] : memref<5120x96xf32, #tpu.memory_space<hbm>> -> memref<160x96xf32, #tpu.memory_space<hbm>>
      %dma_start3A_171 = arith.constant 0 : i32
      %dma_start3A_172 = tpu.memref_slice %arg5[%mul3A_2, %dma_start3A_171] : memref<5120x96xf32, #tpu.memory_space<hbm>> -> memref<160x96xf32, #tpu.memory_space<hbm>>
      tpu.enqueue_dma source(%dma_start3A_172 : memref<160x96xf32, #tpu.memory_space<hbm>>) target(%arg9 : memref<160x96xf32, #tpu.memory_space<vmem>>) target_semaphore(%run_scoped3A : memref<!tpu.dma_semaphore, #tpu.memory_space<semaphore_mem>>)
      %dma_wait3A = arith.constant 0 : i32
      %dma_wait3A_173 = tpu.memref_slice %arg5[%mul3A_2, %dma_wait3A] : memref<5120x96xf32, #tpu.memory_space<hbm>> -> memref<160x96xf32, #tpu.memory_space<hbm>>
      %dma_wait3A_174 = arith.constant 0 : i32
      %dma_wait3A_175 = tpu.memref_slice %arg5[%mul3A_2, %dma_wait3A_174] : memref<5120x96xf32, #tpu.memory_space<hbm>> -> memref<160x96xf32, #tpu.memory_space<hbm>>
      tpu.wait_dma2 semaphore(%run_scoped3A : memref<!tpu.dma_semaphore, #tpu.memory_space<semaphore_mem>>) src(%dma_wait3A_175 : memref<160x96xf32, #tpu.memory_space<hbm>>) dst(%arg9 : memref<160x96xf32, #tpu.memory_space<vmem>>)
      tpu.yield
    }) : () -> ()
    %get3A = arith.constant 0 : i32
    %get3A_3 = arith.index_cast %get3A : i32 to index
    %get3A_4 = arith.constant 0 : index
    %get3A_5 = tpu.vector_load %arg7[%get3A_3, %get3A_4] {strides = array<i32>} : memref<162x16xf32, #tpu.memory_space<vmem>>, vector<16xf32>,
    %slice3A = vector.extract_strided_slice %get3A_5 {offsets = [1], sizes = [1], strides = [1]} : vector<16xf32> to vector<1xf32>
    %squeeze3A = vector.extract %slice3A[0] : f32 from vector<1xf32>
    %add3A_6 = arith.constant 0x4B400000 : f32
    %add3A_7 = arith.addf %squeeze3A, %add3A_6 : f32
    %sub3A = arith.constant 0x4B400000 : f32
    %sub3A_8 = arith.subf %add3A_7, %sub3A : f32
    %convert_element_type3A = arith.fptosi %sub3A_8 : f32 to i32
    %slice3A_9 = vector.extract_strided_slice %get3A_5 {offsets = [0], sizes = [1], strides = [1]} : vector<16xf32> to vector<1xf32>
    %squeeze3A_10 = vector.extract %slice3A_9[0] : f32 from vector<1xf32>
    %add3A_11 = arith.constant 0x4B400000 : f32
    %add3A_12 = arith.addf %squeeze3A_10, %add3A_11 : f32
    %sub3A_13 = arith.constant 0x4B400000 : f32
    %sub3A_14 = arith.subf %add3A_12, %sub3A_13 : f32
    %convert_element_type3A_15 = arith.fptosi %sub3A_14 : f32 to i32
    %sub3A_16 = arith.constant 15 : i32
    %sub3A_17 = arith.subi %convert_element_type3A, %sub3A_16 : i32
    %max3A = arith.constant 0 : i32
    %max3A_18 = arith.maxsi %sub3A_17, %max3A : i32
    %min3A = arith.constant 769 : i32
    %min3A_19 = arith.minsi %max3A_18, %min3A : i32
    %sub3A_20 = arith.constant 15 : i32
    %sub3A_21 = arith.subi %convert_element_type3A_15, %sub3A_20 : i32
    %max3A_22 = arith.constant 0 : i32
    %max3A_23 = arith.maxsi %sub3A_21, %max3A_22 : i32
    %min3A_24 = arith.constant 760 : i32
    %min3A_25 = arith.minsi %max3A_23, %min3A_24 : i32
    %shift_right_arithmetic3A = arith.constant 3 : i32
    %shift_right_arithmetic3A_26 = arith.shrsi %min3A_25, %shift_right_arithmetic3A : i32
    %shift_left3A = arith.constant 3 : i32
    %shift_left3A_27 = arith.shli %shift_right_arithmetic3A_26, %shift_left3A : i32
    %multiple_of3A = tpu.assume_multiple %shift_left3A_27, 8 : i32
    %dma_start3A = arith.constant 0 : i32
    %dma_start3A_28 = arith.constant 0 : i32
    %dma_start3A_29 = tpu.memref_slice %arg11[%dma_start3A, %dma_start3A_28] : memref<124x40xf32, #tpu.memory_space<vmem>> -> memref<31x40xf32, #tpu.memory_space<vmem>>
    %dma_start3A_30 = tpu.memref_slice %arg2[%min3A_19, %multiple_of3A] : memref<800x800xf32, #tpu.memory_space<hbm>> -> memref<31x40xf32, #tpu.memory_space<hbm>>
    %dma_start3A_31 = arith.constant 0 : i32
    %dma_start3A_32 = arith.constant 0 : i32
    %dma_start3A_33 = tpu.memref_slice %arg11[%dma_start3A_31, %dma_start3A_32] : memref<124x40xf32, #tpu.memory_space<vmem>> -> memref<31x40xf32, #tpu.memory_space<vmem>>
    %dma_start3A_34 = tpu.memref_slice %arg2[%min3A_19, %multiple_of3A] : memref<800x800xf32, #tpu.memory_space<hbm>> -> memref<31x40xf32, #tpu.memory_space<hbm>>
    tpu.enqueue_dma source(%dma_start3A_34 : memref<31x40xf32, #tpu.memory_space<hbm>>) target(%dma_start3A_33 : memref<31x40xf32, #tpu.memory_space<vmem>>) target_semaphore(%arg13 : memref<!tpu.dma_semaphore, #tpu.memory_space<semaphore_mem>>)
    %get3A_35 = arith.constant 1 : i32
    %get3A_36 = arith.index_cast %get3A_35 : i32 to index
    %get3A_37 = arith.constant 0 : index
    %get3A_38 = tpu.vector_load %arg7[%get3A_36, %get3A_37] {strides = array<i32>} : memref<162x16xf32, #tpu.memory_space<vmem>>, vector<16xf32>,
    %slice3A_39 = vector.extract_strided_slice %get3A_38 {offsets = [1], sizes = [1], strides = [1]} : vector<16xf32> to vector<1xf32>
    %squeeze3A_40 = vector.extract %slice3A_39[0] : f32 from vector<1xf32>
    %add3A_41 = arith.constant 0x4B400000 : f32
    %add3A_42 = arith.addf %squeeze3A_40, %add3A_41 : f32
    %sub3A_43 = arith.constant 0x4B400000 : f32
    %sub3A_44 = arith.subf %add3A_42, %sub3A_43 : f32
    %convert_element_type3A_45 = arith.fptosi %sub3A_44 : f32 to i32
    %slice3A_46 = vector.extract_strided_slice %get3A_38 {offsets = [0], sizes = [1], strides = [1]} : vector<16xf32> to vector<1xf32>
    %squeeze3A_47 = vector.extract %slice3A_46[0] : f32 from vector<1xf32>
    %add3A_48 = arith.constant 0x4B400000 : f32
    %add3A_49 = arith.addf %squeeze3A_47, %add3A_48 : f32
    %sub3A_50 = arith.constant 0x4B400000 : f32
    %sub3A_51 = arith.subf %add3A_49, %sub3A_50 : f32
    %convert_element_type3A_52 = arith.fptosi %sub3A_51 : f32 to i32
    %sub3A_53 = arith.constant 15 : i32
    %sub3A_54 = arith.subi %convert_element_type3A_45, %sub3A_53 : i32
    %max3A_55 = arith.constant 0 : i32
    %max3A_56 = arith.maxsi %sub3A_54, %max3A_55 : i32
    %min3A_57 = arith.constant 769 : i32
    %min3A_58 = arith.minsi %max3A_56, %min3A_57 : i32
    %sub3A_59 = arith.constant 15 : i32
    %sub3A_60 = arith.subi %convert_element_type3A_52, %sub3A_59 : i32
    %max3A_61 = arith.constant 0 : i32
    %max3A_62 = arith.maxsi %sub3A_60, %max3A_61 : i32
    %min3A_63 = arith.constant 760 : i32
    %min3A_64 = arith.minsi %max3A_62, %min3A_63 : i32
    %shift_right_arithmetic3A_65 = arith.constant 3 : i32
    %shift_right_arithmetic3A_66 = arith.shrsi %min3A_64, %shift_right_arithmetic3A_65 : i32
    %shift_left3A_67 = arith.constant 3 : i32
    %shift_left3A_68 = arith.shli %shift_right_arithmetic3A_66, %shift_left3A_67 : i32
    %multiple_of3A_69 = tpu.assume_multiple %shift_left3A_68, 8 : i32
    %dma_start3A_70 = arith.constant 31 : i32
    %dma_start3A_71 = arith.constant 0 : i32
    %dma_start3A_72 = tpu.memref_slice %arg11[%dma_start3A_70, %dma_start3A_71] : memref<124x40xf32, #tpu.memory_space<vmem>> -> memref<31x40xf32, #tpu.memory_space<vmem>>
    %dma_start3A_73 = tpu.memref_slice %arg2[%min3A_58, %multiple_of3A_69] : memref<800x800xf32, #tpu.memory_space<hbm>> -> memref<31x40xf32, #tpu.memory_space<hbm>>
    %dma_start3A_74 = arith.constant 31 : i32
    %dma_start3A_75 = arith.constant 0 : i32
    %dma_start3A_76 = tpu.memref_slice %arg11[%dma_start3A_74, %dma_start3A_75] : memref<124x40xf32, #tpu.memory_space<vmem>> -> memref<31x40xf32, #tpu.memory_space<vmem>>
    %dma_start3A_77 = tpu.memref_slice %arg2[%min3A_58, %multiple_of3A_69] : memref<800x800xf32, #tpu.memory_space<hbm>> -> memref<31x40xf32, #tpu.memory_space<hbm>>
    tpu.enqueue_dma source(%dma_start3A_77 : memref<31x40xf32, #tpu.memory_space<hbm>>) target(%dma_start3A_76 : memref<31x40xf32, #tpu.memory_space<vmem>>) target_semaphore(%arg14 : memref<!tpu.dma_semaphore, #tpu.memory_space<semaphore_mem>>)
    %get3A_78 = arith.constant 2 : i32
    %get3A_79 = arith.index_cast %get3A_78 : i32 to index
    %get3A_80 = arith.constant 0 : index
    %get3A_81 = tpu.vector_load %arg7[%get3A_79, %get3A_80] {strides = array<i32>} : memref<162x16xf32, #tpu.memory_space<vmem>>, vector<16xf32>,
    %slice3A_82 = vector.extract_strided_slice %get3A_81 {offsets = [1], sizes = [1], strides = [1]} : vector<16xf32> to vector<1xf32>
    %squeeze3A_83 = vector.extract %slice3A_82[0] : f32 from vector<1xf32>
    %add3A_84 = arith.constant 0x4B400000 : f32
    %add3A_85 = arith.addf %squeeze3A_83, %add3A_84 : f32
    %sub3A_86 = arith.constant 0x4B400000 : f32
    %sub3A_87 = arith.subf %add3A_85, %sub3A_86 : f32
    %convert_element_type3A_88 = arith.fptosi %sub3A_87 : f32 to i32
    %slice3A_89 = vector.extract_strided_slice %get3A_81 {offsets = [0], sizes = [1], strides = [1]} : vector<16xf32> to vector<1xf32>
    %squeeze3A_90 = vector.extract %slice3A_89[0] : f32 from vector<1xf32>
    %add3A_91 = arith.constant 0x4B400000 : f32
    %add3A_92 = arith.addf %squeeze3A_90, %add3A_91 : f32
    %sub3A_93 = arith.constant 0x4B400000 : f32
    %sub3A_94 = arith.subf %add3A_92, %sub3A_93 : f32
    %convert_element_type3A_95 = arith.fptosi %sub3A_94 : f32 to i32
    %sub3A_96 = arith.constant 15 : i32
    %sub3A_97 = arith.subi %convert_element_type3A_88, %sub3A_96 : i32
    %max3A_98 = arith.constant 0 : i32
    %max3A_99 = arith.maxsi %sub3A_97, %max3A_98 : i32
    %min3A_100 = arith.constant 769 : i32
    %min3A_101 = arith.minsi %max3A_99, %min3A_100 : i32
    %sub3A_102 = arith.constant 15 : i32
    %sub3A_103 = arith.subi %convert_element_type3A_95, %sub3A_102 : i32
    %max3A_104 = arith.constant 0 : i32
    %max3A_105 = arith.maxsi %sub3A_103, %max3A_104 : i32
    %min3A_106 = arith.constant 760 : i32
    %min3A_107 = arith.minsi %max3A_105, %min3A_106 : i32
    %shift_right_arithmetic3A_108 = arith.constant 3 : i32
    %shift_right_arithmetic3A_109 = arith.shrsi %min3A_107, %shift_right_arithmetic3A_108 : i32
    %shift_left3A_110 = arith.constant 3 : i32
    %shift_left3A_111 = arith.shli %shift_right_arithmetic3A_109, %shift_left3A_110 : i32
    %multiple_of3A_112 = tpu.assume_multiple %shift_left3A_111, 8 : i32
    %dma_start3A_113 = arith.constant 62 : i32
    %dma_start3A_114 = arith.constant 0 : i32
    %dma_start3A_115 = tpu.memref_slice %arg11[%dma_start3A_113, %dma_start3A_114] : memref<124x40xf32, #tpu.memory_space<vmem>> -> memref<31x40xf32, #tpu.memory_space<vmem>>
    %dma_start3A_116 = tpu.memref_slice %arg2[%min3A_101, %multiple_of3A_112] : memref<800x800xf32, #tpu.memory_space<hbm>> -> memref<31x40xf32, #tpu.memory_space<hbm>>
    %dma_start3A_117 = arith.constant 62 : i32
    %dma_start3A_118 = arith.constant 0 : i32
    %dma_start3A_119 = tpu.memref_slice %arg11[%dma_start3A_117, %dma_start3A_118] : memref<124x40xf32, #tpu.memory_space<vmem>> -> memref<31x40xf32, #tpu.memory_space<vmem>>
    %dma_start3A_120 = tpu.memref_slice %arg2[%min3A_101, %multiple_of3A_112] : memref<800x800xf32, #tpu.memory_space<hbm>> -> memref<31x40xf32, #tpu.memory_space<hbm>>
    tpu.enqueue_dma source(%dma_start3A_120 : memref<31x40xf32, #tpu.memory_space<hbm>>) target(%dma_start3A_119 : memref<31x40xf32, #tpu.memory_space<vmem>>) target_semaphore(%arg15 : memref<!tpu.dma_semaphore, #tpu.memory_space<semaphore_mem>>)
    %get3A_121 = arith.constant 3 : i32
    %get3A_122 = arith.index_cast %get3A_121 : i32 to index
    %get3A_123 = arith.constant 0 : index
    %get3A_124 = tpu.vector_load %arg7[%get3A_122, %get3A_123] {strides = array<i32>} : memref<162x16xf32, #tpu.memory_space<vmem>>, vector<16xf32>,
    %slice3A_125 = vector.extract_strided_slice %get3A_124 {offsets = [1], sizes = [1], strides = [1]} : vector<16xf32> to vector<1xf32>
    %squeeze3A_126 = vector.extract %slice3A_125[0] : f32 from vector<1xf32>
    %add3A_127 = arith.constant 0x4B400000 : f32
    %add3A_128 = arith.addf %squeeze3A_126, %add3A_127 : f32
    %sub3A_129 = arith.constant 0x4B400000 : f32
    %sub3A_130 = arith.subf %add3A_128, %sub3A_129 : f32
    %convert_element_type3A_131 = arith.fptosi %sub3A_130 : f32 to i32
    %slice3A_132 = vector.extract_strided_slice %get3A_124 {offsets = [0], sizes = [1], strides = [1]} : vector<16xf32> to vector<1xf32>
    %squeeze3A_133 = vector.extract %slice3A_132[0] : f32 from vector<1xf32>
    %add3A_134 = arith.constant 0x4B400000 : f32
    %add3A_135 = arith.addf %squeeze3A_133, %add3A_134 : f32
    %sub3A_136 = arith.constant 0x4B400000 : f32
    %sub3A_137 = arith.subf %add3A_135, %sub3A_136 : f32
    %convert_element_type3A_138 = arith.fptosi %sub3A_137 : f32 to i32
    %sub3A_139 = arith.constant 15 : i32
    %sub3A_140 = arith.subi %convert_element_type3A_131, %sub3A_139 : i32
    %max3A_141 = arith.constant 0 : i32
    %max3A_142 = arith.maxsi %sub3A_140, %max3A_141 : i32
    %min3A_143 = arith.constant 769 : i32
    %min3A_144 = arith.minsi %max3A_142, %min3A_143 : i32
    %sub3A_145 = arith.constant 15 : i32
    %sub3A_146 = arith.subi %convert_element_type3A_138, %sub3A_145 : i32
    %max3A_147 = arith.constant 0 : i32
    %max3A_148 = arith.maxsi %sub3A_146, %max3A_147 : i32
    %min3A_149 = arith.constant 760 : i32
    %min3A_150 = arith.minsi %max3A_148, %min3A_149 : i32
    %shift_right_arithmetic3A_151 = arith.constant 3 : i32
    %shift_right_arithmetic3A_152 = arith.shrsi %min3A_150, %shift_right_arithmetic3A_151 : i32
    %shift_left3A_153 = arith.constant 3 : i32
    %shift_left3A_154 = arith.shli %shift_right_arithmetic3A_152, %shift_left3A_153 : i32
    %multiple_of3A_155 = tpu.assume_multiple %shift_left3A_154, 8 : i32
    %dma_start3A_156 = arith.constant 93 : i32
    %dma_start3A_157 = arith.constant 0 : i32
    %dma_start3A_158 = tpu.memref_slice %arg11[%dma_start3A_156, %dma_start3A_157] : memref<124x40xf32, #tpu.memory_space<vmem>> -> memref<31x40xf32, #tpu.memory_space<vmem>>
    %dma_start3A_159 = tpu.memref_slice %arg2[%min3A_144, %multiple_of3A_155] : memref<800x800xf32, #tpu.memory_space<hbm>> -> memref<31x40xf32, #tpu.memory_space<hbm>>
    %dma_start3A_160 = arith.constant 93 : i32
    %dma_start3A_161 = arith.constant 0 : i32
    %dma_start3A_162 = tpu.memref_slice %arg11[%dma_start3A_160, %dma_start3A_161] : memref<124x40xf32, #tpu.memory_space<vmem>> -> memref<31x40xf32, #tpu.memory_space<vmem>>
    %dma_start3A_163 = tpu.memref_slice %arg2[%min3A_144, %multiple_of3A_155] : memref<800x800xf32, #tpu.memory_space<hbm>> -> memref<31x40xf32, #tpu.memory_space<hbm>>
    tpu.enqueue_dma source(%dma_start3A_163 : memref<31x40xf32, #tpu.memory_space<hbm>>) target(%dma_start3A_162 : memref<31x40xf32, #tpu.memory_space<vmem>>) target_semaphore(%arg16 : memref<!tpu.dma_semaphore, #tpu.memory_space<semaphore_mem>>)
    %scan3A = arith.constant 0 : i32
    %scan3A_164 = arith.constant 0 : i32
    %scan3A_165 = arith.constant 160 : i32
    %scan3A_166 = arith.addi %scan3A_164, %scan3A_165 : i32
    %scan3A_167 = arith.constant 1 : i32
    scf.for %scan3A_169 = %scan3A_164 to %scan3A_166 step %scan3A_167  : i32 {
      %rem3A = arith.constant 4 : i32
      %rem3A_170 = arith.remsi %scan3A_169, %rem3A : i32
      %eq3A = arith.constant 0 : i32
      %eq3A_171 = arith.cmpi eq, %rem3A_170, %eq3A : i32
      %convert_element_type3A_172 = arith.extui %eq3A_171 : i1 to i32
      %cond3A = arith.constant 0 : i32
      %cond3A_173 = arith.cmpi ne, %convert_element_type3A_172, %cond3A : i32
      scf.if %cond3A_173 {
        %dma_wait3A = arith.constant 0 : i32
        %dma_wait3A_306 = arith.constant 0 : i32
        %dma_wait3A_307 = tpu.memref_slice %arg11[%dma_wait3A, %dma_wait3A_306] : memref<124x40xf32, #tpu.memory_space<vmem>> -> memref<31x40xf32, #tpu.memory_space<vmem>>
        %dma_wait3A_308 = arith.constant 0 : i32
        %dma_wait3A_309 = arith.constant 0 : i32
        %dma_wait3A_310 = tpu.memref_slice %arg2[%dma_wait3A_308, %dma_wait3A_309] : memref<800x800xf32, #tpu.memory_space<hbm>> -> memref<31x40xf32, #tpu.memory_space<hbm>>
        %dma_wait3A_311 = arith.constant 0 : i32
        %dma_wait3A_312 = arith.constant 0 : i32
        %dma_wait3A_313 = tpu.memref_slice %arg11[%dma_wait3A_311, %dma_wait3A_312] : memref<124x40xf32, #tpu.memory_space<vmem>> -> memref<31x40xf32, #tpu.memory_space<vmem>>
        %dma_wait3A_314 = arith.constant 0 : i32
        %dma_wait3A_315 = arith.constant 0 : i32
        %dma_wait3A_316 = tpu.memref_slice %arg2[%dma_wait3A_314, %dma_wait3A_315] : memref<800x800xf32, #tpu.memory_space<hbm>> -> memref<31x40xf32, #tpu.memory_space<hbm>>
        tpu.wait_dma2 semaphore(%arg13 : memref<!tpu.dma_semaphore, #tpu.memory_space<semaphore_mem>>) src(%dma_wait3A_316 : memref<31x40xf32, #tpu.memory_space<hbm>>) dst(%dma_wait3A_313 : memref<31x40xf32, #tpu.memory_space<vmem>>)
      } else {
      }
      %eq3A_174 = arith.constant 1 : i32
      %eq3A_175 = arith.cmpi eq, %rem3A_170, %eq3A_174 : i32
      %convert_element_type3A_176 = arith.extui %eq3A_175 : i1 to i32
      %cond3A_177 = arith.constant 0 : i32
      %cond3A_178 = arith.cmpi ne, %convert_element_type3A_176, %cond3A_177 : i32
      scf.if %cond3A_178 {
        %dma_wait3A = arith.constant 31 : i32
        %dma_wait3A_306 = arith.constant 0 : i32
        %dma_wait3A_307 = tpu.memref_slice %arg11[%dma_wait3A, %dma_wait3A_306] : memref<124x40xf32, #tpu.memory_space<vmem>> -> memref<31x40xf32, #tpu.memory_space<vmem>>
        %dma_wait3A_308 = arith.constant 0 : i32
        %dma_wait3A_309 = arith.constant 0 : i32
        %dma_wait3A_310 = tpu.memref_slice %arg2[%dma_wait3A_308, %dma_wait3A_309] : memref<800x800xf32, #tpu.memory_space<hbm>> -> memref<31x40xf32, #tpu.memory_space<hbm>>
        %dma_wait3A_311 = arith.constant 31 : i32
        %dma_wait3A_312 = arith.constant 0 : i32
        %dma_wait3A_313 = tpu.memref_slice %arg11[%dma_wait3A_311, %dma_wait3A_312] : memref<124x40xf32, #tpu.memory_space<vmem>> -> memref<31x40xf32, #tpu.memory_space<vmem>>
        %dma_wait3A_314 = arith.constant 0 : i32
        %dma_wait3A_315 = arith.constant 0 : i32
        %dma_wait3A_316 = tpu.memref_slice %arg2[%dma_wait3A_314, %dma_wait3A_315] : memref<800x800xf32, #tpu.memory_space<hbm>> -> memref<31x40xf32, #tpu.memory_space<hbm>>
        tpu.wait_dma2 semaphore(%arg14 : memref<!tpu.dma_semaphore, #tpu.memory_space<semaphore_mem>>) src(%dma_wait3A_316 : memref<31x40xf32, #tpu.memory_space<hbm>>) dst(%dma_wait3A_313 : memref<31x40xf32, #tpu.memory_space<vmem>>)
      } else {
      }
      %eq3A_179 = arith.constant 2 : i32
      %eq3A_180 = arith.cmpi eq, %rem3A_170, %eq3A_179 : i32
      %convert_element_type3A_181 = arith.extui %eq3A_180 : i1 to i32
      %cond3A_182 = arith.constant 0 : i32
      %cond3A_183 = arith.cmpi ne, %convert_element_type3A_181, %cond3A_182 : i32
      scf.if %cond3A_183 {
        %dma_wait3A = arith.constant 62 : i32
        %dma_wait3A_306 = arith.constant 0 : i32
        %dma_wait3A_307 = tpu.memref_slice %arg11[%dma_wait3A, %dma_wait3A_306] : memref<124x40xf32, #tpu.memory_space<vmem>> -> memref<31x40xf32, #tpu.memory_space<vmem>>
        %dma_wait3A_308 = arith.constant 0 : i32
        %dma_wait3A_309 = arith.constant 0 : i32
        %dma_wait3A_310 = tpu.memref_slice %arg2[%dma_wait3A_308, %dma_wait3A_309] : memref<800x800xf32, #tpu.memory_space<hbm>> -> memref<31x40xf32, #tpu.memory_space<hbm>>
        %dma_wait3A_311 = arith.constant 62 : i32
        %dma_wait3A_312 = arith.constant 0 : i32
        %dma_wait3A_313 = tpu.memref_slice %arg11[%dma_wait3A_311, %dma_wait3A_312] : memref<124x40xf32, #tpu.memory_space<vmem>> -> memref<31x40xf32, #tpu.memory_space<vmem>>
        %dma_wait3A_314 = arith.constant 0 : i32
        %dma_wait3A_315 = arith.constant 0 : i32
        %dma_wait3A_316 = tpu.memref_slice %arg2[%dma_wait3A_314, %dma_wait3A_315] : memref<800x800xf32, #tpu.memory_space<hbm>> -> memref<31x40xf32, #tpu.memory_space<hbm>>
        tpu.wait_dma2 semaphore(%arg15 : memref<!tpu.dma_semaphore, #tpu.memory_space<semaphore_mem>>) src(%dma_wait3A_316 : memref<31x40xf32, #tpu.memory_space<hbm>>) dst(%dma_wait3A_313 : memref<31x40xf32, #tpu.memory_space<vmem>>)
      } else {
      }
      %eq3A_184 = arith.constant 3 : i32
      %eq3A_185 = arith.cmpi eq, %rem3A_170, %eq3A_184 : i32
      %convert_element_type3A_186 = arith.extui %eq3A_185 : i1 to i32
      %cond3A_187 = arith.constant 0 : i32
      %cond3A_188 = arith.cmpi ne, %convert_element_type3A_186, %cond3A_187 : i32
      scf.if %cond3A_188 {
        %dma_wait3A = arith.constant 93 : i32
        %dma_wait3A_306 = arith.constant 0 : i32
        %dma_wait3A_307 = tpu.memref_slice %arg11[%dma_wait3A, %dma_wait3A_306] : memref<124x40xf32, #tpu.memory_space<vmem>> -> memref<31x40xf32, #tpu.memory_space<vmem>>
        %dma_wait3A_308 = arith.constant 0 : i32
        %dma_wait3A_309 = arith.constant 0 : i32
        %dma_wait3A_310 = tpu.memref_slice %arg2[%dma_wait3A_308, %dma_wait3A_309] : memref<800x800xf32, #tpu.memory_space<hbm>> -> memref<31x40xf32, #tpu.memory_space<hbm>>
        %dma_wait3A_311 = arith.constant 93 : i32
        %dma_wait3A_312 = arith.constant 0 : i32
        %dma_wait3A_313 = tpu.memref_slice %arg11[%dma_wait3A_311, %dma_wait3A_312] : memref<124x40xf32, #tpu.memory_space<vmem>> -> memref<31x40xf32, #tpu.memory_space<vmem>>
        %dma_wait3A_314 = arith.constant 0 : i32
        %dma_wait3A_315 = arith.constant 0 : i32
        %dma_wait3A_316 = tpu.memref_slice %arg2[%dma_wait3A_314, %dma_wait3A_315] : memref<800x800xf32, #tpu.memory_space<hbm>> -> memref<31x40xf32, #tpu.memory_space<hbm>>
        tpu.wait_dma2 semaphore(%arg16 : memref<!tpu.dma_semaphore, #tpu.memory_space<semaphore_mem>>) src(%dma_wait3A_316 : memref<31x40xf32, #tpu.memory_space<hbm>>) dst(%dma_wait3A_313 : memref<31x40xf32, #tpu.memory_space<vmem>>)
      } else {
      }
      %mul3A_189 = arith.constant 31 : i32
      %mul3A_190 = arith.muli %rem3A_170, %mul3A_189 : i32
      %get3A_191 = arith.index_cast %scan3A_169 : i32 to index
      %get3A_192 = arith.constant 0 : index
      %get3A_193 = tpu.vector_load %arg7[%get3A_191, %get3A_192] {strides = array<i32>} : memref<162x16xf32, #tpu.memory_space<vmem>>, vector<16xf32>,
      %slice3A_194 = vector.extract_strided_slice %get3A_193 {offsets = [0], sizes = [1], strides = [1]} : vector<16xf32> to vector<1xf32>
      %squeeze3A_195 = vector.extract %slice3A_194[0] : f32 from vector<1xf32>
      %slice3A_196 = vector.extract_strided_slice %get3A_193 {offsets = [1], sizes = [1], strides = [1]} : vector<16xf32> to vector<1xf32>
      %squeeze3A_197 = vector.extract %slice3A_196[0] : f32 from vector<1xf32>
      %get3A_198 = arith.index_cast %scan3A_169 : i32 to index
      %get3A_199 = arith.constant 0 : index
      %get3A_200 = tpu.vector_load %arg7[%get3A_198, %get3A_199] {strides = array<i32>} : memref<162x16xf32, #tpu.memory_space<vmem>>, vector<16xf32>,
      %slice3A_201 = vector.extract_strided_slice %get3A_200 {offsets = [1], sizes = [1], strides = [1]} : vector<16xf32> to vector<1xf32>
      %squeeze3A_202 = vector.extract %slice3A_201[0] : f32 from vector<1xf32>
      %add3A_203 = arith.constant 0x4B400000 : f32
      %add3A_204 = arith.addf %squeeze3A_202, %add3A_203 : f32
      %sub3A_205 = arith.constant 0x4B400000 : f32
      %sub3A_206 = arith.subf %add3A_204, %sub3A_205 : f32
      %convert_element_type3A_207 = arith.fptosi %sub3A_206 : f32 to i32
      %slice3A_208 = vector.extract_strided_slice %get3A_200 {offsets = [0], sizes = [1], strides = [1]} : vector<16xf32> to vector<1xf32>
      %squeeze3A_209 = vector.extract %slice3A_208[0] : f32 from vector<1xf32>
      %add3A_210 = arith.constant 0x4B400000 : f32
      %add3A_211 = arith.addf %squeeze3A_209, %add3A_210 : f32
      %sub3A_212 = arith.constant 0x4B400000 : f32
      %sub3A_213 = arith.subf %add3A_211, %sub3A_212 : f32
      %convert_element_type3A_214 = arith.fptosi %sub3A_213 : f32 to i32
      %sub3A_215 = arith.constant 15 : i32
      %sub3A_216 = arith.subi %convert_element_type3A_207, %sub3A_215 : i32
      %max3A_217 = arith.constant 0 : i32
      %max3A_218 = arith.maxsi %sub3A_216, %max3A_217 : i32
      %min3A_219 = arith.constant 769 : i32
      %min3A_220 = arith.minsi %max3A_218, %min3A_219 : i32
      %sub3A_221 = arith.constant 15 : i32
      %sub3A_222 = arith.subi %convert_element_type3A_214, %sub3A_221 : i32
      %max3A_223 = arith.constant 0 : i32
      %max3A_224 = arith.maxsi %sub3A_222, %max3A_223 : i32
      %min3A_225 = arith.constant 760 : i32
      %min3A_226 = arith.minsi %max3A_224, %min3A_225 : i32
      %shift_right_arithmetic3A_227 = arith.constant 3 : i32
      %shift_right_arithmetic3A_228 = arith.shrsi %min3A_226, %shift_right_arithmetic3A_227 : i32
      %shift_left3A_229 = arith.constant 3 : i32
      %shift_left3A_230 = arith.shli %shift_right_arithmetic3A_228, %shift_left3A_229 : i32
      %sub3A_231 = arith.subi %min3A_220, %mul3A_190 : i32
      %get3A_232 = arith.index_cast %scan3A_169 : i32 to index
      %get3A_233 = arith.constant 0 : index
      %get3A_234 = tpu.vector_load %arg8[%get3A_232, %get3A_233] {strides = array<i32>} : memref<160x96xf32, #tpu.memory_space<vmem>>, vector<16xf32>,
      %get3A_235 = arith.index_cast %scan3A_169 : i32 to index
      %get3A_236 = arith.constant 16 : index
      %get3A_237 = tpu.vector_load %arg8[%get3A_235, %get3A_236] {strides = array<i32>} : memref<160x96xf32, #tpu.memory_space<vmem>>, vector<16xf32>,
      %get3A_238 = arith.index_cast %scan3A_169 : i32 to index
      %get3A_239 = arith.constant 32 : index
      %get3A_240 = tpu.vector_load %arg8[%get3A_238, %get3A_239] {strides = array<i32>} : memref<160x96xf32, #tpu.memory_space<vmem>>, vector<16xf32>,
      %get3A_241 = arith.index_cast %scan3A_169 : i32 to index
      %get3A_242 = arith.constant 48 : index
      %get3A_243 = tpu.vector_load %arg8[%get3A_241, %get3A_242] {strides = array<i32>} : memref<160x96xf32, #tpu.memory_space<vmem>>, vector<16xf32>,
      %get3A_244 = arith.index_cast %scan3A_169 : i32 to index
      %get3A_245 = arith.constant 64 : index
      %get3A_246 = tpu.vector_load %arg8[%get3A_244, %get3A_245] {strides = array<i32>} : memref<160x96xf32, #tpu.memory_space<vmem>>, vector<16xf32>,
      %get3A_247 = arith.index_cast %scan3A_169 : i32 to index
      %get3A_248 = arith.constant 80 : index
      %get3A_249 = tpu.vector_load %arg8[%get3A_247, %get3A_248] {strides = array<i32>} : memref<160x96xf32, #tpu.memory_space<vmem>>, vector<16xf32>,
      %get3A_250 = arith.index_cast %scan3A_169 : i32 to index
      %get3A_251 = arith.constant 0 : index
      %get3A_252 = tpu.vector_load %arg9[%get3A_250, %get3A_251] {strides = array<i32>} : memref<160x96xf32, #tpu.memory_space<vmem>>, vector<16xf32>,
      %get3A_253 = arith.index_cast %scan3A_169 : i32 to index
      %get3A_254 = arith.constant 16 : index
      %get3A_255 = tpu.vector_load %arg9[%get3A_253, %get3A_254] {strides = array<i32>} : memref<160x96xf32, #tpu.memory_space<vmem>>, vector<16xf32>,
      %get3A_256 = arith.index_cast %scan3A_169 : i32 to index
      %get3A_257 = arith.constant 32 : index
      %get3A_258 = tpu.vector_load %arg9[%get3A_256, %get3A_257] {strides = array<i32>} : memref<160x96xf32, #tpu.memory_space<vmem>>, vector<16xf32>,
      %get3A_259 = arith.index_cast %scan3A_169 : i32 to index
      %get3A_260 = arith.constant 48 : index
      %get3A_261 = tpu.vector_load %arg9[%get3A_259, %get3A_260] {strides = array<i32>} : memref<160x96xf32, #tpu.memory_space<vmem>>, vector<16xf32>,
      %get3A_262 = arith.index_cast %scan3A_169 : i32 to index
      %get3A_263 = arith.constant 64 : index
      %get3A_264 = tpu.vector_load %arg9[%get3A_262, %get3A_263] {strides = array<i32>} : memref<160x96xf32, #tpu.memory_space<vmem>>, vector<16xf32>,
      %get3A_265 = arith.index_cast %scan3A_169 : i32 to index
      %get3A_266 = arith.constant 80 : index
      %get3A_267 = tpu.vector_load %arg9[%get3A_265, %get3A_266] {strides = array<i32>} : memref<160x96xf32, #tpu.memory_space<vmem>>, vector<16xf32>,
      %broadcast_in_dim3A = arith.constant 5.000000e+01 : f32
      %broadcast_in_dim3A_268 = vector.broadcast %broadcast_in_dim3A : f32 to vector<16xf32>
      %while3A = arith.constant 0 : i32
      %while3A_269:7 = scf.while (%while3A_306 = %while3A, %while3A_307 = %broadcast_in_dim3A_268, %while3A_308 = %broadcast_in_dim3A_268, %while3A_309 = %broadcast_in_dim3A_268, %while3A_310 = %broadcast_in_dim3A_268, %while3A_311 = %broadcast_in_dim3A_268, %while3A_312 = %broadcast_in_dim3A_268) : (i32, vector<16xf32>, vector<16xf32>, vector<16xf32>, vector<16xf32>, vector<16xf32>, vector<16xf32>) -> (i32, vector<16xf32>, vector<16xf32>, vector<16xf32>, vector<16xf32>, vector<16xf32>, vector<16xf32>) {
        %max3A_313 = arith.maximumf %while3A_307, %while3A_308 : vector<16xf32>
        %max3A_314 = arith.maximumf %max3A_313, %while3A_309 : vector<16xf32>
        %max3A_315 = arith.maximumf %max3A_314, %while3A_310 : vector<16xf32>
        %max3A_316 = arith.maximumf %max3A_315, %while3A_311 : vector<16xf32>
        %max3A_317 = arith.maximumf %max3A_316, %while3A_312 : vector<16xf32>
        %lt3A_318 = arith.constant 15 : i32
        %lt3A_319 = arith.cmpi slt, %while3A_306, %lt3A_318 : i32
        %ge3A_320 = arith.constant 5.000000e+01 : f32
        %ge3A_321 = vector.broadcast %ge3A_320 : f32 to vector<16xf32>
        %ge3A_322 = arith.cmpf oge, %max3A_317, %ge3A_321 : vector<16xf32>
        %all_reduce_population_count3A_323 = tpu.all_reduce %ge3A_322 {dim = 0 : i64, kind = #tpu.reduction_kind<sum>} : vector<16xi1> -> vector<16xi32>
        %slice3A_324 = vector.extract_strided_slice %all_reduce_population_count3A_323 {offsets = [0], sizes = [1], strides = [1]} : vector<16xi32> to vector<1xi32>
        %squeeze3A_325 = vector.extract %slice3A_324[0] : i32 from vector<1xi32>
        %gt3A_326 = arith.constant 0 : i32
        %gt3A_327 = arith.cmpi sgt, %squeeze3A_325, %gt3A_326 : i32
        %and3A = arith.andi %lt3A_319, %gt3A_327 : i1
        scf.condition(%and3A) %while3A_306, %while3A_307, %while3A_308, %while3A_309, %while3A_310, %while3A_311, %while3A_312 : i32, vector<16xf32>, vector<16xf32>, vector<16xf32>, vector<16xf32>, vector<16xf32>, vector<16xf32>
      } do {
      ^bb0(%while3A_306: i32, %while3A_307: vector<16xf32>, %while3A_308: vector<16xf32>, %while3A_309: vector<16xf32>, %while3A_310: vector<16xf32>, %while3A_311: vector<16xf32>, %while3A_312: vector<16xf32>):
        %add3A_313 = arith.constant 0 : i32
        %add3A_314 = arith.addi %while3A_306, %add3A_313 : i32
        %convert_element_type3A_315 = arith.sitofp %add3A_314 : i32 to f32
        %mul3A_316 = vector.broadcast %convert_element_type3A_315 : f32 to vector<16xf32>
        %mul3A_317 = arith.mulf %get3A_234, %mul3A_316 : vector<16xf32>
        %add3A_318 = vector.broadcast %squeeze3A_195 : f32 to vector<16xf32>
        %add3A_319 = arith.addf %add3A_318, %mul3A_317 : vector<16xf32>
        %mul3A_320 = vector.broadcast %convert_element_type3A_315 : f32 to vector<16xf32>
        %mul3A_321 = arith.mulf %get3A_252, %mul3A_320 : vector<16xf32>
        %add3A_322 = vector.broadcast %squeeze3A_197 : f32 to vector<16xf32>
        %add3A_323 = arith.addf %add3A_322, %mul3A_321 : vector<16xf32>
        %add3A_324 = arith.constant 0x4B400000 : f32
        %add3A_325 = vector.broadcast %add3A_324 : f32 to vector<16xf32>
        %add3A_326 = arith.addf %add3A_319, %add3A_325 : vector<16xf32>
        %sub3A_327 = arith.constant 0x4B400000 : f32
        %sub3A_328 = vector.broadcast %sub3A_327 : f32 to vector<16xf32>
        %sub3A_329 = arith.subf %add3A_326, %sub3A_328 : vector<16xf32>
        %convert_element_type3A_330 = arith.fptosi %sub3A_329 : vector<16xf32> to vector<16xi32>
        %add3A_331 = arith.constant 0x4B400000 : f32
        %add3A_332 = vector.broadcast %add3A_331 : f32 to vector<16xf32>
        %add3A_333 = arith.addf %add3A_323, %add3A_332 : vector<16xf32>
        %sub3A_334 = arith.constant 0x4B400000 : f32
        %sub3A_335 = vector.broadcast %sub3A_334 : f32 to vector<16xf32>
        %sub3A_336 = arith.subf %add3A_333, %sub3A_335 : vector<16xf32>
        %convert_element_type3A_337 = arith.fptosi %sub3A_336 : vector<16xf32> to vector<16xi32>
        %sub3A_338 = vector.broadcast %sub3A_231 : i32 to vector<16xi32>
        %sub3A_339 = arith.subi %convert_element_type3A_337, %sub3A_338 : vector<16xi32>
        %sub3A_340 = vector.broadcast %shift_left3A_230 : i32 to vector<16xi32>
        %sub3A_341 = arith.subi %convert_element_type3A_330, %sub3A_340 : vector<16xi32>
        %gather3A = tpu.vector_load_idx %arg11[%sub3A_339, %sub3A_341] : memref<124x40xf32, #tpu.memory_space<vmem>>[vector<16xi32>, vector<16xi32>], vector<16xf32>,
        %gt3A_342 = arith.constant 3.500000e-01 : f32
        %gt3A_343 = vector.broadcast %gt3A_342 : f32 to vector<16xf32>
        %gt3A_344 = arith.cmpf ogt, %gather3A, %gt3A_343 : vector<16xf32>
        %jit3A = arith.constant 5.000000e+01 : f32
        %broadcast_in_dim3A_345 = vector.broadcast %convert_element_type3A_315 : f32 to vector<16xf32>
        %broadcast_in_dim3A_346 = vector.broadcast %jit3A : f32 to vector<16xf32>
        %select_n3A = arith.select %gt3A_344, %broadcast_in_dim3A_345, %broadcast_in_dim3A_346 : vector<16xi1>, vector<16xf32>
        %min3A_347 = arith.minimumf %while3A_307, %select_n3A : vector<16xf32>
        %mul3A_348 = vector.broadcast %convert_element_type3A_315 : f32 to vector<16xf32>
        %mul3A_349 = arith.mulf %get3A_237, %mul3A_348 : vector<16xf32>
        %add3A_350 = vector.broadcast %squeeze3A_195 : f32 to vector<16xf32>
        %add3A_351 = arith.addf %add3A_350, %mul3A_349 : vector<16xf32>
        %mul3A_352 = vector.broadcast %convert_element_type3A_315 : f32 to vector<16xf32>
        %mul3A_353 = arith.mulf %get3A_255, %mul3A_352 : vector<16xf32>
        %add3A_354 = vector.broadcast %squeeze3A_197 : f32 to vector<16xf32>
        %add3A_355 = arith.addf %add3A_354, %mul3A_353 : vector<16xf32>
        %add3A_356 = arith.constant 0x4B400000 : f32
        %add3A_357 = vector.broadcast %add3A_356 : f32 to vector<16xf32>
        %add3A_358 = arith.addf %add3A_351, %add3A_357 : vector<16xf32>
        %sub3A_359 = arith.constant 0x4B400000 : f32
        %sub3A_360 = vector.broadcast %sub3A_359 : f32 to vector<16xf32>
        %sub3A_361 = arith.subf %add3A_358, %sub3A_360 : vector<16xf32>
        %convert_element_type3A_362 = arith.fptosi %sub3A_361 : vector<16xf32> to vector<16xi32>
        %add3A_363 = arith.constant 0x4B400000 : f32
        %add3A_364 = vector.broadcast %add3A_363 : f32 to vector<16xf32>
        %add3A_365 = arith.addf %add3A_355, %add3A_364 : vector<16xf32>
        %sub3A_366 = arith.constant 0x4B400000 : f32
        %sub3A_367 = vector.broadcast %sub3A_366 : f32 to vector<16xf32>
        %sub3A_368 = arith.subf %add3A_365, %sub3A_367 : vector<16xf32>
        %convert_element_type3A_369 = arith.fptosi %sub3A_368 : vector<16xf32> to vector<16xi32>
        %sub3A_370 = vector.broadcast %sub3A_231 : i32 to vector<16xi32>
        %sub3A_371 = arith.subi %convert_element_type3A_369, %sub3A_370 : vector<16xi32>
        %sub3A_372 = vector.broadcast %shift_left3A_230 : i32 to vector<16xi32>
        %sub3A_373 = arith.subi %convert_element_type3A_362, %sub3A_372 : vector<16xi32>
        %gather3A_374 = tpu.vector_load_idx %arg11[%sub3A_371, %sub3A_373] : memref<124x40xf32, #tpu.memory_space<vmem>>[vector<16xi32>, vector<16xi32>], vector<16xf32>,
        %gt3A_375 = arith.constant 3.500000e-01 : f32
        %gt3A_376 = vector.broadcast %gt3A_375 : f32 to vector<16xf32>
        %gt3A_377 = arith.cmpf ogt, %gather3A_374, %gt3A_376 : vector<16xf32>
        %jit3A_378 = arith.constant 5.000000e+01 : f32
        %broadcast_in_dim3A_379 = vector.broadcast %convert_element_type3A_315 : f32 to vector<16xf32>
        %broadcast_in_dim3A_380 = vector.broadcast %jit3A_378 : f32 to vector<16xf32>
        %select_n3A_381 = arith.select %gt3A_377, %broadcast_in_dim3A_379, %broadcast_in_dim3A_380 : vector<16xi1>, vector<16xf32>
        %min3A_382 = arith.minimumf %while3A_308, %select_n3A_381 : vector<16xf32>
        %mul3A_383 = vector.broadcast %convert_element_type3A_315 : f32 to vector<16xf32>
        %mul3A_384 = arith.mulf %get3A_240, %mul3A_383 : vector<16xf32>
        %add3A_385 = vector.broadcast %squeeze3A_195 : f32 to vector<16xf32>
        %add3A_386 = arith.addf %add3A_385, %mul3A_384 : vector<16xf32>
        %mul3A_387 = vector.broadcast %convert_element_type3A_315 : f32 to vector<16xf32>
        %mul3A_388 = arith.mulf %get3A_258, %mul3A_387 : vector<16xf32>
        %add3A_389 = vector.broadcast %squeeze3A_197 : f32 to vector<16xf32>
        %add3A_390 = arith.addf %add3A_389, %mul3A_388 : vector<16xf32>
        %add3A_391 = arith.constant 0x4B400000 : f32
        %add3A_392 = vector.broadcast %add3A_391 : f32 to vector<16xf32>
        %add3A_393 = arith.addf %add3A_386, %add3A_392 : vector<16xf32>
        %sub3A_394 = arith.constant 0x4B400000 : f32
        %sub3A_395 = vector.broadcast %sub3A_394 : f32 to vector<16xf32>
        %sub3A_396 = arith.subf %add3A_393, %sub3A_395 : vector<16xf32>
        %convert_element_type3A_397 = arith.fptosi %sub3A_396 : vector<16xf32> to vector<16xi32>
        %add3A_398 = arith.constant 0x4B400000 : f32
        %add3A_399 = vector.broadcast %add3A_398 : f32 to vector<16xf32>
        %add3A_400 = arith.addf %add3A_390, %add3A_399 : vector<16xf32>
        %sub3A_401 = arith.constant 0x4B400000 : f32
        %sub3A_402 = vector.broadcast %sub3A_401 : f32 to vector<16xf32>
        %sub3A_403 = arith.subf %add3A_400, %sub3A_402 : vector<16xf32>
        %convert_element_type3A_404 = arith.fptosi %sub3A_403 : vector<16xf32> to vector<16xi32>
        %sub3A_405 = vector.broadcast %sub3A_231 : i32 to vector<16xi32>
        %sub3A_406 = arith.subi %convert_element_type3A_404, %sub3A_405 : vector<16xi32>
        %sub3A_407 = vector.broadcast %shift_left3A_230 : i32 to vector<16xi32>
        %sub3A_408 = arith.subi %convert_element_type3A_397, %sub3A_407 : vector<16xi32>
        %gather3A_409 = tpu.vector_load_idx %arg11[%sub3A_406, %sub3A_408] : memref<124x40xf32, #tpu.memory_space<vmem>>[vector<16xi32>, vector<16xi32>], vector<16xf32>,
        %gt3A_410 = arith.constant 3.500000e-01 : f32
        %gt3A_411 = vector.broadcast %gt3A_410 : f32 to vector<16xf32>
        %gt3A_412 = arith.cmpf ogt, %gather3A_409, %gt3A_411 : vector<16xf32>
        %jit3A_413 = arith.constant 5.000000e+01 : f32
        %broadcast_in_dim3A_414 = vector.broadcast %convert_element_type3A_315 : f32 to vector<16xf32>
        %broadcast_in_dim3A_415 = vector.broadcast %jit3A_413 : f32 to vector<16xf32>
        %select_n3A_416 = arith.select %gt3A_412, %broadcast_in_dim3A_414, %broadcast_in_dim3A_415 : vector<16xi1>, vector<16xf32>
        %min3A_417 = arith.minimumf %while3A_309, %select_n3A_416 : vector<16xf32>
        %mul3A_418 = vector.broadcast %convert_element_type3A_315 : f32 to vector<16xf32>
        %mul3A_419 = arith.mulf %get3A_243, %mul3A_418 : vector<16xf32>
        %add3A_420 = vector.broadcast %squeeze3A_195 : f32 to vector<16xf32>
        %add3A_421 = arith.addf %add3A_420, %mul3A_419 : vector<16xf32>
        %mul3A_422 = vector.broadcast %convert_element_type3A_315 : f32 to vector<16xf32>
        %mul3A_423 = arith.mulf %get3A_261, %mul3A_422 : vector<16xf32>
        %add3A_424 = vector.broadcast %squeeze3A_197 : f32 to vector<16xf32>
        %add3A_425 = arith.addf %add3A_424, %mul3A_423 : vector<16xf32>
        %add3A_426 = arith.constant 0x4B400000 : f32
        %add3A_427 = vector.broadcast %add3A_426 : f32 to vector<16xf32>
        %add3A_428 = arith.addf %add3A_421, %add3A_427 : vector<16xf32>
        %sub3A_429 = arith.constant 0x4B400000 : f32
        %sub3A_430 = vector.broadcast %sub3A_429 : f32 to vector<16xf32>
        %sub3A_431 = arith.subf %add3A_428, %sub3A_430 : vector<16xf32>
        %convert_element_type3A_432 = arith.fptosi %sub3A_431 : vector<16xf32> to vector<16xi32>
        %add3A_433 = arith.constant 0x4B400000 : f32
        %add3A_434 = vector.broadcast %add3A_433 : f32 to vector<16xf32>
        %add3A_435 = arith.addf %add3A_425, %add3A_434 : vector<16xf32>
        %sub3A_436 = arith.constant 0x4B400000 : f32
        %sub3A_437 = vector.broadcast %sub3A_436 : f32 to vector<16xf32>
        %sub3A_438 = arith.subf %add3A_435, %sub3A_437 : vector<16xf32>
        %convert_element_type3A_439 = arith.fptosi %sub3A_438 : vector<16xf32> to vector<16xi32>
        %sub3A_440 = vector.broadcast %sub3A_231 : i32 to vector<16xi32>
        %sub3A_441 = arith.subi %convert_element_type3A_439, %sub3A_440 : vector<16xi32>
        %sub3A_442 = vector.broadcast %shift_left3A_230 : i32 to vector<16xi32>
        %sub3A_443 = arith.subi %convert_element_type3A_432, %sub3A_442 : vector<16xi32>
        %gather3A_444 = tpu.vector_load_idx %arg11[%sub3A_441, %sub3A_443] : memref<124x40xf32, #tpu.memory_space<vmem>>[vector<16xi32>, vector<16xi32>], vector<16xf32>,
        %gt3A_445 = arith.constant 3.500000e-01 : f32
        %gt3A_446 = vector.broadcast %gt3A_445 : f32 to vector<16xf32>
        %gt3A_447 = arith.cmpf ogt, %gather3A_444, %gt3A_446 : vector<16xf32>
        %jit3A_448 = arith.constant 5.000000e+01 : f32
        %broadcast_in_dim3A_449 = vector.broadcast %convert_element_type3A_315 : f32 to vector<16xf32>
        %broadcast_in_dim3A_450 = vector.broadcast %jit3A_448 : f32 to vector<16xf32>
        %select_n3A_451 = arith.select %gt3A_447, %broadcast_in_dim3A_449, %broadcast_in_dim3A_450 : vector<16xi1>, vector<16xf32>
        %min3A_452 = arith.minimumf %while3A_310, %select_n3A_451 : vector<16xf32>
        %mul3A_453 = vector.broadcast %convert_element_type3A_315 : f32 to vector<16xf32>
        %mul3A_454 = arith.mulf %get3A_246, %mul3A_453 : vector<16xf32>
        %add3A_455 = vector.broadcast %squeeze3A_195 : f32 to vector<16xf32>
        %add3A_456 = arith.addf %add3A_455, %mul3A_454 : vector<16xf32>
        %mul3A_457 = vector.broadcast %convert_element_type3A_315 : f32 to vector<16xf32>
        %mul3A_458 = arith.mulf %get3A_264, %mul3A_457 : vector<16xf32>
        %add3A_459 = vector.broadcast %squeeze3A_197 : f32 to vector<16xf32>
        %add3A_460 = arith.addf %add3A_459, %mul3A_458 : vector<16xf32>
        %add3A_461 = arith.constant 0x4B400000 : f32
        %add3A_462 = vector.broadcast %add3A_461 : f32 to vector<16xf32>
        %add3A_463 = arith.addf %add3A_456, %add3A_462 : vector<16xf32>
        %sub3A_464 = arith.constant 0x4B400000 : f32
        %sub3A_465 = vector.broadcast %sub3A_464 : f32 to vector<16xf32>
        %sub3A_466 = arith.subf %add3A_463, %sub3A_465 : vector<16xf32>
        %convert_element_type3A_467 = arith.fptosi %sub3A_466 : vector<16xf32> to vector<16xi32>
        %add3A_468 = arith.constant 0x4B400000 : f32
        %add3A_469 = vector.broadcast %add3A_468 : f32 to vector<16xf32>
        %add3A_470 = arith.addf %add3A_460, %add3A_469 : vector<16xf32>
        %sub3A_471 = arith.constant 0x4B400000 : f32
        %sub3A_472 = vector.broadcast %sub3A_471 : f32 to vector<16xf32>
        %sub3A_473 = arith.subf %add3A_470, %sub3A_472 : vector<16xf32>
        %convert_element_type3A_474 = arith.fptosi %sub3A_473 : vector<16xf32> to vector<16xi32>
        %sub3A_475 = vector.broadcast %sub3A_231 : i32 to vector<16xi32>
        %sub3A_476 = arith.subi %convert_element_type3A_474, %sub3A_475 : vector<16xi32>
        %sub3A_477 = vector.broadcast %shift_left3A_230 : i32 to vector<16xi32>
        %sub3A_478 = arith.subi %convert_element_type3A_467, %sub3A_477 : vector<16xi32>
        %gather3A_479 = tpu.vector_load_idx %arg11[%sub3A_476, %sub3A_478] : memref<124x40xf32, #tpu.memory_space<vmem>>[vector<16xi32>, vector<16xi32>], vector<16xf32>,
        %gt3A_480 = arith.constant 3.500000e-01 : f32
        %gt3A_481 = vector.broadcast %gt3A_480 : f32 to vector<16xf32>
        %gt3A_482 = arith.cmpf ogt, %gather3A_479, %gt3A_481 : vector<16xf32>
        %jit3A_483 = arith.constant 5.000000e+01 : f32
        %broadcast_in_dim3A_484 = vector.broadcast %convert_element_type3A_315 : f32 to vector<16xf32>
        %broadcast_in_dim3A_485 = vector.broadcast %jit3A_483 : f32 to vector<16xf32>
        %select_n3A_486 = arith.select %gt3A_482, %broadcast_in_dim3A_484, %broadcast_in_dim3A_485 : vector<16xi1>, vector<16xf32>
        %min3A_487 = arith.minimumf %while3A_311, %select_n3A_486 : vector<16xf32>
        %mul3A_488 = vector.broadcast %convert_element_type3A_315 : f32 to vector<16xf32>
        %mul3A_489 = arith.mulf %get3A_249, %mul3A_488 : vector<16xf32>
        %add3A_490 = vector.broadcast %squeeze3A_195 : f32 to vector<16xf32>
        %add3A_491 = arith.addf %add3A_490, %mul3A_489 : vector<16xf32>
        %mul3A_492 = vector.broadcast %convert_element_type3A_315 : f32 to vector<16xf32>
        %mul3A_493 = arith.mulf %get3A_267, %mul3A_492 : vector<16xf32>
        %add3A_494 = vector.broadcast %squeeze3A_197 : f32 to vector<16xf32>
        %add3A_495 = arith.addf %add3A_494, %mul3A_493 : vector<16xf32>
        %add3A_496 = arith.constant 0x4B400000 : f32
        %add3A_497 = vector.broadcast %add3A_496 : f32 to vector<16xf32>
        %add3A_498 = arith.addf %add3A_491, %add3A_497 : vector<16xf32>
        %sub3A_499 = arith.constant 0x4B400000 : f32
        %sub3A_500 = vector.broadcast %sub3A_499 : f32 to vector<16xf32>
        %sub3A_501 = arith.subf %add3A_498, %sub3A_500 : vector<16xf32>
        %convert_element_type3A_502 = arith.fptosi %sub3A_501 : vector<16xf32> to vector<16xi32>
        %add3A_503 = arith.constant 0x4B400000 : f32
        %add3A_504 = vector.broadcast %add3A_503 : f32 to vector<16xf32>
        %add3A_505 = arith.addf %add3A_495, %add3A_504 : vector<16xf32>
        %sub3A_506 = arith.constant 0x4B400000 : f32
        %sub3A_507 = vector.broadcast %sub3A_506 : f32 to vector<16xf32>
        %sub3A_508 = arith.subf %add3A_505, %sub3A_507 : vector<16xf32>
        %convert_element_type3A_509 = arith.fptosi %sub3A_508 : vector<16xf32> to vector<16xi32>
        %sub3A_510 = vector.broadcast %sub3A_231 : i32 to vector<16xi32>
        %sub3A_511 = arith.subi %convert_element_type3A_509, %sub3A_510 : vector<16xi32>
        %sub3A_512 = vector.broadcast %shift_left3A_230 : i32 to vector<16xi32>
        %sub3A_513 = arith.subi %convert_element_type3A_502, %sub3A_512 : vector<16xi32>
        %gather3A_514 = tpu.vector_load_idx %arg11[%sub3A_511, %sub3A_513] : memref<124x40xf32, #tpu.memory_space<vmem>>[vector<16xi32>, vector<16xi32>], vector<16xf32>,
        %gt3A_515 = arith.constant 3.500000e-01 : f32
        %gt3A_516 = vector.broadcast %gt3A_515 : f32 to vector<16xf32>
        %gt3A_517 = arith.cmpf ogt, %gather3A_514, %gt3A_516 : vector<16xf32>
        %jit3A_518 = arith.constant 5.000000e+01 : f32
        %broadcast_in_dim3A_519 = vector.broadcast %convert_element_type3A_315 : f32 to vector<16xf32>
        %broadcast_in_dim3A_520 = vector.broadcast %jit3A_518 : f32 to vector<16xf32>
        %select_n3A_521 = arith.select %gt3A_517, %broadcast_in_dim3A_519, %broadcast_in_dim3A_520 : vector<16xi1>, vector<16xf32>
        %min3A_522 = arith.minimumf %while3A_312, %select_n3A_521 : vector<16xf32>
        %add3A_523 = arith.constant 1 : i32
        %add3A_524 = arith.addi %while3A_306, %add3A_523 : i32
        %convert_element_type3A_525 = arith.sitofp %add3A_524 : i32 to f32
        %mul3A_526 = vector.broadcast %convert_element_type3A_525 : f32 to vector<16xf32>
        %mul3A_527 = arith.mulf %get3A_234, %mul3A_526 : vector<16xf32>
        %add3A_528 = vector.broadcast %squeeze3A_195 : f32 to vector<16xf32>
        %add3A_529 = arith.addf %add3A_528, %mul3A_527 : vector<16xf32>
        %mul3A_530 = vector.broadcast %convert_element_type3A_525 : f32 to vector<16xf32>
        %mul3A_531 = arith.mulf %get3A_252, %mul3A_530 : vector<16xf32>
        %add3A_532 = vector.broadcast %squeeze3A_197 : f32 to vector<16xf32>
        %add3A_533 = arith.addf %add3A_532, %mul3A_531 : vector<16xf32>
        %add3A_534 = arith.constant 0x4B400000 : f32
        %add3A_535 = vector.broadcast %add3A_534 : f32 to vector<16xf32>
        %add3A_536 = arith.addf %add3A_529, %add3A_535 : vector<16xf32>
        %sub3A_537 = arith.constant 0x4B400000 : f32
        %sub3A_538 = vector.broadcast %sub3A_537 : f32 to vector<16xf32>
        %sub3A_539 = arith.subf %add3A_536, %sub3A_538 : vector<16xf32>
        %convert_element_type3A_540 = arith.fptosi %sub3A_539 : vector<16xf32> to vector<16xi32>
        %add3A_541 = arith.constant 0x4B400000 : f32
        %add3A_542 = vector.broadcast %add3A_541 : f32 to vector<16xf32>
        %add3A_543 = arith.addf %add3A_533, %add3A_542 : vector<16xf32>
        %sub3A_544 = arith.constant 0x4B400000 : f32
        %sub3A_545 = vector.broadcast %sub3A_544 : f32 to vector<16xf32>
        %sub3A_546 = arith.subf %add3A_543, %sub3A_545 : vector<16xf32>
        %convert_element_type3A_547 = arith.fptosi %sub3A_546 : vector<16xf32> to vector<16xi32>
        %sub3A_548 = vector.broadcast %sub3A_231 : i32 to vector<16xi32>
        %sub3A_549 = arith.subi %convert_element_type3A_547, %sub3A_548 : vector<16xi32>
        %sub3A_550 = vector.broadcast %shift_left3A_230 : i32 to vector<16xi32>
        %sub3A_551 = arith.subi %convert_element_type3A_540, %sub3A_550 : vector<16xi32>
        %gather3A_552 = tpu.vector_load_idx %arg11[%sub3A_549, %sub3A_551] : memref<124x40xf32, #tpu.memory_space<vmem>>[vector<16xi32>, vector<16xi32>], vector<16xf32>,
        %gt3A_553 = arith.constant 3.500000e-01 : f32
        %gt3A_554 = vector.broadcast %gt3A_553 : f32 to vector<16xf32>
        %gt3A_555 = arith.cmpf ogt, %gather3A_552, %gt3A_554 : vector<16xf32>
        %jit3A_556 = arith.constant 5.000000e+01 : f32
        %broadcast_in_dim3A_557 = vector.broadcast %convert_element_type3A_525 : f32 to vector<16xf32>
        %broadcast_in_dim3A_558 = vector.broadcast %jit3A_556 : f32 to vector<16xf32>
        %select_n3A_559 = arith.select %gt3A_555, %broadcast_in_dim3A_557, %broadcast_in_dim3A_558 : vector<16xi1>, vector<16xf32>
        %min3A_560 = arith.minimumf %min3A_347, %select_n3A_559 : vector<16xf32>
        %mul3A_561 = vector.broadcast %convert_element_type3A_525 : f32 to vector<16xf32>
        %mul3A_562 = arith.mulf %get3A_237, %mul3A_561 : vector<16xf32>
        %add3A_563 = vector.broadcast %squeeze3A_195 : f32 to vector<16xf32>
        %add3A_564 = arith.addf %add3A_563, %mul3A_562 : vector<16xf32>
        %mul3A_565 = vector.broadcast %convert_element_type3A_525 : f32 to vector<16xf32>
        %mul3A_566 = arith.mulf %get3A_255, %mul3A_565 : vector<16xf32>
        %add3A_567 = vector.broadcast %squeeze3A_197 : f32 to vector<16xf32>
        %add3A_568 = arith.addf %add3A_567, %mul3A_566 : vector<16xf32>
        %add3A_569 = arith.constant 0x4B400000 : f32
        %add3A_570 = vector.broadcast %add3A_569 : f32 to vector<16xf32>
        %add3A_571 = arith.addf %add3A_564, %add3A_570 : vector<16xf32>
        %sub3A_572 = arith.constant 0x4B400000 : f32
        %sub3A_573 = vector.broadcast %sub3A_572 : f32 to vector<16xf32>
        %sub3A_574 = arith.subf %add3A_571, %sub3A_573 : vector<16xf32>
        %convert_element_type3A_575 = arith.fptosi %sub3A_574 : vector<16xf32> to vector<16xi32>
        %add3A_576 = arith.constant 0x4B400000 : f32
        %add3A_577 = vector.broadcast %add3A_576 : f32 to vector<16xf32>
        %add3A_578 = arith.addf %add3A_568, %add3A_577 : vector<16xf32>
        %sub3A_579 = arith.constant 0x4B400000 : f32
        %sub3A_580 = vector.broadcast %sub3A_579 : f32 to vector<16xf32>
        %sub3A_581 = arith.subf %add3A_578, %sub3A_580 : vector<16xf32>
        %convert_element_type3A_582 = arith.fptosi %sub3A_581 : vector<16xf32> to vector<16xi32>
        %sub3A_583 = vector.broadcast %sub3A_231 : i32 to vector<16xi32>
        %sub3A_584 = arith.subi %convert_element_type3A_582, %sub3A_583 : vector<16xi32>
        %sub3A_585 = vector.broadcast %shift_left3A_230 : i32 to vector<16xi32>
        %sub3A_586 = arith.subi %convert_element_type3A_575, %sub3A_585 : vector<16xi32>
        %gather3A_587 = tpu.vector_load_idx %arg11[%sub3A_584, %sub3A_586] : memref<124x40xf32, #tpu.memory_space<vmem>>[vector<16xi32>, vector<16xi32>], vector<16xf32>,
        %gt3A_588 = arith.constant 3.500000e-01 : f32
        %gt3A_589 = vector.broadcast %gt3A_588 : f32 to vector<16xf32>
        %gt3A_590 = arith.cmpf ogt, %gather3A_587, %gt3A_589 : vector<16xf32>
        %jit3A_591 = arith.constant 5.000000e+01 : f32
        %broadcast_in_dim3A_592 = vector.broadcast %convert_element_type3A_525 : f32 to vector<16xf32>
        %broadcast_in_dim3A_593 = vector.broadcast %jit3A_591 : f32 to vector<16xf32>
        %select_n3A_594 = arith.select %gt3A_590, %broadcast_in_dim3A_592, %broadcast_in_dim3A_593 : vector<16xi1>, vector<16xf32>
        %min3A_595 = arith.minimumf %min3A_382, %select_n3A_594 : vector<16xf32>
        %mul3A_596 = vector.broadcast %convert_element_type3A_525 : f32 to vector<16xf32>
        %mul3A_597 = arith.mulf %get3A_240, %mul3A_596 : vector<16xf32>
        %add3A_598 = vector.broadcast %squeeze3A_195 : f32 to vector<16xf32>
        %add3A_599 = arith.addf %add3A_598, %mul3A_597 : vector<16xf32>
        %mul3A_600 = vector.broadcast %convert_element_type3A_525 : f32 to vector<16xf32>
        %mul3A_601 = arith.mulf %get3A_258, %mul3A_600 : vector<16xf32>
        %add3A_602 = vector.broadcast %squeeze3A_197 : f32 to vector<16xf32>
        %add3A_603 = arith.addf %add3A_602, %mul3A_601 : vector<16xf32>
        %add3A_604 = arith.constant 0x4B400000 : f32
        %add3A_605 = vector.broadcast %add3A_604 : f32 to vector<16xf32>
        %add3A_606 = arith.addf %add3A_599, %add3A_605 : vector<16xf32>
        %sub3A_607 = arith.constant 0x4B400000 : f32
        %sub3A_608 = vector.broadcast %sub3A_607 : f32 to vector<16xf32>
        %sub3A_609 = arith.subf %add3A_606, %sub3A_608 : vector<16xf32>
        %convert_element_type3A_610 = arith.fptosi %sub3A_609 : vector<16xf32> to vector<16xi32>
        %add3A_611 = arith.constant 0x4B400000 : f32
        %add3A_612 = vector.broadcast %add3A_611 : f32 to vector<16xf32>
        %add3A_613 = arith.addf %add3A_603, %add3A_612 : vector<16xf32>
        %sub3A_614 = arith.constant 0x4B400000 : f32
        %sub3A_615 = vector.broadcast %sub3A_614 : f32 to vector<16xf32>
        %sub3A_616 = arith.subf %add3A_613, %sub3A_615 : vector<16xf32>
        %convert_element_type3A_617 = arith.fptosi %sub3A_616 : vector<16xf32> to vector<16xi32>
        %sub3A_618 = vector.broadcast %sub3A_231 : i32 to vector<16xi32>
        %sub3A_619 = arith.subi %convert_element_type3A_617, %sub3A_618 : vector<16xi32>
        %sub3A_620 = vector.broadcast %shift_left3A_230 : i32 to vector<16xi32>
        %sub3A_621 = arith.subi %convert_element_type3A_610, %sub3A_620 : vector<16xi32>
        %gather3A_622 = tpu.vector_load_idx %arg11[%sub3A_619, %sub3A_621] : memref<124x40xf32, #tpu.memory_space<vmem>>[vector<16xi32>, vector<16xi32>], vector<16xf32>,
        %gt3A_623 = arith.constant 3.500000e-01 : f32
        %gt3A_624 = vector.broadcast %gt3A_623 : f32 to vector<16xf32>
        %gt3A_625 = arith.cmpf ogt, %gather3A_622, %gt3A_624 : vector<16xf32>
        %jit3A_626 = arith.constant 5.000000e+01 : f32
        %broadcast_in_dim3A_627 = vector.broadcast %convert_element_type3A_525 : f32 to vector<16xf32>
        %broadcast_in_dim3A_628 = vector.broadcast %jit3A_626 : f32 to vector<16xf32>
        %select_n3A_629 = arith.select %gt3A_625, %broadcast_in_dim3A_627, %broadcast_in_dim3A_628 : vector<16xi1>, vector<16xf32>
        %min3A_630 = arith.minimumf %min3A_417, %select_n3A_629 : vector<16xf32>
        %mul3A_631 = vector.broadcast %convert_element_type3A_525 : f32 to vector<16xf32>
        %mul3A_632 = arith.mulf %get3A_243, %mul3A_631 : vector<16xf32>
        %add3A_633 = vector.broadcast %squeeze3A_195 : f32 to vector<16xf32>
        %add3A_634 = arith.addf %add3A_633, %mul3A_632 : vector<16xf32>
        %mul3A_635 = vector.broadcast %convert_element_type3A_525 : f32 to vector<16xf32>
        %mul3A_636 = arith.mulf %get3A_261, %mul3A_635 : vector<16xf32>
        %add3A_637 = vector.broadcast %squeeze3A_197 : f32 to vector<16xf32>
        %add3A_638 = arith.addf %add3A_637, %mul3A_636 : vector<16xf32>
        %add3A_639 = arith.constant 0x4B400000 : f32
        %add3A_640 = vector.broadcast %add3A_639 : f32 to vector<16xf32>
        %add3A_641 = arith.addf %add3A_634, %add3A_640 : vector<16xf32>
        %sub3A_642 = arith.constant 0x4B400000 : f32
        %sub3A_643 = vector.broadcast %sub3A_642 : f32 to vector<16xf32>
        %sub3A_644 = arith.subf %add3A_641, %sub3A_643 : vector<16xf32>
        %convert_element_type3A_645 = arith.fptosi %sub3A_644 : vector<16xf32> to vector<16xi32>
        %add3A_646 = arith.constant 0x4B400000 : f32
        %add3A_647 = vector.broadcast %add3A_646 : f32 to vector<16xf32>
        %add3A_648 = arith.addf %add3A_638, %add3A_647 : vector<16xf32>
        %sub3A_649 = arith.constant 0x4B400000 : f32
        %sub3A_650 = vector.broadcast %sub3A_649 : f32 to vector<16xf32>
        %sub3A_651 = arith.subf %add3A_648, %sub3A_650 : vector<16xf32>
        %convert_element_type3A_652 = arith.fptosi %sub3A_651 : vector<16xf32> to vector<16xi32>
        %sub3A_653 = vector.broadcast %sub3A_231 : i32 to vector<16xi32>
        %sub3A_654 = arith.subi %convert_element_type3A_652, %sub3A_653 : vector<16xi32>
        %sub3A_655 = vector.broadcast %shift_left3A_230 : i32 to vector<16xi32>
        %sub3A_656 = arith.subi %convert_element_type3A_645, %sub3A_655 : vector<16xi32>
        %gather3A_657 = tpu.vector_load_idx %arg11[%sub3A_654, %sub3A_656] : memref<124x40xf32, #tpu.memory_space<vmem>>[vector<16xi32>, vector<16xi32>], vector<16xf32>,
        %gt3A_658 = arith.constant 3.500000e-01 : f32
        %gt3A_659 = vector.broadcast %gt3A_658 : f32 to vector<16xf32>
        %gt3A_660 = arith.cmpf ogt, %gather3A_657, %gt3A_659 : vector<16xf32>
        %jit3A_661 = arith.constant 5.000000e+01 : f32
        %broadcast_in_dim3A_662 = vector.broadcast %convert_element_type3A_525 : f32 to vector<16xf32>
        %broadcast_in_dim3A_663 = vector.broadcast %jit3A_661 : f32 to vector<16xf32>
        %select_n3A_664 = arith.select %gt3A_660, %broadcast_in_dim3A_662, %broadcast_in_dim3A_663 : vector<16xi1>, vector<16xf32>
        %min3A_665 = arith.minimumf %min3A_452, %select_n3A_664 : vector<16xf32>
        %mul3A_666 = vector.broadcast %convert_element_type3A_525 : f32 to vector<16xf32>
        %mul3A_667 = arith.mulf %get3A_246, %mul3A_666 : vector<16xf32>
        %add3A_668 = vector.broadcast %squeeze3A_195 : f32 to vector<16xf32>
        %add3A_669 = arith.addf %add3A_668, %mul3A_667 : vector<16xf32>
        %mul3A_670 = vector.broadcast %convert_element_type3A_525 : f32 to vector<16xf32>
        %mul3A_671 = arith.mulf %get3A_264, %mul3A_670 : vector<16xf32>
        %add3A_672 = vector.broadcast %squeeze3A_197 : f32 to vector<16xf32>
        %add3A_673 = arith.addf %add3A_672, %mul3A_671 : vector<16xf32>
        %add3A_674 = arith.constant 0x4B400000 : f32
        %add3A_675 = vector.broadcast %add3A_674 : f32 to vector<16xf32>
        %add3A_676 = arith.addf %add3A_669, %add3A_675 : vector<16xf32>
        %sub3A_677 = arith.constant 0x4B400000 : f32
        %sub3A_678 = vector.broadcast %sub3A_677 : f32 to vector<16xf32>
        %sub3A_679 = arith.subf %add3A_676, %sub3A_678 : vector<16xf32>
        %convert_element_type3A_680 = arith.fptosi %sub3A_679 : vector<16xf32> to vector<16xi32>
        %add3A_681 = arith.constant 0x4B400000 : f32
        %add3A_682 = vector.broadcast %add3A_681 : f32 to vector<16xf32>
        %add3A_683 = arith.addf %add3A_673, %add3A_682 : vector<16xf32>
        %sub3A_684 = arith.constant 0x4B400000 : f32
        %sub3A_685 = vector.broadcast %sub3A_684 : f32 to vector<16xf32>
        %sub3A_686 = arith.subf %add3A_683, %sub3A_685 : vector<16xf32>
        %convert_element_type3A_687 = arith.fptosi %sub3A_686 : vector<16xf32> to vector<16xi32>
        %sub3A_688 = vector.broadcast %sub3A_231 : i32 to vector<16xi32>
        %sub3A_689 = arith.subi %convert_element_type3A_687, %sub3A_688 : vector<16xi32>
        %sub3A_690 = vector.broadcast %shift_left3A_230 : i32 to vector<16xi32>
        %sub3A_691 = arith.subi %convert_element_type3A_680, %sub3A_690 : vector<16xi32>
        %gather3A_692 = tpu.vector_load_idx %arg11[%sub3A_689, %sub3A_691] : memref<124x40xf32, #tpu.memory_space<vmem>>[vector<16xi32>, vector<16xi32>], vector<16xf32>,
        %gt3A_693 = arith.constant 3.500000e-01 : f32
        %gt3A_694 = vector.broadcast %gt3A_693 : f32 to vector<16xf32>
        %gt3A_695 = arith.cmpf ogt, %gather3A_692, %gt3A_694 : vector<16xf32>
        %jit3A_696 = arith.constant 5.000000e+01 : f32
        %broadcast_in_dim3A_697 = vector.broadcast %convert_element_type3A_525 : f32 to vector<16xf32>
        %broadcast_in_dim3A_698 = vector.broadcast %jit3A_696 : f32 to vector<16xf32>
        %select_n3A_699 = arith.select %gt3A_695, %broadcast_in_dim3A_697, %broadcast_in_dim3A_698 : vector<16xi1>, vector<16xf32>
        %min3A_700 = arith.minimumf %min3A_487, %select_n3A_699 : vector<16xf32>
        %mul3A_701 = vector.broadcast %convert_element_type3A_525 : f32 to vector<16xf32>
        %mul3A_702 = arith.mulf %get3A_249, %mul3A_701 : vector<16xf32>
        %add3A_703 = vector.broadcast %squeeze3A_195 : f32 to vector<16xf32>
        %add3A_704 = arith.addf %add3A_703, %mul3A_702 : vector<16xf32>
        %mul3A_705 = vector.broadcast %convert_element_type3A_525 : f32 to vector<16xf32>
        %mul3A_706 = arith.mulf %get3A_267, %mul3A_705 : vector<16xf32>
        %add3A_707 = vector.broadcast %squeeze3A_197 : f32 to vector<16xf32>
        %add3A_708 = arith.addf %add3A_707, %mul3A_706 : vector<16xf32>
        %add3A_709 = arith.constant 0x4B400000 : f32
        %add3A_710 = vector.broadcast %add3A_709 : f32 to vector<16xf32>
        %add3A_711 = arith.addf %add3A_704, %add3A_710 : vector<16xf32>
        %sub3A_712 = arith.constant 0x4B400000 : f32
        %sub3A_713 = vector.broadcast %sub3A_712 : f32 to vector<16xf32>
        %sub3A_714 = arith.subf %add3A_711, %sub3A_713 : vector<16xf32>
        %convert_element_type3A_715 = arith.fptosi %sub3A_714 : vector<16xf32> to vector<16xi32>
        %add3A_716 = arith.constant 0x4B400000 : f32
        %add3A_717 = vector.broadcast %add3A_716 : f32 to vector<16xf32>
        %add3A_718 = arith.addf %add3A_708, %add3A_717 : vector<16xf32>
        %sub3A_719 = arith.constant 0x4B400000 : f32
        %sub3A_720 = vector.broadcast %sub3A_719 : f32 to vector<16xf32>
        %sub3A_721 = arith.subf %add3A_718, %sub3A_720 : vector<16xf32>
        %convert_element_type3A_722 = arith.fptosi %sub3A_721 : vector<16xf32> to vector<16xi32>
        %sub3A_723 = vector.broadcast %sub3A_231 : i32 to vector<16xi32>
        %sub3A_724 = arith.subi %convert_element_type3A_722, %sub3A_723 : vector<16xi32>
        %sub3A_725 = vector.broadcast %shift_left3A_230 : i32 to vector<16xi32>
        %sub3A_726 = arith.subi %convert_element_type3A_715, %sub3A_725 : vector<16xi32>
        %gather3A_727 = tpu.vector_load_idx %arg11[%sub3A_724, %sub3A_726] : memref<124x40xf32, #tpu.memory_space<vmem>>[vector<16xi32>, vector<16xi32>], vector<16xf32>,
        %gt3A_728 = arith.constant 3.500000e-01 : f32
        %gt3A_729 = vector.broadcast %gt3A_728 : f32 to vector<16xf32>
        %gt3A_730 = arith.cmpf ogt, %gather3A_727, %gt3A_729 : vector<16xf32>
        %jit3A_731 = arith.constant 5.000000e+01 : f32
        %broadcast_in_dim3A_732 = vector.broadcast %convert_element_type3A_525 : f32 to vector<16xf32>
        %broadcast_in_dim3A_733 = vector.broadcast %jit3A_731 : f32 to vector<16xf32>
        %select_n3A_734 = arith.select %gt3A_730, %broadcast_in_dim3A_732, %broadcast_in_dim3A_733 : vector<16xi1>, vector<16xf32>
        %min3A_735 = arith.minimumf %min3A_522, %select_n3A_734 : vector<16xf32>
        %add3A_736 = arith.constant 2 : i32
        %add3A_737 = arith.addi %while3A_306, %add3A_736 : i32
        %convert_element_type3A_738 = arith.sitofp %add3A_737 : i32 to f32
        %mul3A_739 = vector.broadcast %convert_element_type3A_738 : f32 to vector<16xf32>
        %mul3A_740 = arith.mulf %get3A_234, %mul3A_739 : vector<16xf32>
        %add3A_741 = vector.broadcast %squeeze3A_195 : f32 to vector<16xf32>
        %add3A_742 = arith.addf %add3A_741, %mul3A_740 : vector<16xf32>
        %mul3A_743 = vector.broadcast %convert_element_type3A_738 : f32 to vector<16xf32>
        %mul3A_744 = arith.mulf %get3A_252, %mul3A_743 : vector<16xf32>
        %add3A_745 = vector.broadcast %squeeze3A_197 : f32 to vector<16xf32>
        %add3A_746 = arith.addf %add3A_745, %mul3A_744 : vector<16xf32>
        %add3A_747 = arith.constant 0x4B400000 : f32
        %add3A_748 = vector.broadcast %add3A_747 : f32 to vector<16xf32>
        %add3A_749 = arith.addf %add3A_742, %add3A_748 : vector<16xf32>
        %sub3A_750 = arith.constant 0x4B400000 : f32
        %sub3A_751 = vector.broadcast %sub3A_750 : f32 to vector<16xf32>
        %sub3A_752 = arith.subf %add3A_749, %sub3A_751 : vector<16xf32>
        %convert_element_type3A_753 = arith.fptosi %sub3A_752 : vector<16xf32> to vector<16xi32>
        %add3A_754 = arith.constant 0x4B400000 : f32
        %add3A_755 = vector.broadcast %add3A_754 : f32 to vector<16xf32>
        %add3A_756 = arith.addf %add3A_746, %add3A_755 : vector<16xf32>
        %sub3A_757 = arith.constant 0x4B400000 : f32
        %sub3A_758 = vector.broadcast %sub3A_757 : f32 to vector<16xf32>
        %sub3A_759 = arith.subf %add3A_756, %sub3A_758 : vector<16xf32>
        %convert_element_type3A_760 = arith.fptosi %sub3A_759 : vector<16xf32> to vector<16xi32>
        %sub3A_761 = vector.broadcast %sub3A_231 : i32 to vector<16xi32>
        %sub3A_762 = arith.subi %convert_element_type3A_760, %sub3A_761 : vector<16xi32>
        %sub3A_763 = vector.broadcast %shift_left3A_230 : i32 to vector<16xi32>
        %sub3A_764 = arith.subi %convert_element_type3A_753, %sub3A_763 : vector<16xi32>
        %gather3A_765 = tpu.vector_load_idx %arg11[%sub3A_762, %sub3A_764] : memref<124x40xf32, #tpu.memory_space<vmem>>[vector<16xi32>, vector<16xi32>], vector<16xf32>,
        %gt3A_766 = arith.constant 3.500000e-01 : f32
        %gt3A_767 = vector.broadcast %gt3A_766 : f32 to vector<16xf32>
        %gt3A_768 = arith.cmpf ogt, %gather3A_765, %gt3A_767 : vector<16xf32>
        %jit3A_769 = arith.constant 5.000000e+01 : f32
        %broadcast_in_dim3A_770 = vector.broadcast %convert_element_type3A_738 : f32 to vector<16xf32>
        %broadcast_in_dim3A_771 = vector.broadcast %jit3A_769 : f32 to vector<16xf32>
        %select_n3A_772 = arith.select %gt3A_768, %broadcast_in_dim3A_770, %broadcast_in_dim3A_771 : vector<16xi1>, vector<16xf32>
        %min3A_773 = arith.minimumf %min3A_560, %select_n3A_772 : vector<16xf32>
        %mul3A_774 = vector.broadcast %convert_element_type3A_738 : f32 to vector<16xf32>
        %mul3A_775 = arith.mulf %get3A_237, %mul3A_774 : vector<16xf32>
        %add3A_776 = vector.broadcast %squeeze3A_195 : f32 to vector<16xf32>
        %add3A_777 = arith.addf %add3A_776, %mul3A_775 : vector<16xf32>
        %mul3A_778 = vector.broadcast %convert_element_type3A_738 : f32 to vector<16xf32>
        %mul3A_779 = arith.mulf %get3A_255, %mul3A_778 : vector<16xf32>
        %add3A_780 = vector.broadcast %squeeze3A_197 : f32 to vector<16xf32>
        %add3A_781 = arith.addf %add3A_780, %mul3A_779 : vector<16xf32>
        %add3A_782 = arith.constant 0x4B400000 : f32
        %add3A_783 = vector.broadcast %add3A_782 : f32 to vector<16xf32>
        %add3A_784 = arith.addf %add3A_777, %add3A_783 : vector<16xf32>
        %sub3A_785 = arith.constant 0x4B400000 : f32
        %sub3A_786 = vector.broadcast %sub3A_785 : f32 to vector<16xf32>
        %sub3A_787 = arith.subf %add3A_784, %sub3A_786 : vector<16xf32>
        %convert_element_type3A_788 = arith.fptosi %sub3A_787 : vector<16xf32> to vector<16xi32>
        %add3A_789 = arith.constant 0x4B400000 : f32
        %add3A_790 = vector.broadcast %add3A_789 : f32 to vector<16xf32>
        %add3A_791 = arith.addf %add3A_781, %add3A_790 : vector<16xf32>
        %sub3A_792 = arith.constant 0x4B400000 : f32
        %sub3A_793 = vector.broadcast %sub3A_792 : f32 to vector<16xf32>
        %sub3A_794 = arith.subf %add3A_791, %sub3A_793 : vector<16xf32>
        %convert_element_type3A_795 = arith.fptosi %sub3A_794 : vector<16xf32> to vector<16xi32>
        %sub3A_796 = vector.broadcast %sub3A_231 : i32 to vector<16xi32>
        %sub3A_797 = arith.subi %convert_element_type3A_795, %sub3A_796 : vector<16xi32>
        %sub3A_798 = vector.broadcast %shift_left3A_230 : i32 to vector<16xi32>
        %sub3A_799 = arith.subi %convert_element_type3A_788, %sub3A_798 : vector<16xi32>
        %gather3A_800 = tpu.vector_load_idx %arg11[%sub3A_797, %sub3A_799] : memref<124x40xf32, #tpu.memory_space<vmem>>[vector<16xi32>, vector<16xi32>], vector<16xf32>,
        %gt3A_801 = arith.constant 3.500000e-01 : f32
        %gt3A_802 = vector.broadcast %gt3A_801 : f32 to vector<16xf32>
        %gt3A_803 = arith.cmpf ogt, %gather3A_800, %gt3A_802 : vector<16xf32>
        %jit3A_804 = arith.constant 5.000000e+01 : f32
        %broadcast_in_dim3A_805 = vector.broadcast %convert_element_type3A_738 : f32 to vector<16xf32>
        %broadcast_in_dim3A_806 = vector.broadcast %jit3A_804 : f32 to vector<16xf32>
        %select_n3A_807 = arith.select %gt3A_803, %broadcast_in_dim3A_805, %broadcast_in_dim3A_806 : vector<16xi1>, vector<16xf32>
        %min3A_808 = arith.minimumf %min3A_595, %select_n3A_807 : vector<16xf32>
        %mul3A_809 = vector.broadcast %convert_element_type3A_738 : f32 to vector<16xf32>
        %mul3A_810 = arith.mulf %get3A_240, %mul3A_809 : vector<16xf32>
        %add3A_811 = vector.broadcast %squeeze3A_195 : f32 to vector<16xf32>
        %add3A_812 = arith.addf %add3A_811, %mul3A_810 : vector<16xf32>
        %mul3A_813 = vector.broadcast %convert_element_type3A_738 : f32 to vector<16xf32>
        %mul3A_814 = arith.mulf %get3A_258, %mul3A_813 : vector<16xf32>
        %add3A_815 = vector.broadcast %squeeze3A_197 : f32 to vector<16xf32>
        %add3A_816 = arith.addf %add3A_815, %mul3A_814 : vector<16xf32>
        %add3A_817 = arith.constant 0x4B400000 : f32
        %add3A_818 = vector.broadcast %add3A_817 : f32 to vector<16xf32>
        %add3A_819 = arith.addf %add3A_812, %add3A_818 : vector<16xf32>
        %sub3A_820 = arith.constant 0x4B400000 : f32
        %sub3A_821 = vector.broadcast %sub3A_820 : f32 to vector<16xf32>
        %sub3A_822 = arith.subf %add3A_819, %sub3A_821 : vector<16xf32>
        %convert_element_type3A_823 = arith.fptosi %sub3A_822 : vector<16xf32> to vector<16xi32>
        %add3A_824 = arith.constant 0x4B400000 : f32
        %add3A_825 = vector.broadcast %add3A_824 : f32 to vector<16xf32>
        %add3A_826 = arith.addf %add3A_816, %add3A_825 : vector<16xf32>
        %sub3A_827 = arith.constant 0x4B400000 : f32
        %sub3A_828 = vector.broadcast %sub3A_827 : f32 to vector<16xf32>
        %sub3A_829 = arith.subf %add3A_826, %sub3A_828 : vector<16xf32>
        %convert_element_type3A_830 = arith.fptosi %sub3A_829 : vector<16xf32> to vector<16xi32>
        %sub3A_831 = vector.broadcast %sub3A_231 : i32 to vector<16xi32>
        %sub3A_832 = arith.subi %convert_element_type3A_830, %sub3A_831 : vector<16xi32>
        %sub3A_833 = vector.broadcast %shift_left3A_230 : i32 to vector<16xi32>
        %sub3A_834 = arith.subi %convert_element_type3A_823, %sub3A_833 : vector<16xi32>
        %gather3A_835 = tpu.vector_load_idx %arg11[%sub3A_832, %sub3A_834] : memref<124x40xf32, #tpu.memory_space<vmem>>[vector<16xi32>, vector<16xi32>], vector<16xf32>,
        %gt3A_836 = arith.constant 3.500000e-01 : f32
        %gt3A_837 = vector.broadcast %gt3A_836 : f32 to vector<16xf32>
        %gt3A_838 = arith.cmpf ogt, %gather3A_835, %gt3A_837 : vector<16xf32>
        %jit3A_839 = arith.constant 5.000000e+01 : f32
        %broadcast_in_dim3A_840 = vector.broadcast %convert_element_type3A_738 : f32 to vector<16xf32>
        %broadcast_in_dim3A_841 = vector.broadcast %jit3A_839 : f32 to vector<16xf32>
        %select_n3A_842 = arith.select %gt3A_838, %broadcast_in_dim3A_840, %broadcast_in_dim3A_841 : vector<16xi1>, vector<16xf32>
        %min3A_843 = arith.minimumf %min3A_630, %select_n3A_842 : vector<16xf32>
        %mul3A_844 = vector.broadcast %convert_element_type3A_738 : f32 to vector<16xf32>
        %mul3A_845 = arith.mulf %get3A_243, %mul3A_844 : vector<16xf32>
        %add3A_846 = vector.broadcast %squeeze3A_195 : f32 to vector<16xf32>
        %add3A_847 = arith.addf %add3A_846, %mul3A_845 : vector<16xf32>
        %mul3A_848 = vector.broadcast %convert_element_type3A_738 : f32 to vector<16xf32>
        %mul3A_849 = arith.mulf %get3A_261, %mul3A_848 : vector<16xf32>
        %add3A_850 = vector.broadcast %squeeze3A_197 : f32 to vector<16xf32>
        %add3A_851 = arith.addf %add3A_850, %mul3A_849 : vector<16xf32>
        %add3A_852 = arith.constant 0x4B400000 : f32
        %add3A_853 = vector.broadcast %add3A_852 : f32 to vector<16xf32>
        %add3A_854 = arith.addf %add3A_847, %add3A_853 : vector<16xf32>
        %sub3A_855 = arith.constant 0x4B400000 : f32
        %sub3A_856 = vector.broadcast %sub3A_855 : f32 to vector<16xf32>
        %sub3A_857 = arith.subf %add3A_854, %sub3A_856 : vector<16xf32>
        %convert_element_type3A_858 = arith.fptosi %sub3A_857 : vector<16xf32> to vector<16xi32>
        %add3A_859 = arith.constant 0x4B400000 : f32
        %add3A_860 = vector.broadcast %add3A_859 : f32 to vector<16xf32>
        %add3A_861 = arith.addf %add3A_851, %add3A_860 : vector<16xf32>
        %sub3A_862 = arith.constant 0x4B400000 : f32
        %sub3A_863 = vector.broadcast %sub3A_862 : f32 to vector<16xf32>
        %sub3A_864 = arith.subf %add3A_861, %sub3A_863 : vector<16xf32>
        %convert_element_type3A_865 = arith.fptosi %sub3A_864 : vector<16xf32> to vector<16xi32>
        %sub3A_866 = vector.broadcast %sub3A_231 : i32 to vector<16xi32>
        %sub3A_867 = arith.subi %convert_element_type3A_865, %sub3A_866 : vector<16xi32>
        %sub3A_868 = vector.broadcast %shift_left3A_230 : i32 to vector<16xi32>
        %sub3A_869 = arith.subi %convert_element_type3A_858, %sub3A_868 : vector<16xi32>
        %gather3A_870 = tpu.vector_load_idx %arg11[%sub3A_867, %sub3A_869] : memref<124x40xf32, #tpu.memory_space<vmem>>[vector<16xi32>, vector<16xi32>], vector<16xf32>,
        %gt3A_871 = arith.constant 3.500000e-01 : f32
        %gt3A_872 = vector.broadcast %gt3A_871 : f32 to vector<16xf32>
        %gt3A_873 = arith.cmpf ogt, %gather3A_870, %gt3A_872 : vector<16xf32>
        %jit3A_874 = arith.constant 5.000000e+01 : f32
        %broadcast_in_dim3A_875 = vector.broadcast %convert_element_type3A_738 : f32 to vector<16xf32>
        %broadcast_in_dim3A_876 = vector.broadcast %jit3A_874 : f32 to vector<16xf32>
        %select_n3A_877 = arith.select %gt3A_873, %broadcast_in_dim3A_875, %broadcast_in_dim3A_876 : vector<16xi1>, vector<16xf32>
        %min3A_878 = arith.minimumf %min3A_665, %select_n3A_877 : vector<16xf32>
        %mul3A_879 = vector.broadcast %convert_element_type3A_738 : f32 to vector<16xf32>
        %mul3A_880 = arith.mulf %get3A_246, %mul3A_879 : vector<16xf32>
        %add3A_881 = vector.broadcast %squeeze3A_195 : f32 to vector<16xf32>
        %add3A_882 = arith.addf %add3A_881, %mul3A_880 : vector<16xf32>
        %mul3A_883 = vector.broadcast %convert_element_type3A_738 : f32 to vector<16xf32>
        %mul3A_884 = arith.mulf %get3A_264, %mul3A_883 : vector<16xf32>
        %add3A_885 = vector.broadcast %squeeze3A_197 : f32 to vector<16xf32>
        %add3A_886 = arith.addf %add3A_885, %mul3A_884 : vector<16xf32>
        %add3A_887 = arith.constant 0x4B400000 : f32
        %add3A_888 = vector.broadcast %add3A_887 : f32 to vector<16xf32>
        %add3A_889 = arith.addf %add3A_882, %add3A_888 : vector<16xf32>
        %sub3A_890 = arith.constant 0x4B400000 : f32
        %sub3A_891 = vector.broadcast %sub3A_890 : f32 to vector<16xf32>
        %sub3A_892 = arith.subf %add3A_889, %sub3A_891 : vector<16xf32>
        %convert_element_type3A_893 = arith.fptosi %sub3A_892 : vector<16xf32> to vector<16xi32>
        %add3A_894 = arith.constant 0x4B400000 : f32
        %add3A_895 = vector.broadcast %add3A_894 : f32 to vector<16xf32>
        %add3A_896 = arith.addf %add3A_886, %add3A_895 : vector<16xf32>
        %sub3A_897 = arith.constant 0x4B400000 : f32
        %sub3A_898 = vector.broadcast %sub3A_897 : f32 to vector<16xf32>
        %sub3A_899 = arith.subf %add3A_896, %sub3A_898 : vector<16xf32>
        %convert_element_type3A_900 = arith.fptosi %sub3A_899 : vector<16xf32> to vector<16xi32>
        %sub3A_901 = vector.broadcast %sub3A_231 : i32 to vector<16xi32>
        %sub3A_902 = arith.subi %convert_element_type3A_900, %sub3A_901 : vector<16xi32>
        %sub3A_903 = vector.broadcast %shift_left3A_230 : i32 to vector<16xi32>
        %sub3A_904 = arith.subi %convert_element_type3A_893, %sub3A_903 : vector<16xi32>
        %gather3A_905 = tpu.vector_load_idx %arg11[%sub3A_902, %sub3A_904] : memref<124x40xf32, #tpu.memory_space<vmem>>[vector<16xi32>, vector<16xi32>], vector<16xf32>,
        %gt3A_906 = arith.constant 3.500000e-01 : f32
        %gt3A_907 = vector.broadcast %gt3A_906 : f32 to vector<16xf32>
        %gt3A_908 = arith.cmpf ogt, %gather3A_905, %gt3A_907 : vector<16xf32>
        %jit3A_909 = arith.constant 5.000000e+01 : f32
        %broadcast_in_dim3A_910 = vector.broadcast %convert_element_type3A_738 : f32 to vector<16xf32>
        %broadcast_in_dim3A_911 = vector.broadcast %jit3A_909 : f32 to vector<16xf32>
        %select_n3A_912 = arith.select %gt3A_908, %broadcast_in_dim3A_910, %broadcast_in_dim3A_911 : vector<16xi1>, vector<16xf32>
        %min3A_913 = arith.minimumf %min3A_700, %select_n3A_912 : vector<16xf32>
        %mul3A_914 = vector.broadcast %convert_element_type3A_738 : f32 to vector<16xf32>
        %mul3A_915 = arith.mulf %get3A_249, %mul3A_914 : vector<16xf32>
        %add3A_916 = vector.broadcast %squeeze3A_195 : f32 to vector<16xf32>
        %add3A_917 = arith.addf %add3A_916, %mul3A_915 : vector<16xf32>
        %mul3A_918 = vector.broadcast %convert_element_type3A_738 : f32 to vector<16xf32>
        %mul3A_919 = arith.mulf %get3A_267, %mul3A_918 : vector<16xf32>
        %add3A_920 = vector.broadcast %squeeze3A_197 : f32 to vector<16xf32>
        %add3A_921 = arith.addf %add3A_920, %mul3A_919 : vector<16xf32>
        %add3A_922 = arith.constant 0x4B400000 : f32
        %add3A_923 = vector.broadcast %add3A_922 : f32 to vector<16xf32>
        %add3A_924 = arith.addf %add3A_917, %add3A_923 : vector<16xf32>
        %sub3A_925 = arith.constant 0x4B400000 : f32
        %sub3A_926 = vector.broadcast %sub3A_925 : f32 to vector<16xf32>
        %sub3A_927 = arith.subf %add3A_924, %sub3A_926 : vector<16xf32>
        %convert_element_type3A_928 = arith.fptosi %sub3A_927 : vector<16xf32> to vector<16xi32>
        %add3A_929 = arith.constant 0x4B400000 : f32
        %add3A_930 = vector.broadcast %add3A_929 : f32 to vector<16xf32>
        %add3A_931 = arith.addf %add3A_921, %add3A_930 : vector<16xf32>
        %sub3A_932 = arith.constant 0x4B400000 : f32
        %sub3A_933 = vector.broadcast %sub3A_932 : f32 to vector<16xf32>
        %sub3A_934 = arith.subf %add3A_931, %sub3A_933 : vector<16xf32>
        %convert_element_type3A_935 = arith.fptosi %sub3A_934 : vector<16xf32> to vector<16xi32>
        %sub3A_936 = vector.broadcast %sub3A_231 : i32 to vector<16xi32>
        %sub3A_937 = arith.subi %convert_element_type3A_935, %sub3A_936 : vector<16xi32>
        %sub3A_938 = vector.broadcast %shift_left3A_230 : i32 to vector<16xi32>
        %sub3A_939 = arith.subi %convert_element_type3A_928, %sub3A_938 : vector<16xi32>
        %gather3A_940 = tpu.vector_load_idx %arg11[%sub3A_937, %sub3A_939] : memref<124x40xf32, #tpu.memory_space<vmem>>[vector<16xi32>, vector<16xi32>], vector<16xf32>,
        %gt3A_941 = arith.constant 3.500000e-01 : f32
        %gt3A_942 = vector.broadcast %gt3A_941 : f32 to vector<16xf32>
        %gt3A_943 = arith.cmpf ogt, %gather3A_940, %gt3A_942 : vector<16xf32>
        %jit3A_944 = arith.constant 5.000000e+01 : f32
        %broadcast_in_dim3A_945 = vector.broadcast %convert_element_type3A_738 : f32 to vector<16xf32>
        %broadcast_in_dim3A_946 = vector.broadcast %jit3A_944 : f32 to vector<16xf32>
        %select_n3A_947 = arith.select %gt3A_943, %broadcast_in_dim3A_945, %broadcast_in_dim3A_946 : vector<16xi1>, vector<16xf32>
        %min3A_948 = arith.minimumf %min3A_735, %select_n3A_947 : vector<16xf32>
        %add3A_949 = arith.constant 3 : i32
        %add3A_950 = arith.addi %while3A_306, %add3A_949 : i32
        %convert_element_type3A_951 = arith.sitofp %add3A_950 : i32 to f32
        %mul3A_952 = vector.broadcast %convert_element_type3A_951 : f32 to vector<16xf32>
        %mul3A_953 = arith.mulf %get3A_234, %mul3A_952 : vector<16xf32>
        %add3A_954 = vector.broadcast %squeeze3A_195 : f32 to vector<16xf32>
        %add3A_955 = arith.addf %add3A_954, %mul3A_953 : vector<16xf32>
        %mul3A_956 = vector.broadcast %convert_element_type3A_951 : f32 to vector<16xf32>
        %mul3A_957 = arith.mulf %get3A_252, %mul3A_956 : vector<16xf32>
        %add3A_958 = vector.broadcast %squeeze3A_197 : f32 to vector<16xf32>
        %add3A_959 = arith.addf %add3A_958, %mul3A_957 : vector<16xf32>
        %add3A_960 = arith.constant 0x4B400000 : f32
        %add3A_961 = vector.broadcast %add3A_960 : f32 to vector<16xf32>
        %add3A_962 = arith.addf %add3A_955, %add3A_961 : vector<16xf32>
        %sub3A_963 = arith.constant 0x4B400000 : f32
        %sub3A_964 = vector.broadcast %sub3A_963 : f32 to vector<16xf32>
        %sub3A_965 = arith.subf %add3A_962, %sub3A_964 : vector<16xf32>
        %convert_element_type3A_966 = arith.fptosi %sub3A_965 : vector<16xf32> to vector<16xi32>
        %add3A_967 = arith.constant 0x4B400000 : f32
        %add3A_968 = vector.broadcast %add3A_967 : f32 to vector<16xf32>
        %add3A_969 = arith.addf %add3A_959, %add3A_968 : vector<16xf32>
        %sub3A_970 = arith.constant 0x4B400000 : f32
        %sub3A_971 = vector.broadcast %sub3A_970 : f32 to vector<16xf32>
        %sub3A_972 = arith.subf %add3A_969, %sub3A_971 : vector<16xf32>
        %convert_element_type3A_973 = arith.fptosi %sub3A_972 : vector<16xf32> to vector<16xi32>
        %sub3A_974 = vector.broadcast %sub3A_231 : i32 to vector<16xi32>
        %sub3A_975 = arith.subi %convert_element_type3A_973, %sub3A_974 : vector<16xi32>
        %sub3A_976 = vector.broadcast %shift_left3A_230 : i32 to vector<16xi32>
        %sub3A_977 = arith.subi %convert_element_type3A_966, %sub3A_976 : vector<16xi32>
        %gather3A_978 = tpu.vector_load_idx %arg11[%sub3A_975, %sub3A_977] : memref<124x40xf32, #tpu.memory_space<vmem>>[vector<16xi32>, vector<16xi32>], vector<16xf32>,
        %gt3A_979 = arith.constant 3.500000e-01 : f32
        %gt3A_980 = vector.broadcast %gt3A_979 : f32 to vector<16xf32>
        %gt3A_981 = arith.cmpf ogt, %gather3A_978, %gt3A_980 : vector<16xf32>
        %jit3A_982 = arith.constant 5.000000e+01 : f32
        %broadcast_in_dim3A_983 = vector.broadcast %convert_element_type3A_951 : f32 to vector<16xf32>
        %broadcast_in_dim3A_984 = vector.broadcast %jit3A_982 : f32 to vector<16xf32>
        %select_n3A_985 = arith.select %gt3A_981, %broadcast_in_dim3A_983, %broadcast_in_dim3A_984 : vector<16xi1>, vector<16xf32>
        %min3A_986 = arith.minimumf %min3A_773, %select_n3A_985 : vector<16xf32>
        %mul3A_987 = vector.broadcast %convert_element_type3A_951 : f32 to vector<16xf32>
        %mul3A_988 = arith.mulf %get3A_237, %mul3A_987 : vector<16xf32>
        %add3A_989 = vector.broadcast %squeeze3A_195 : f32 to vector<16xf32>
        %add3A_990 = arith.addf %add3A_989, %mul3A_988 : vector<16xf32>
        %mul3A_991 = vector.broadcast %convert_element_type3A_951 : f32 to vector<16xf32>
        %mul3A_992 = arith.mulf %get3A_255, %mul3A_991 : vector<16xf32>
        %add3A_993 = vector.broadcast %squeeze3A_197 : f32 to vector<16xf32>
        %add3A_994 = arith.addf %add3A_993, %mul3A_992 : vector<16xf32>
        %add3A_995 = arith.constant 0x4B400000 : f32
        %add3A_996 = vector.broadcast %add3A_995 : f32 to vector<16xf32>
        %add3A_997 = arith.addf %add3A_990, %add3A_996 : vector<16xf32>
        %sub3A_998 = arith.constant 0x4B400000 : f32
        %sub3A_999 = vector.broadcast %sub3A_998 : f32 to vector<16xf32>
        %sub3A_1000 = arith.subf %add3A_997, %sub3A_999 : vector<16xf32>
        %convert_element_type3A_1001 = arith.fptosi %sub3A_1000 : vector<16xf32> to vector<16xi32>
        %add3A_1002 = arith.constant 0x4B400000 : f32
        %add3A_1003 = vector.broadcast %add3A_1002 : f32 to vector<16xf32>
        %add3A_1004 = arith.addf %add3A_994, %add3A_1003 : vector<16xf32>
        %sub3A_1005 = arith.constant 0x4B400000 : f32
        %sub3A_1006 = vector.broadcast %sub3A_1005 : f32 to vector<16xf32>
        %sub3A_1007 = arith.subf %add3A_1004, %sub3A_1006 : vector<16xf32>
        %convert_element_type3A_1008 = arith.fptosi %sub3A_1007 : vector<16xf32> to vector<16xi32>
        %sub3A_1009 = vector.broadcast %sub3A_231 : i32 to vector<16xi32>
        %sub3A_1010 = arith.subi %convert_element_type3A_1008, %sub3A_1009 : vector<16xi32>
        %sub3A_1011 = vector.broadcast %shift_left3A_230 : i32 to vector<16xi32>
        %sub3A_1012 = arith.subi %convert_element_type3A_1001, %sub3A_1011 : vector<16xi32>
        %gather3A_1013 = tpu.vector_load_idx %arg11[%sub3A_1010, %sub3A_1012] : memref<124x40xf32, #tpu.memory_space<vmem>>[vector<16xi32>, vector<16xi32>], vector<16xf32>,
        %gt3A_1014 = arith.constant 3.500000e-01 : f32
        %gt3A_1015 = vector.broadcast %gt3A_1014 : f32 to vector<16xf32>
        %gt3A_1016 = arith.cmpf ogt, %gather3A_1013, %gt3A_1015 : vector<16xf32>
        %jit3A_1017 = arith.constant 5.000000e+01 : f32
        %broadcast_in_dim3A_1018 = vector.broadcast %convert_element_type3A_951 : f32 to vector<16xf32>
        %broadcast_in_dim3A_1019 = vector.broadcast %jit3A_1017 : f32 to vector<16xf32>
        %select_n3A_1020 = arith.select %gt3A_1016, %broadcast_in_dim3A_1018, %broadcast_in_dim3A_1019 : vector<16xi1>, vector<16xf32>
        %min3A_1021 = arith.minimumf %min3A_808, %select_n3A_1020 : vector<16xf32>
        %mul3A_1022 = vector.broadcast %convert_element_type3A_951 : f32 to vector<16xf32>
        %mul3A_1023 = arith.mulf %get3A_240, %mul3A_1022 : vector<16xf32>
        %add3A_1024 = vector.broadcast %squeeze3A_195 : f32 to vector<16xf32>
        %add3A_1025 = arith.addf %add3A_1024, %mul3A_1023 : vector<16xf32>
        %mul3A_1026 = vector.broadcast %convert_element_type3A_951 : f32 to vector<16xf32>
        %mul3A_1027 = arith.mulf %get3A_258, %mul3A_1026 : vector<16xf32>
        %add3A_1028 = vector.broadcast %squeeze3A_197 : f32 to vector<16xf32>
        %add3A_1029 = arith.addf %add3A_1028, %mul3A_1027 : vector<16xf32>
        %add3A_1030 = arith.constant 0x4B400000 : f32
        %add3A_1031 = vector.broadcast %add3A_1030 : f32 to vector<16xf32>
        %add3A_1032 = arith.addf %add3A_1025, %add3A_1031 : vector<16xf32>
        %sub3A_1033 = arith.constant 0x4B400000 : f32
        %sub3A_1034 = vector.broadcast %sub3A_1033 : f32 to vector<16xf32>
        %sub3A_1035 = arith.subf %add3A_1032, %sub3A_1034 : vector<16xf32>
        %convert_element_type3A_1036 = arith.fptosi %sub3A_1035 : vector<16xf32> to vector<16xi32>
        %add3A_1037 = arith.constant 0x4B400000 : f32
        %add3A_1038 = vector.broadcast %add3A_1037 : f32 to vector<16xf32>
        %add3A_1039 = arith.addf %add3A_1029, %add3A_1038 : vector<16xf32>
        %sub3A_1040 = arith.constant 0x4B400000 : f32
        %sub3A_1041 = vector.broadcast %sub3A_1040 : f32 to vector<16xf32>
        %sub3A_1042 = arith.subf %add3A_1039, %sub3A_1041 : vector<16xf32>
        %convert_element_type3A_1043 = arith.fptosi %sub3A_1042 : vector<16xf32> to vector<16xi32>
        %sub3A_1044 = vector.broadcast %sub3A_231 : i32 to vector<16xi32>
        %sub3A_1045 = arith.subi %convert_element_type3A_1043, %sub3A_1044 : vector<16xi32>
        %sub3A_1046 = vector.broadcast %shift_left3A_230 : i32 to vector<16xi32>
        %sub3A_1047 = arith.subi %convert_element_type3A_1036, %sub3A_1046 : vector<16xi32>
        %gather3A_1048 = tpu.vector_load_idx %arg11[%sub3A_1045, %sub3A_1047] : memref<124x40xf32, #tpu.memory_space<vmem>>[vector<16xi32>, vector<16xi32>], vector<16xf32>,
        %gt3A_1049 = arith.constant 3.500000e-01 : f32
        %gt3A_1050 = vector.broadcast %gt3A_1049 : f32 to vector<16xf32>
        %gt3A_1051 = arith.cmpf ogt, %gather3A_1048, %gt3A_1050 : vector<16xf32>
        %jit3A_1052 = arith.constant 5.000000e+01 : f32
        %broadcast_in_dim3A_1053 = vector.broadcast %convert_element_type3A_951 : f32 to vector<16xf32>
        %broadcast_in_dim3A_1054 = vector.broadcast %jit3A_1052 : f32 to vector<16xf32>
        %select_n3A_1055 = arith.select %gt3A_1051, %broadcast_in_dim3A_1053, %broadcast_in_dim3A_1054 : vector<16xi1>, vector<16xf32>
        %min3A_1056 = arith.minimumf %min3A_843, %select_n3A_1055 : vector<16xf32>
        %mul3A_1057 = vector.broadcast %convert_element_type3A_951 : f32 to vector<16xf32>
        %mul3A_1058 = arith.mulf %get3A_243, %mul3A_1057 : vector<16xf32>
        %add3A_1059 = vector.broadcast %squeeze3A_195 : f32 to vector<16xf32>
        %add3A_1060 = arith.addf %add3A_1059, %mul3A_1058 : vector<16xf32>
        %mul3A_1061 = vector.broadcast %convert_element_type3A_951 : f32 to vector<16xf32>
        %mul3A_1062 = arith.mulf %get3A_261, %mul3A_1061 : vector<16xf32>
        %add3A_1063 = vector.broadcast %squeeze3A_197 : f32 to vector<16xf32>
        %add3A_1064 = arith.addf %add3A_1063, %mul3A_1062 : vector<16xf32>
        %add3A_1065 = arith.constant 0x4B400000 : f32
        %add3A_1066 = vector.broadcast %add3A_1065 : f32 to vector<16xf32>
        %add3A_1067 = arith.addf %add3A_1060, %add3A_1066 : vector<16xf32>
        %sub3A_1068 = arith.constant 0x4B400000 : f32
        %sub3A_1069 = vector.broadcast %sub3A_1068 : f32 to vector<16xf32>
        %sub3A_1070 = arith.subf %add3A_1067, %sub3A_1069 : vector<16xf32>
        %convert_element_type3A_1071 = arith.fptosi %sub3A_1070 : vector<16xf32> to vector<16xi32>
        %add3A_1072 = arith.constant 0x4B400000 : f32
        %add3A_1073 = vector.broadcast %add3A_1072 : f32 to vector<16xf32>
        %add3A_1074 = arith.addf %add3A_1064, %add3A_1073 : vector<16xf32>
        %sub3A_1075 = arith.constant 0x4B400000 : f32
        %sub3A_1076 = vector.broadcast %sub3A_1075 : f32 to vector<16xf32>
        %sub3A_1077 = arith.subf %add3A_1074, %sub3A_1076 : vector<16xf32>
        %convert_element_type3A_1078 = arith.fptosi %sub3A_1077 : vector<16xf32> to vector<16xi32>
        %sub3A_1079 = vector.broadcast %sub3A_231 : i32 to vector<16xi32>
        %sub3A_1080 = arith.subi %convert_element_type3A_1078, %sub3A_1079 : vector<16xi32>
        %sub3A_1081 = vector.broadcast %shift_left3A_230 : i32 to vector<16xi32>
        %sub3A_1082 = arith.subi %convert_element_type3A_1071, %sub3A_1081 : vector<16xi32>
        %gather3A_1083 = tpu.vector_load_idx %arg11[%sub3A_1080, %sub3A_1082] : memref<124x40xf32, #tpu.memory_space<vmem>>[vector<16xi32>, vector<16xi32>], vector<16xf32>,
        %gt3A_1084 = arith.constant 3.500000e-01 : f32
        %gt3A_1085 = vector.broadcast %gt3A_1084 : f32 to vector<16xf32>
        %gt3A_1086 = arith.cmpf ogt, %gather3A_1083, %gt3A_1085 : vector<16xf32>
        %jit3A_1087 = arith.constant 5.000000e+01 : f32
        %broadcast_in_dim3A_1088 = vector.broadcast %convert_element_type3A_951 : f32 to vector<16xf32>
        %broadcast_in_dim3A_1089 = vector.broadcast %jit3A_1087 : f32 to vector<16xf32>
        %select_n3A_1090 = arith.select %gt3A_1086, %broadcast_in_dim3A_1088, %broadcast_in_dim3A_1089 : vector<16xi1>, vector<16xf32>
        %min3A_1091 = arith.minimumf %min3A_878, %select_n3A_1090 : vector<16xf32>
        %mul3A_1092 = vector.broadcast %convert_element_type3A_951 : f32 to vector<16xf32>
        %mul3A_1093 = arith.mulf %get3A_246, %mul3A_1092 : vector<16xf32>
        %add3A_1094 = vector.broadcast %squeeze3A_195 : f32 to vector<16xf32>
        %add3A_1095 = arith.addf %add3A_1094, %mul3A_1093 : vector<16xf32>
        %mul3A_1096 = vector.broadcast %convert_element_type3A_951 : f32 to vector<16xf32>
        %mul3A_1097 = arith.mulf %get3A_264, %mul3A_1096 : vector<16xf32>
        %add3A_1098 = vector.broadcast %squeeze3A_197 : f32 to vector<16xf32>
        %add3A_1099 = arith.addf %add3A_1098, %mul3A_1097 : vector<16xf32>
        %add3A_1100 = arith.constant 0x4B400000 : f32
        %add3A_1101 = vector.broadcast %add3A_1100 : f32 to vector<16xf32>
        %add3A_1102 = arith.addf %add3A_1095, %add3A_1101 : vector<16xf32>
        %sub3A_1103 = arith.constant 0x4B400000 : f32
        %sub3A_1104 = vector.broadcast %sub3A_1103 : f32 to vector<16xf32>
        %sub3A_1105 = arith.subf %add3A_1102, %sub3A_1104 : vector<16xf32>
        %convert_element_type3A_1106 = arith.fptosi %sub3A_1105 : vector<16xf32> to vector<16xi32>
        %add3A_1107 = arith.constant 0x4B400000 : f32
        %add3A_1108 = vector.broadcast %add3A_1107 : f32 to vector<16xf32>
        %add3A_1109 = arith.addf %add3A_1099, %add3A_1108 : vector<16xf32>
        %sub3A_1110 = arith.constant 0x4B400000 : f32
        %sub3A_1111 = vector.broadcast %sub3A_1110 : f32 to vector<16xf32>
        %sub3A_1112 = arith.subf %add3A_1109, %sub3A_1111 : vector<16xf32>
        %convert_element_type3A_1113 = arith.fptosi %sub3A_1112 : vector<16xf32> to vector<16xi32>
        %sub3A_1114 = vector.broadcast %sub3A_231 : i32 to vector<16xi32>
        %sub3A_1115 = arith.subi %convert_element_type3A_1113, %sub3A_1114 : vector<16xi32>
        %sub3A_1116 = vector.broadcast %shift_left3A_230 : i32 to vector<16xi32>
        %sub3A_1117 = arith.subi %convert_element_type3A_1106, %sub3A_1116 : vector<16xi32>
        %gather3A_1118 = tpu.vector_load_idx %arg11[%sub3A_1115, %sub3A_1117] : memref<124x40xf32, #tpu.memory_space<vmem>>[vector<16xi32>, vector<16xi32>], vector<16xf32>,
        %gt3A_1119 = arith.constant 3.500000e-01 : f32
        %gt3A_1120 = vector.broadcast %gt3A_1119 : f32 to vector<16xf32>
        %gt3A_1121 = arith.cmpf ogt, %gather3A_1118, %gt3A_1120 : vector<16xf32>
        %jit3A_1122 = arith.constant 5.000000e+01 : f32
        %broadcast_in_dim3A_1123 = vector.broadcast %convert_element_type3A_951 : f32 to vector<16xf32>
        %broadcast_in_dim3A_1124 = vector.broadcast %jit3A_1122 : f32 to vector<16xf32>
        %select_n3A_1125 = arith.select %gt3A_1121, %broadcast_in_dim3A_1123, %broadcast_in_dim3A_1124 : vector<16xi1>, vector<16xf32>
        %min3A_1126 = arith.minimumf %min3A_913, %select_n3A_1125 : vector<16xf32>
        %mul3A_1127 = vector.broadcast %convert_element_type3A_951 : f32 to vector<16xf32>
        %mul3A_1128 = arith.mulf %get3A_249, %mul3A_1127 : vector<16xf32>
        %add3A_1129 = vector.broadcast %squeeze3A_195 : f32 to vector<16xf32>
        %add3A_1130 = arith.addf %add3A_1129, %mul3A_1128 : vector<16xf32>
        %mul3A_1131 = vector.broadcast %convert_element_type3A_951 : f32 to vector<16xf32>
        %mul3A_1132 = arith.mulf %get3A_267, %mul3A_1131 : vector<16xf32>
        %add3A_1133 = vector.broadcast %squeeze3A_197 : f32 to vector<16xf32>
        %add3A_1134 = arith.addf %add3A_1133, %mul3A_1132 : vector<16xf32>
        %add3A_1135 = arith.constant 0x4B400000 : f32
        %add3A_1136 = vector.broadcast %add3A_1135 : f32 to vector<16xf32>
        %add3A_1137 = arith.addf %add3A_1130, %add3A_1136 : vector<16xf32>
        %sub3A_1138 = arith.constant 0x4B400000 : f32
        %sub3A_1139 = vector.broadcast %sub3A_1138 : f32 to vector<16xf32>
        %sub3A_1140 = arith.subf %add3A_1137, %sub3A_1139 : vector<16xf32>
        %convert_element_type3A_1141 = arith.fptosi %sub3A_1140 : vector<16xf32> to vector<16xi32>
        %add3A_1142 = arith.constant 0x4B400000 : f32
        %add3A_1143 = vector.broadcast %add3A_1142 : f32 to vector<16xf32>
        %add3A_1144 = arith.addf %add3A_1134, %add3A_1143 : vector<16xf32>
        %sub3A_1145 = arith.constant 0x4B400000 : f32
        %sub3A_1146 = vector.broadcast %sub3A_1145 : f32 to vector<16xf32>
        %sub3A_1147 = arith.subf %add3A_1144, %sub3A_1146 : vector<16xf32>
        %convert_element_type3A_1148 = arith.fptosi %sub3A_1147 : vector<16xf32> to vector<16xi32>
        %sub3A_1149 = vector.broadcast %sub3A_231 : i32 to vector<16xi32>
        %sub3A_1150 = arith.subi %convert_element_type3A_1148, %sub3A_1149 : vector<16xi32>
        %sub3A_1151 = vector.broadcast %shift_left3A_230 : i32 to vector<16xi32>
        %sub3A_1152 = arith.subi %convert_element_type3A_1141, %sub3A_1151 : vector<16xi32>
        %gather3A_1153 = tpu.vector_load_idx %arg11[%sub3A_1150, %sub3A_1152] : memref<124x40xf32, #tpu.memory_space<vmem>>[vector<16xi32>, vector<16xi32>], vector<16xf32>,
        %gt3A_1154 = arith.constant 3.500000e-01 : f32
        %gt3A_1155 = vector.broadcast %gt3A_1154 : f32 to vector<16xf32>
        %gt3A_1156 = arith.cmpf ogt, %gather3A_1153, %gt3A_1155 : vector<16xf32>
        %jit3A_1157 = arith.constant 5.000000e+01 : f32
        %broadcast_in_dim3A_1158 = vector.broadcast %convert_element_type3A_951 : f32 to vector<16xf32>
        %broadcast_in_dim3A_1159 = vector.broadcast %jit3A_1157 : f32 to vector<16xf32>
        %select_n3A_1160 = arith.select %gt3A_1156, %broadcast_in_dim3A_1158, %broadcast_in_dim3A_1159 : vector<16xi1>, vector<16xf32>
        %min3A_1161 = arith.minimumf %min3A_948, %select_n3A_1160 : vector<16xf32>
        %add3A_1162 = arith.constant 4 : i32
        %add3A_1163 = arith.addi %while3A_306, %add3A_1162 : i32
        %convert_element_type3A_1164 = arith.sitofp %add3A_1163 : i32 to f32
        %mul3A_1165 = vector.broadcast %convert_element_type3A_1164 : f32 to vector<16xf32>
        %mul3A_1166 = arith.mulf %get3A_234, %mul3A_1165 : vector<16xf32>
        %add3A_1167 = vector.broadcast %squeeze3A_195 : f32 to vector<16xf32>
        %add3A_1168 = arith.addf %add3A_1167, %mul3A_1166 : vector<16xf32>
        %mul3A_1169 = vector.broadcast %convert_element_type3A_1164 : f32 to vector<16xf32>
        %mul3A_1170 = arith.mulf %get3A_252, %mul3A_1169 : vector<16xf32>
        %add3A_1171 = vector.broadcast %squeeze3A_197 : f32 to vector<16xf32>
        %add3A_1172 = arith.addf %add3A_1171, %mul3A_1170 : vector<16xf32>
        %add3A_1173 = arith.constant 0x4B400000 : f32
        %add3A_1174 = vector.broadcast %add3A_1173 : f32 to vector<16xf32>
        %add3A_1175 = arith.addf %add3A_1168, %add3A_1174 : vector<16xf32>
        %sub3A_1176 = arith.constant 0x4B400000 : f32
        %sub3A_1177 = vector.broadcast %sub3A_1176 : f32 to vector<16xf32>
        %sub3A_1178 = arith.subf %add3A_1175, %sub3A_1177 : vector<16xf32>
        %convert_element_type3A_1179 = arith.fptosi %sub3A_1178 : vector<16xf32> to vector<16xi32>
        %add3A_1180 = arith.constant 0x4B400000 : f32
        %add3A_1181 = vector.broadcast %add3A_1180 : f32 to vector<16xf32>
        %add3A_1182 = arith.addf %add3A_1172, %add3A_1181 : vector<16xf32>
        %sub3A_1183 = arith.constant 0x4B400000 : f32
        %sub3A_1184 = vector.broadcast %sub3A_1183 : f32 to vector<16xf32>
        %sub3A_1185 = arith.subf %add3A_1182, %sub3A_1184 : vector<16xf32>
        %convert_element_type3A_1186 = arith.fptosi %sub3A_1185 : vector<16xf32> to vector<16xi32>
        %sub3A_1187 = vector.broadcast %sub3A_231 : i32 to vector<16xi32>
        %sub3A_1188 = arith.subi %convert_element_type3A_1186, %sub3A_1187 : vector<16xi32>
        %sub3A_1189 = vector.broadcast %shift_left3A_230 : i32 to vector<16xi32>
        %sub3A_1190 = arith.subi %convert_element_type3A_1179, %sub3A_1189 : vector<16xi32>
        %gather3A_1191 = tpu.vector_load_idx %arg11[%sub3A_1188, %sub3A_1190] : memref<124x40xf32, #tpu.memory_space<vmem>>[vector<16xi32>, vector<16xi32>], vector<16xf32>,
        %gt3A_1192 = arith.constant 3.500000e-01 : f32
        %gt3A_1193 = vector.broadcast %gt3A_1192 : f32 to vector<16xf32>
        %gt3A_1194 = arith.cmpf ogt, %gather3A_1191, %gt3A_1193 : vector<16xf32>
        %jit3A_1195 = arith.constant 5.000000e+01 : f32
        %broadcast_in_dim3A_1196 = vector.broadcast %convert_element_type3A_1164 : f32 to vector<16xf32>
        %broadcast_in_dim3A_1197 = vector.broadcast %jit3A_1195 : f32 to vector<16xf32>
        %select_n3A_1198 = arith.select %gt3A_1194, %broadcast_in_dim3A_1196, %broadcast_in_dim3A_1197 : vector<16xi1>, vector<16xf32>
        %min3A_1199 = arith.minimumf %min3A_986, %select_n3A_1198 : vector<16xf32>
        %mul3A_1200 = vector.broadcast %convert_element_type3A_1164 : f32 to vector<16xf32>
        %mul3A_1201 = arith.mulf %get3A_237, %mul3A_1200 : vector<16xf32>
        %add3A_1202 = vector.broadcast %squeeze3A_195 : f32 to vector<16xf32>
        %add3A_1203 = arith.addf %add3A_1202, %mul3A_1201 : vector<16xf32>
        %mul3A_1204 = vector.broadcast %convert_element_type3A_1164 : f32 to vector<16xf32>
        %mul3A_1205 = arith.mulf %get3A_255, %mul3A_1204 : vector<16xf32>
        %add3A_1206 = vector.broadcast %squeeze3A_197 : f32 to vector<16xf32>
        %add3A_1207 = arith.addf %add3A_1206, %mul3A_1205 : vector<16xf32>
        %add3A_1208 = arith.constant 0x4B400000 : f32
        %add3A_1209 = vector.broadcast %add3A_1208 : f32 to vector<16xf32>
        %add3A_1210 = arith.addf %add3A_1203, %add3A_1209 : vector<16xf32>
        %sub3A_1211 = arith.constant 0x4B400000 : f32
        %sub3A_1212 = vector.broadcast %sub3A_1211 : f32 to vector<16xf32>
        %sub3A_1213 = arith.subf %add3A_1210, %sub3A_1212 : vector<16xf32>
        %convert_element_type3A_1214 = arith.fptosi %sub3A_1213 : vector<16xf32> to vector<16xi32>
        %add3A_1215 = arith.constant 0x4B400000 : f32
        %add3A_1216 = vector.broadcast %add3A_1215 : f32 to vector<16xf32>
        %add3A_1217 = arith.addf %add3A_1207, %add3A_1216 : vector<16xf32>
        %sub3A_1218 = arith.constant 0x4B400000 : f32
        %sub3A_1219 = vector.broadcast %sub3A_1218 : f32 to vector<16xf32>
        %sub3A_1220 = arith.subf %add3A_1217, %sub3A_1219 : vector<16xf32>
        %convert_element_type3A_1221 = arith.fptosi %sub3A_1220 : vector<16xf32> to vector<16xi32>
        %sub3A_1222 = vector.broadcast %sub3A_231 : i32 to vector<16xi32>
        %sub3A_1223 = arith.subi %convert_element_type3A_1221, %sub3A_1222 : vector<16xi32>
        %sub3A_1224 = vector.broadcast %shift_left3A_230 : i32 to vector<16xi32>
        %sub3A_1225 = arith.subi %convert_element_type3A_1214, %sub3A_1224 : vector<16xi32>
        %gather3A_1226 = tpu.vector_load_idx %arg11[%sub3A_1223, %sub3A_1225] : memref<124x40xf32, #tpu.memory_space<vmem>>[vector<16xi32>, vector<16xi32>], vector<16xf32>,
        %gt3A_1227 = arith.constant 3.500000e-01 : f32
        %gt3A_1228 = vector.broadcast %gt3A_1227 : f32 to vector<16xf32>
        %gt3A_1229 = arith.cmpf ogt, %gather3A_1226, %gt3A_1228 : vector<16xf32>
        %jit3A_1230 = arith.constant 5.000000e+01 : f32
        %broadcast_in_dim3A_1231 = vector.broadcast %convert_element_type3A_1164 : f32 to vector<16xf32>
        %broadcast_in_dim3A_1232 = vector.broadcast %jit3A_1230 : f32 to vector<16xf32>
        %select_n3A_1233 = arith.select %gt3A_1229, %broadcast_in_dim3A_1231, %broadcast_in_dim3A_1232 : vector<16xi1>, vector<16xf32>
        %min3A_1234 = arith.minimumf %min3A_1021, %select_n3A_1233 : vector<16xf32>
        %mul3A_1235 = vector.broadcast %convert_element_type3A_1164 : f32 to vector<16xf32>
        %mul3A_1236 = arith.mulf %get3A_240, %mul3A_1235 : vector<16xf32>
        %add3A_1237 = vector.broadcast %squeeze3A_195 : f32 to vector<16xf32>
        %add3A_1238 = arith.addf %add3A_1237, %mul3A_1236 : vector<16xf32>
        %mul3A_1239 = vector.broadcast %convert_element_type3A_1164 : f32 to vector<16xf32>
        %mul3A_1240 = arith.mulf %get3A_258, %mul3A_1239 : vector<16xf32>
        %add3A_1241 = vector.broadcast %squeeze3A_197 : f32 to vector<16xf32>
        %add3A_1242 = arith.addf %add3A_1241, %mul3A_1240 : vector<16xf32>
        %add3A_1243 = arith.constant 0x4B400000 : f32
        %add3A_1244 = vector.broadcast %add3A_1243 : f32 to vector<16xf32>
        %add3A_1245 = arith.addf %add3A_1238, %add3A_1244 : vector<16xf32>
        %sub3A_1246 = arith.constant 0x4B400000 : f32
        %sub3A_1247 = vector.broadcast %sub3A_1246 : f32 to vector<16xf32>
        %sub3A_1248 = arith.subf %add3A_1245, %sub3A_1247 : vector<16xf32>
        %convert_element_type3A_1249 = arith.fptosi %sub3A_1248 : vector<16xf32> to vector<16xi32>
        %add3A_1250 = arith.constant 0x4B400000 : f32
        %add3A_1251 = vector.broadcast %add3A_1250 : f32 to vector<16xf32>
        %add3A_1252 = arith.addf %add3A_1242, %add3A_1251 : vector<16xf32>
        %sub3A_1253 = arith.constant 0x4B400000 : f32
        %sub3A_1254 = vector.broadcast %sub3A_1253 : f32 to vector<16xf32>
        %sub3A_1255 = arith.subf %add3A_1252, %sub3A_1254 : vector<16xf32>
        %convert_element_type3A_1256 = arith.fptosi %sub3A_1255 : vector<16xf32> to vector<16xi32>
        %sub3A_1257 = vector.broadcast %sub3A_231 : i32 to vector<16xi32>
        %sub3A_1258 = arith.subi %convert_element_type3A_1256, %sub3A_1257 : vector<16xi32>
        %sub3A_1259 = vector.broadcast %shift_left3A_230 : i32 to vector<16xi32>
        %sub3A_1260 = arith.subi %convert_element_type3A_1249, %sub3A_1259 : vector<16xi32>
        %gather3A_1261 = tpu.vector_load_idx %arg11[%sub3A_1258, %sub3A_1260] : memref<124x40xf32, #tpu.memory_space<vmem>>[vector<16xi32>, vector<16xi32>], vector<16xf32>,
        %gt3A_1262 = arith.constant 3.500000e-01 : f32
        %gt3A_1263 = vector.broadcast %gt3A_1262 : f32 to vector<16xf32>
        %gt3A_1264 = arith.cmpf ogt, %gather3A_1261, %gt3A_1263 : vector<16xf32>
        %jit3A_1265 = arith.constant 5.000000e+01 : f32
        %broadcast_in_dim3A_1266 = vector.broadcast %convert_element_type3A_1164 : f32 to vector<16xf32>
        %broadcast_in_dim3A_1267 = vector.broadcast %jit3A_1265 : f32 to vector<16xf32>
        %select_n3A_1268 = arith.select %gt3A_1264, %broadcast_in_dim3A_1266, %broadcast_in_dim3A_1267 : vector<16xi1>, vector<16xf32>
        %min3A_1269 = arith.minimumf %min3A_1056, %select_n3A_1268 : vector<16xf32>
        %mul3A_1270 = vector.broadcast %convert_element_type3A_1164 : f32 to vector<16xf32>
        %mul3A_1271 = arith.mulf %get3A_243, %mul3A_1270 : vector<16xf32>
        %add3A_1272 = vector.broadcast %squeeze3A_195 : f32 to vector<16xf32>
        %add3A_1273 = arith.addf %add3A_1272, %mul3A_1271 : vector<16xf32>
        %mul3A_1274 = vector.broadcast %convert_element_type3A_1164 : f32 to vector<16xf32>
        %mul3A_1275 = arith.mulf %get3A_261, %mul3A_1274 : vector<16xf32>
        %add3A_1276 = vector.broadcast %squeeze3A_197 : f32 to vector<16xf32>
        %add3A_1277 = arith.addf %add3A_1276, %mul3A_1275 : vector<16xf32>
        %add3A_1278 = arith.constant 0x4B400000 : f32
        %add3A_1279 = vector.broadcast %add3A_1278 : f32 to vector<16xf32>
        %add3A_1280 = arith.addf %add3A_1273, %add3A_1279 : vector<16xf32>
        %sub3A_1281 = arith.constant 0x4B400000 : f32
        %sub3A_1282 = vector.broadcast %sub3A_1281 : f32 to vector<16xf32>
        %sub3A_1283 = arith.subf %add3A_1280, %sub3A_1282 : vector<16xf32>
        %convert_element_type3A_1284 = arith.fptosi %sub3A_1283 : vector<16xf32> to vector<16xi32>
        %add3A_1285 = arith.constant 0x4B400000 : f32
        %add3A_1286 = vector.broadcast %add3A_1285 : f32 to vector<16xf32>
        %add3A_1287 = arith.addf %add3A_1277, %add3A_1286 : vector<16xf32>
        %sub3A_1288 = arith.constant 0x4B400000 : f32
        %sub3A_1289 = vector.broadcast %sub3A_1288 : f32 to vector<16xf32>
        %sub3A_1290 = arith.subf %add3A_1287, %sub3A_1289 : vector<16xf32>
        %convert_element_type3A_1291 = arith.fptosi %sub3A_1290 : vector<16xf32> to vector<16xi32>
        %sub3A_1292 = vector.broadcast %sub3A_231 : i32 to vector<16xi32>
        %sub3A_1293 = arith.subi %convert_element_type3A_1291, %sub3A_1292 : vector<16xi32>
        %sub3A_1294 = vector.broadcast %shift_left3A_230 : i32 to vector<16xi32>
        %sub3A_1295 = arith.subi %convert_element_type3A_1284, %sub3A_1294 : vector<16xi32>
        %gather3A_1296 = tpu.vector_load_idx %arg11[%sub3A_1293, %sub3A_1295] : memref<124x40xf32, #tpu.memory_space<vmem>>[vector<16xi32>, vector<16xi32>], vector<16xf32>,
        %gt3A_1297 = arith.constant 3.500000e-01 : f32
        %gt3A_1298 = vector.broadcast %gt3A_1297 : f32 to vector<16xf32>
        %gt3A_1299 = arith.cmpf ogt, %gather3A_1296, %gt3A_1298 : vector<16xf32>
        %jit3A_1300 = arith.constant 5.000000e+01 : f32
        %broadcast_in_dim3A_1301 = vector.broadcast %convert_element_type3A_1164 : f32 to vector<16xf32>
        %broadcast_in_dim3A_1302 = vector.broadcast %jit3A_1300 : f32 to vector<16xf32>
        %select_n3A_1303 = arith.select %gt3A_1299, %broadcast_in_dim3A_1301, %broadcast_in_dim3A_1302 : vector<16xi1>, vector<16xf32>
        %min3A_1304 = arith.minimumf %min3A_1091, %select_n3A_1303 : vector<16xf32>
        %mul3A_1305 = vector.broadcast %convert_element_type3A_1164 : f32 to vector<16xf32>
        %mul3A_1306 = arith.mulf %get3A_246, %mul3A_1305 : vector<16xf32>
        %add3A_1307 = vector.broadcast %squeeze3A_195 : f32 to vector<16xf32>
        %add3A_1308 = arith.addf %add3A_1307, %mul3A_1306 : vector<16xf32>
        %mul3A_1309 = vector.broadcast %convert_element_type3A_1164 : f32 to vector<16xf32>
        %mul3A_1310 = arith.mulf %get3A_264, %mul3A_1309 : vector<16xf32>
        %add3A_1311 = vector.broadcast %squeeze3A_197 : f32 to vector<16xf32>
        %add3A_1312 = arith.addf %add3A_1311, %mul3A_1310 : vector<16xf32>
        %add3A_1313 = arith.constant 0x4B400000 : f32
        %add3A_1314 = vector.broadcast %add3A_1313 : f32 to vector<16xf32>
        %add3A_1315 = arith.addf %add3A_1308, %add3A_1314 : vector<16xf32>
        %sub3A_1316 = arith.constant 0x4B400000 : f32
        %sub3A_1317 = vector.broadcast %sub3A_1316 : f32 to vector<16xf32>
        %sub3A_1318 = arith.subf %add3A_1315, %sub3A_1317 : vector<16xf32>
        %convert_element_type3A_1319 = arith.fptosi %sub3A_1318 : vector<16xf32> to vector<16xi32>
        %add3A_1320 = arith.constant 0x4B400000 : f32
        %add3A_1321 = vector.broadcast %add3A_1320 : f32 to vector<16xf32>
        %add3A_1322 = arith.addf %add3A_1312, %add3A_1321 : vector<16xf32>
        %sub3A_1323 = arith.constant 0x4B400000 : f32
        %sub3A_1324 = vector.broadcast %sub3A_1323 : f32 to vector<16xf32>
        %sub3A_1325 = arith.subf %add3A_1322, %sub3A_1324 : vector<16xf32>
        %convert_element_type3A_1326 = arith.fptosi %sub3A_1325 : vector<16xf32> to vector<16xi32>
        %sub3A_1327 = vector.broadcast %sub3A_231 : i32 to vector<16xi32>
        %sub3A_1328 = arith.subi %convert_element_type3A_1326, %sub3A_1327 : vector<16xi32>
        %sub3A_1329 = vector.broadcast %shift_left3A_230 : i32 to vector<16xi32>
        %sub3A_1330 = arith.subi %convert_element_type3A_1319, %sub3A_1329 : vector<16xi32>
        %gather3A_1331 = tpu.vector_load_idx %arg11[%sub3A_1328, %sub3A_1330] : memref<124x40xf32, #tpu.memory_space<vmem>>[vector<16xi32>, vector<16xi32>], vector<16xf32>,
        %gt3A_1332 = arith.constant 3.500000e-01 : f32
        %gt3A_1333 = vector.broadcast %gt3A_1332 : f32 to vector<16xf32>
        %gt3A_1334 = arith.cmpf ogt, %gather3A_1331, %gt3A_1333 : vector<16xf32>
        %jit3A_1335 = arith.constant 5.000000e+01 : f32
        %broadcast_in_dim3A_1336 = vector.broadcast %convert_element_type3A_1164 : f32 to vector<16xf32>
        %broadcast_in_dim3A_1337 = vector.broadcast %jit3A_1335 : f32 to vector<16xf32>
        %select_n3A_1338 = arith.select %gt3A_1334, %broadcast_in_dim3A_1336, %broadcast_in_dim3A_1337 : vector<16xi1>, vector<16xf32>
        %min3A_1339 = arith.minimumf %min3A_1126, %select_n3A_1338 : vector<16xf32>
        %mul3A_1340 = vector.broadcast %convert_element_type3A_1164 : f32 to vector<16xf32>
        %mul3A_1341 = arith.mulf %get3A_249, %mul3A_1340 : vector<16xf32>
        %add3A_1342 = vector.broadcast %squeeze3A_195 : f32 to vector<16xf32>
        %add3A_1343 = arith.addf %add3A_1342, %mul3A_1341 : vector<16xf32>
        %mul3A_1344 = vector.broadcast %convert_element_type3A_1164 : f32 to vector<16xf32>
        %mul3A_1345 = arith.mulf %get3A_267, %mul3A_1344 : vector<16xf32>
        %add3A_1346 = vector.broadcast %squeeze3A_197 : f32 to vector<16xf32>
        %add3A_1347 = arith.addf %add3A_1346, %mul3A_1345 : vector<16xf32>
        %add3A_1348 = arith.constant 0x4B400000 : f32
        %add3A_1349 = vector.broadcast %add3A_1348 : f32 to vector<16xf32>
        %add3A_1350 = arith.addf %add3A_1343, %add3A_1349 : vector<16xf32>
        %sub3A_1351 = arith.constant 0x4B400000 : f32
        %sub3A_1352 = vector.broadcast %sub3A_1351 : f32 to vector<16xf32>
        %sub3A_1353 = arith.subf %add3A_1350, %sub3A_1352 : vector<16xf32>
        %convert_element_type3A_1354 = arith.fptosi %sub3A_1353 : vector<16xf32> to vector<16xi32>
        %add3A_1355 = arith.constant 0x4B400000 : f32
        %add3A_1356 = vector.broadcast %add3A_1355 : f32 to vector<16xf32>
        %add3A_1357 = arith.addf %add3A_1347, %add3A_1356 : vector<16xf32>
        %sub3A_1358 = arith.constant 0x4B400000 : f32
        %sub3A_1359 = vector.broadcast %sub3A_1358 : f32 to vector<16xf32>
        %sub3A_1360 = arith.subf %add3A_1357, %sub3A_1359 : vector<16xf32>
        %convert_element_type3A_1361 = arith.fptosi %sub3A_1360 : vector<16xf32> to vector<16xi32>
        %sub3A_1362 = vector.broadcast %sub3A_231 : i32 to vector<16xi32>
        %sub3A_1363 = arith.subi %convert_element_type3A_1361, %sub3A_1362 : vector<16xi32>
        %sub3A_1364 = vector.broadcast %shift_left3A_230 : i32 to vector<16xi32>
        %sub3A_1365 = arith.subi %convert_element_type3A_1354, %sub3A_1364 : vector<16xi32>
        %gather3A_1366 = tpu.vector_load_idx %arg11[%sub3A_1363, %sub3A_1365] : memref<124x40xf32, #tpu.memory_space<vmem>>[vector<16xi32>, vector<16xi32>], vector<16xf32>,
        %gt3A_1367 = arith.constant 3.500000e-01 : f32
        %gt3A_1368 = vector.broadcast %gt3A_1367 : f32 to vector<16xf32>
        %gt3A_1369 = arith.cmpf ogt, %gather3A_1366, %gt3A_1368 : vector<16xf32>
        %jit3A_1370 = arith.constant 5.000000e+01 : f32
        %broadcast_in_dim3A_1371 = vector.broadcast %convert_element_type3A_1164 : f32 to vector<16xf32>
        %broadcast_in_dim3A_1372 = vector.broadcast %jit3A_1370 : f32 to vector<16xf32>
        %select_n3A_1373 = arith.select %gt3A_1369, %broadcast_in_dim3A_1371, %broadcast_in_dim3A_1372 : vector<16xi1>, vector<16xf32>
        %min3A_1374 = arith.minimumf %min3A_1161, %select_n3A_1373 : vector<16xf32>
        %add3A_1375 = arith.constant 5 : i32
        %add3A_1376 = arith.addi %while3A_306, %add3A_1375 : i32
        scf.yield %add3A_1376, %min3A_1199, %min3A_1234, %min3A_1269, %min3A_1304, %min3A_1339, %min3A_1374 : i32, vector<16xf32>, vector<16xf32>, vector<16xf32>, vector<16xf32>, vector<16xf32>, vector<16xf32>
      }
      %max3A_270 = arith.maximumf %while3A_269#1, %while3A_269#2 : vector<16xf32>
      %max3A_271 = arith.maximumf %max3A_270, %while3A_269#3 : vector<16xf32>
      %max3A_272 = arith.maximumf %max3A_271, %while3A_269#4 : vector<16xf32>
      %max3A_273 = arith.maximumf %max3A_272, %while3A_269#5 : vector<16xf32>
      %max3A_274 = arith.maximumf %max3A_273, %while3A_269#6 : vector<16xf32>
      %ge3A = arith.constant 5.000000e+01 : f32
      %ge3A_275 = vector.broadcast %ge3A : f32 to vector<16xf32>
      %ge3A_276 = arith.cmpf oge, %max3A_274, %ge3A_275 : vector<16xf32>
      %all_reduce_population_count3A = tpu.all_reduce %ge3A_276 {dim = 0 : i64, kind = #tpu.reduction_kind<sum>} : vector<16xi1> -> vector<16xi32>
      %slice3A_277 = vector.extract_strided_slice %all_reduce_population_count3A {offsets = [0], sizes = [1], strides = [1]} : vector<16xi32> to vector<1xi32>
      %squeeze3A_278 = vector.extract %slice3A_277[0] : i32 from vector<1xi32>
      %swap3A = arith.index_cast %scan3A_169 : i32 to index
      %swap3A_279 = arith.constant 0 : index
      %swap3A_280 = tpu.vector_load %arg10[%swap3A, %swap3A_279] {strides = array<i32>} : memref<160x96xf32, #tpu.memory_space<vmem>>, vector<16xf32>,
      tpu.vector_store %arg10[%swap3A, %swap3A_279], %while3A_269#1 {strides = array<i32>} : memref<160x96xf32, #tpu.memory_space<vmem>>, vector<16xf32>,
      %swap3A_281 = arith.index_cast %scan3A_169 : i32 to index
      %swap3A_282 = arith.constant 16 : index
      %swap3A_283 = tpu.vector_load %arg10[%swap3A_281, %swap3A_282] {strides = array<i32>} : memref<160x96xf32, #tpu.memory_space<vmem>>, vector<16xf32>,
      tpu.vector_store %arg10[%swap3A_281, %swap3A_282], %while3A_269#2 {strides = array<i32>} : memref<160x96xf32, #tpu.memory_space<vmem>>, vector<16xf32>,
      %swap3A_284 = arith.index_cast %scan3A_169 : i32 to index
      %swap3A_285 = arith.constant 32 : index
      %swap3A_286 = tpu.vector_load %arg10[%swap3A_284, %swap3A_285] {strides = array<i32>} : memref<160x96xf32, #tpu.memory_space<vmem>>, vector<16xf32>,
      tpu.vector_store %arg10[%swap3A_284, %swap3A_285], %while3A_269#3 {strides = array<i32>} : memref<160x96xf32, #tpu.memory_space<vmem>>, vector<16xf32>,
      %swap3A_287 = arith.index_cast %scan3A_169 : i32 to index
      %swap3A_288 = arith.constant 48 : index
      %swap3A_289 = tpu.vector_load %arg10[%swap3A_287, %swap3A_288] {strides = array<i32>} : memref<160x96xf32, #tpu.memory_space<vmem>>, vector<16xf32>,
      tpu.vector_store %arg10[%swap3A_287, %swap3A_288], %while3A_269#4 {strides = array<i32>} : memref<160x96xf32, #tpu.memory_space<vmem>>, vector<16xf32>,
      %swap3A_290 = arith.index_cast %scan3A_169 : i32 to index
      %swap3A_291 = arith.constant 64 : index
      %swap3A_292 = tpu.vector_load %arg10[%swap3A_290, %swap3A_291] {strides = array<i32>} : memref<160x96xf32, #tpu.memory_space<vmem>>, vector<16xf32>,
      tpu.vector_store %arg10[%swap3A_290, %swap3A_291], %while3A_269#5 {strides = array<i32>} : memref<160x96xf32, #tpu.memory_space<vmem>>, vector<16xf32>,
      %swap3A_293 = arith.index_cast %scan3A_169 : i32 to index
      %swap3A_294 = arith.constant 80 : index
      %swap3A_295 = tpu.vector_load %arg10[%swap3A_293, %swap3A_294] {strides = array<i32>} : memref<160x96xf32, #tpu.memory_space<vmem>>, vector<16xf32>,
      tpu.vector_store %arg10[%swap3A_293, %swap3A_294], %while3A_269#6 {strides = array<i32>} : memref<160x96xf32, #tpu.memory_space<vmem>>, vector<16xf32>,
      %gt3A = arith.constant 0 : i32
      %gt3A_296 = arith.cmpi sgt, %squeeze3A_278, %gt3A : i32
      %convert_element_type3A_297 = arith.extui %gt3A_296 : i1 to i32
      %cond3A_298 = arith.constant 0 : i32
      %cond3A_299 = arith.cmpi ne, %convert_element_type3A_297, %cond3A_298 : i32
      scf.if %cond3A_299 {
        %add3A_306 = arith.constant 0x4B400000 : f32
        %add3A_307 = arith.addf %squeeze3A_197, %add3A_306 : f32
        %sub3A_308 = arith.constant 0x4B400000 : f32
        %sub3A_309 = arith.subf %add3A_307, %sub3A_308 : f32
        %convert_element_type3A_310 = arith.fptosi %sub3A_309 : f32 to i32
        %add3A_311 = arith.constant 0x4B400000 : f32
        %add3A_312 = arith.addf %squeeze3A_195, %add3A_311 : f32
        %sub3A_313 = arith.constant 0x4B400000 : f32
        %sub3A_314 = arith.subf %add3A_312, %sub3A_313 : f32
        %convert_element_type3A_315 = arith.fptosi %sub3A_314 : f32 to i32
        %sub3A_316 = arith.constant 51 : i32
        %sub3A_317 = arith.subi %convert_element_type3A_310, %sub3A_316 : i32
        %max3A_318 = arith.constant 0 : i32
        %max3A_319 = arith.maxsi %sub3A_317, %max3A_318 : i32
        %min3A_320 = arith.constant 696 : i32
        %min3A_321 = arith.minsi %max3A_319, %min3A_320 : i32
        %sub3A_322 = arith.constant 51 : i32
        %sub3A_323 = arith.subi %convert_element_type3A_315, %sub3A_322 : i32
        %max3A_324 = arith.constant 0 : i32
        %max3A_325 = arith.maxsi %sub3A_323, %max3A_324 : i32
        %min3A_326 = arith.constant 688 : i32
        %min3A_327 = arith.minsi %max3A_325, %min3A_326 : i32
        %shift_right_arithmetic3A_328 = arith.constant 3 : i32
        %shift_right_arithmetic3A_329 = arith.shrsi %min3A_327, %shift_right_arithmetic3A_328 : i32
        %shift_left3A_330 = arith.constant 3 : i32
        %shift_left3A_331 = arith.shli %shift_right_arithmetic3A_329, %shift_left3A_330 : i32
        %multiple_of3A_332 = tpu.assume_multiple %shift_left3A_331, 8 : i32
        "tpu.region"() ({
          %run_scoped3A = tpu.sem_alloc : memref<!tpu.dma_semaphore, #tpu.memory_space<semaphore_mem>>
          %dma_start3A_417 = tpu.memref_slice %arg2[%min3A_321, %multiple_of3A_332] : memref<800x800xf32, #tpu.memory_space<hbm>> -> memref<104x112xf32, #tpu.memory_space<hbm>>
          %dma_start3A_418 = tpu.memref_slice %arg2[%min3A_321, %multiple_of3A_332] : memref<800x800xf32, #tpu.memory_space<hbm>> -> memref<104x112xf32, #tpu.memory_space<hbm>>
          tpu.enqueue_dma source(%dma_start3A_418 : memref<104x112xf32, #tpu.memory_space<hbm>>) target(%arg12 : memref<104x112xf32, #tpu.memory_space<vmem>>) target_semaphore(%run_scoped3A : memref<!tpu.dma_semaphore, #tpu.memory_space<semaphore_mem>>)
          %dma_wait3A = tpu.memref_slice %arg2[%min3A_321, %multiple_of3A_332] : memref<800x800xf32, #tpu.memory_space<hbm>> -> memref<104x112xf32, #tpu.memory_space<hbm>>
          %dma_wait3A_419 = tpu.memref_slice %arg2[%min3A_321, %multiple_of3A_332] : memref<800x800xf32, #tpu.memory_space<hbm>> -> memref<104x112xf32, #tpu.memory_space<hbm>>
          tpu.wait_dma2 semaphore(%run_scoped3A : memref<!tpu.dma_semaphore, #tpu.memory_space<semaphore_mem>>) src(%dma_wait3A_419 : memref<104x112xf32, #tpu.memory_space<hbm>>) dst(%arg12 : memref<104x112xf32, #tpu.memory_space<vmem>>)
          tpu.yield
        }) : () -> ()
        %get3A_333 = arith.index_cast %scan3A_169 : i32 to index
        %get3A_334 = arith.constant 0 : index
        %get3A_335 = tpu.vector_load %arg8[%get3A_333, %get3A_334] {strides = array<i32>} : memref<160x96xf32, #tpu.memory_space<vmem>>, vector<16xf32>,
        %get3A_336 = arith.index_cast %scan3A_169 : i32 to index
        %get3A_337 = arith.constant 0 : index
        %get3A_338 = tpu.vector_load %arg9[%get3A_336, %get3A_337] {strides = array<i32>} : memref<160x96xf32, #tpu.memory_space<vmem>>, vector<16xf32>,
        %get3A_339 = arith.index_cast %scan3A_169 : i32 to index
        %get3A_340 = arith.constant 0 : index
        %get3A_341 = tpu.vector_load %arg10[%get3A_339, %get3A_340] {strides = array<i32>} : memref<160x96xf32, #tpu.memory_space<vmem>>, vector<16xf32>,
        %while3A_342 = arith.constant 15 : i32
        %while3A_343:2 = scf.while (%while3A_417 = %while3A_342, %while3A_418 = %get3A_341) : (i32, vector<16xf32>) -> (i32, vector<16xf32>) {
          %lt3A_419 = arith.constant 51 : i32
          %lt3A_420 = arith.cmpi slt, %while3A_417, %lt3A_419 : i32
          %ge3A_421 = arith.constant 5.000000e+01 : f32
          %ge3A_422 = vector.broadcast %ge3A_421 : f32 to vector<16xf32>
          %ge3A_423 = arith.cmpf oge, %while3A_418, %ge3A_422 : vector<16xf32>
          %all_reduce_population_count3A_424 = tpu.all_reduce %ge3A_423 {dim = 0 : i64, kind = #tpu.reduction_kind<sum>} : vector<16xi1> -> vector<16xi32>
          %slice3A_425 = vector.extract_strided_slice %all_reduce_population_count3A_424 {offsets = [0], sizes = [1], strides = [1]} : vector<16xi32> to vector<1xi32>
          %squeeze3A_426 = vector.extract %slice3A_425[0] : i32 from vector<1xi32>
          %gt3A_427 = arith.constant 0 : i32
          %gt3A_428 = arith.cmpi sgt, %squeeze3A_426, %gt3A_427 : i32
          %and3A = arith.andi %lt3A_420, %gt3A_428 : i1
          scf.condition(%and3A) %while3A_417, %while3A_418 : i32, vector<16xf32>
        } do {
        ^bb0(%while3A_417: i32, %while3A_418: vector<16xf32>):
          %convert_element_type3A_419 = arith.sitofp %while3A_417 : i32 to f32
          %mul3A_420 = vector.broadcast %convert_element_type3A_419 : f32 to vector<16xf32>
          %mul3A_421 = arith.mulf %get3A_335, %mul3A_420 : vector<16xf32>
          %add3A_422 = vector.broadcast %squeeze3A_195 : f32 to vector<16xf32>
          %add3A_423 = arith.addf %add3A_422, %mul3A_421 : vector<16xf32>
          %mul3A_424 = vector.broadcast %convert_element_type3A_419 : f32 to vector<16xf32>
          %mul3A_425 = arith.mulf %get3A_338, %mul3A_424 : vector<16xf32>
          %add3A_426 = vector.broadcast %squeeze3A_197 : f32 to vector<16xf32>
          %add3A_427 = arith.addf %add3A_426, %mul3A_425 : vector<16xf32>
          %add3A_428 = arith.constant 0x4B400000 : f32
          %add3A_429 = vector.broadcast %add3A_428 : f32 to vector<16xf32>
          %add3A_430 = arith.addf %add3A_423, %add3A_429 : vector<16xf32>
          %sub3A_431 = arith.constant 0x4B400000 : f32
          %sub3A_432 = vector.broadcast %sub3A_431 : f32 to vector<16xf32>
          %sub3A_433 = arith.subf %add3A_430, %sub3A_432 : vector<16xf32>
          %convert_element_type3A_434 = arith.fptosi %sub3A_433 : vector<16xf32> to vector<16xi32>
          %max3A_435 = arith.constant 0 : i32
          %max3A_436 = vector.broadcast %max3A_435 : i32 to vector<16xi32>
          %max3A_437 = arith.maxsi %convert_element_type3A_434, %max3A_436 : vector<16xi32>
          %min3A_438 = arith.constant 799 : i32
          %min3A_439 = vector.broadcast %min3A_438 : i32 to vector<16xi32>
          %min3A_440 = arith.minsi %max3A_437, %min3A_439 : vector<16xi32>
          %add3A_441 = arith.constant 0x4B400000 : f32
          %add3A_442 = vector.broadcast %add3A_441 : f32 to vector<16xf32>
          %add3A_443 = arith.addf %add3A_427, %add3A_442 : vector<16xf32>
          %sub3A_444 = arith.constant 0x4B400000 : f32
          %sub3A_445 = vector.broadcast %sub3A_444 : f32 to vector<16xf32>
          %sub3A_446 = arith.subf %add3A_443, %sub3A_445 : vector<16xf32>
          %convert_element_type3A_447 = arith.fptosi %sub3A_446 : vector<16xf32> to vector<16xi32>
          %max3A_448 = arith.constant 0 : i32
          %max3A_449 = vector.broadcast %max3A_448 : i32 to vector<16xi32>
          %max3A_450 = arith.maxsi %convert_element_type3A_447, %max3A_449 : vector<16xi32>
          %min3A_451 = arith.constant 799 : i32
          %min3A_452 = vector.broadcast %min3A_451 : i32 to vector<16xi32>
          %min3A_453 = arith.minsi %max3A_450, %min3A_452 : vector<16xi32>
          %sub3A_454 = vector.broadcast %min3A_321 : i32 to vector<16xi32>
          %sub3A_455 = arith.subi %min3A_453, %sub3A_454 : vector<16xi32>
          %sub3A_456 = vector.broadcast %shift_left3A_331 : i32 to vector<16xi32>
          %sub3A_457 = arith.subi %min3A_440, %sub3A_456 : vector<16xi32>
          %gather3A = tpu.vector_load_idx %arg12[%sub3A_455, %sub3A_457] : memref<104x112xf32, #tpu.memory_space<vmem>>[vector<16xi32>, vector<16xi32>], vector<16xf32>,
          %gt3A_458 = arith.constant 3.500000e-01 : f32
          %gt3A_459 = vector.broadcast %gt3A_458 : f32 to vector<16xf32>
          %gt3A_460 = arith.cmpf ogt, %gather3A, %gt3A_459 : vector<16xf32>
          %jit3A = arith.constant 5.000000e+01 : f32
          %broadcast_in_dim3A_461 = vector.broadcast %convert_element_type3A_419 : f32 to vector<16xf32>
          %broadcast_in_dim3A_462 = vector.broadcast %jit3A : f32 to vector<16xf32>
          %select_n3A = arith.select %gt3A_460, %broadcast_in_dim3A_461, %broadcast_in_dim3A_462 : vector<16xi1>, vector<16xf32>
          %add3A_463 = arith.constant 1 : i32
          %add3A_464 = arith.addi %while3A_417, %add3A_463 : i32
          %min3A_465 = arith.minimumf %while3A_418, %select_n3A : vector<16xf32>
          scf.yield %add3A_464, %min3A_465 : i32, vector<16xf32>
        }
        %swap3A_344 = arith.index_cast %scan3A_169 : i32 to index
        %swap3A_345 = arith.constant 0 : index
        %swap3A_346 = tpu.vector_load %arg10[%swap3A_344, %swap3A_345] {strides = array<i32>} : memref<160x96xf32, #tpu.memory_space<vmem>>, vector<16xf32>,
        tpu.vector_store %arg10[%swap3A_344, %swap3A_345], %while3A_343#1 {strides = array<i32>} : memref<160x96xf32, #tpu.memory_space<vmem>>, vector<16xf32>,
        %get3A_347 = arith.index_cast %scan3A_169 : i32 to index
        %get3A_348 = arith.constant 16 : index
        %get3A_349 = tpu.vector_load %arg8[%get3A_347, %get3A_348] {strides = array<i32>} : memref<160x96xf32, #tpu.memory_space<vmem>>, vector<16xf32>,
        %get3A_350 = arith.index_cast %scan3A_169 : i32 to index
        %get3A_351 = arith.constant 16 : index
        %get3A_352 = tpu.vector_load %arg9[%get3A_350, %get3A_351] {strides = array<i32>} : memref<160x96xf32, #tpu.memory_space<vmem>>, vector<16xf32>,
        %get3A_353 = arith.index_cast %scan3A_169 : i32 to index
        %get3A_354 = arith.constant 16 : index
        %get3A_355 = tpu.vector_load %arg10[%get3A_353, %get3A_354] {strides = array<i32>} : memref<160x96xf32, #tpu.memory_space<vmem>>, vector<16xf32>,
        %while3A_356 = arith.constant 15 : i32
        %while3A_357:2 = scf.while (%while3A_417 = %while3A_356, %while3A_418 = %get3A_355) : (i32, vector<16xf32>) -> (i32, vector<16xf32>) {
          %lt3A_419 = arith.constant 51 : i32
          %lt3A_420 = arith.cmpi slt, %while3A_417, %lt3A_419 : i32
          %ge3A_421 = arith.constant 5.000000e+01 : f32
          %ge3A_422 = vector.broadcast %ge3A_421 : f32 to vector<16xf32>
          %ge3A_423 = arith.cmpf oge, %while3A_418, %ge3A_422 : vector<16xf32>
          %all_reduce_population_count3A_424 = tpu.all_reduce %ge3A_423 {dim = 0 : i64, kind = #tpu.reduction_kind<sum>} : vector<16xi1> -> vector<16xi32>
          %slice3A_425 = vector.extract_strided_slice %all_reduce_population_count3A_424 {offsets = [0], sizes = [1], strides = [1]} : vector<16xi32> to vector<1xi32>
          %squeeze3A_426 = vector.extract %slice3A_425[0] : i32 from vector<1xi32>
          %gt3A_427 = arith.constant 0 : i32
          %gt3A_428 = arith.cmpi sgt, %squeeze3A_426, %gt3A_427 : i32
          %and3A = arith.andi %lt3A_420, %gt3A_428 : i1
          scf.condition(%and3A) %while3A_417, %while3A_418 : i32, vector<16xf32>
        } do {
        ^bb0(%while3A_417: i32, %while3A_418: vector<16xf32>):
          %convert_element_type3A_419 = arith.sitofp %while3A_417 : i32 to f32
          %mul3A_420 = vector.broadcast %convert_element_type3A_419 : f32 to vector<16xf32>
          %mul3A_421 = arith.mulf %get3A_349, %mul3A_420 : vector<16xf32>
          %add3A_422 = vector.broadcast %squeeze3A_195 : f32 to vector<16xf32>
          %add3A_423 = arith.addf %add3A_422, %mul3A_421 : vector<16xf32>
          %mul3A_424 = vector.broadcast %convert_element_type3A_419 : f32 to vector<16xf32>
          %mul3A_425 = arith.mulf %get3A_352, %mul3A_424 : vector<16xf32>
          %add3A_426 = vector.broadcast %squeeze3A_197 : f32 to vector<16xf32>
          %add3A_427 = arith.addf %add3A_426, %mul3A_425 : vector<16xf32>
          %add3A_428 = arith.constant 0x4B400000 : f32
          %add3A_429 = vector.broadcast %add3A_428 : f32 to vector<16xf32>
          %add3A_430 = arith.addf %add3A_423, %add3A_429 : vector<16xf32>
          %sub3A_431 = arith.constant 0x4B400000 : f32
          %sub3A_432 = vector.broadcast %sub3A_431 : f32 to vector<16xf32>
          %sub3A_433 = arith.subf %add3A_430, %sub3A_432 : vector<16xf32>
          %convert_element_type3A_434 = arith.fptosi %sub3A_433 : vector<16xf32> to vector<16xi32>
          %max3A_435 = arith.constant 0 : i32
          %max3A_436 = vector.broadcast %max3A_435 : i32 to vector<16xi32>
          %max3A_437 = arith.maxsi %convert_element_type3A_434, %max3A_436 : vector<16xi32>
          %min3A_438 = arith.constant 799 : i32
          %min3A_439 = vector.broadcast %min3A_438 : i32 to vector<16xi32>
          %min3A_440 = arith.minsi %max3A_437, %min3A_439 : vector<16xi32>
          %add3A_441 = arith.constant 0x4B400000 : f32
          %add3A_442 = vector.broadcast %add3A_441 : f32 to vector<16xf32>
          %add3A_443 = arith.addf %add3A_427, %add3A_442 : vector<16xf32>
          %sub3A_444 = arith.constant 0x4B400000 : f32
          %sub3A_445 = vector.broadcast %sub3A_444 : f32 to vector<16xf32>
          %sub3A_446 = arith.subf %add3A_443, %sub3A_445 : vector<16xf32>
          %convert_element_type3A_447 = arith.fptosi %sub3A_446 : vector<16xf32> to vector<16xi32>
          %max3A_448 = arith.constant 0 : i32
          %max3A_449 = vector.broadcast %max3A_448 : i32 to vector<16xi32>
          %max3A_450 = arith.maxsi %convert_element_type3A_447, %max3A_449 : vector<16xi32>
          %min3A_451 = arith.constant 799 : i32
          %min3A_452 = vector.broadcast %min3A_451 : i32 to vector<16xi32>
          %min3A_453 = arith.minsi %max3A_450, %min3A_452 : vector<16xi32>
          %sub3A_454 = vector.broadcast %min3A_321 : i32 to vector<16xi32>
          %sub3A_455 = arith.subi %min3A_453, %sub3A_454 : vector<16xi32>
          %sub3A_456 = vector.broadcast %shift_left3A_331 : i32 to vector<16xi32>
          %sub3A_457 = arith.subi %min3A_440, %sub3A_456 : vector<16xi32>
          %gather3A = tpu.vector_load_idx %arg12[%sub3A_455, %sub3A_457] : memref<104x112xf32, #tpu.memory_space<vmem>>[vector<16xi32>, vector<16xi32>], vector<16xf32>,
          %gt3A_458 = arith.constant 3.500000e-01 : f32
          %gt3A_459 = vector.broadcast %gt3A_458 : f32 to vector<16xf32>
          %gt3A_460 = arith.cmpf ogt, %gather3A, %gt3A_459 : vector<16xf32>
          %jit3A = arith.constant 5.000000e+01 : f32
          %broadcast_in_dim3A_461 = vector.broadcast %convert_element_type3A_419 : f32 to vector<16xf32>
          %broadcast_in_dim3A_462 = vector.broadcast %jit3A : f32 to vector<16xf32>
          %select_n3A = arith.select %gt3A_460, %broadcast_in_dim3A_461, %broadcast_in_dim3A_462 : vector<16xi1>, vector<16xf32>
          %add3A_463 = arith.constant 1 : i32
          %add3A_464 = arith.addi %while3A_417, %add3A_463 : i32
          %min3A_465 = arith.minimumf %while3A_418, %select_n3A : vector<16xf32>
          scf.yield %add3A_464, %min3A_465 : i32, vector<16xf32>
        }
        %swap3A_358 = arith.index_cast %scan3A_169 : i32 to index
        %swap3A_359 = arith.constant 16 : index
        %swap3A_360 = tpu.vector_load %arg10[%swap3A_358, %swap3A_359] {strides = array<i32>} : memref<160x96xf32, #tpu.memory_space<vmem>>, vector<16xf32>,
        tpu.vector_store %arg10[%swap3A_358, %swap3A_359], %while3A_357#1 {strides = array<i32>} : memref<160x96xf32, #tpu.memory_space<vmem>>, vector<16xf32>,
        %get3A_361 = arith.index_cast %scan3A_169 : i32 to index
        %get3A_362 = arith.constant 32 : index
        %get3A_363 = tpu.vector_load %arg8[%get3A_361, %get3A_362] {strides = array<i32>} : memref<160x96xf32, #tpu.memory_space<vmem>>, vector<16xf32>,
        %get3A_364 = arith.index_cast %scan3A_169 : i32 to index
        %get3A_365 = arith.constant 32 : index
        %get3A_366 = tpu.vector_load %arg9[%get3A_364, %get3A_365] {strides = array<i32>} : memref<160x96xf32, #tpu.memory_space<vmem>>, vector<16xf32>,
        %get3A_367 = arith.index_cast %scan3A_169 : i32 to index
        %get3A_368 = arith.constant 32 : index
        %get3A_369 = tpu.vector_load %arg10[%get3A_367, %get3A_368] {strides = array<i32>} : memref<160x96xf32, #tpu.memory_space<vmem>>, vector<16xf32>,
        %while3A_370 = arith.constant 15 : i32
        %while3A_371:2 = scf.while (%while3A_417 = %while3A_370, %while3A_418 = %get3A_369) : (i32, vector<16xf32>) -> (i32, vector<16xf32>) {
          %lt3A_419 = arith.constant 51 : i32
          %lt3A_420 = arith.cmpi slt, %while3A_417, %lt3A_419 : i32
          %ge3A_421 = arith.constant 5.000000e+01 : f32
          %ge3A_422 = vector.broadcast %ge3A_421 : f32 to vector<16xf32>
          %ge3A_423 = arith.cmpf oge, %while3A_418, %ge3A_422 : vector<16xf32>
          %all_reduce_population_count3A_424 = tpu.all_reduce %ge3A_423 {dim = 0 : i64, kind = #tpu.reduction_kind<sum>} : vector<16xi1> -> vector<16xi32>
          %slice3A_425 = vector.extract_strided_slice %all_reduce_population_count3A_424 {offsets = [0], sizes = [1], strides = [1]} : vector<16xi32> to vector<1xi32>
          %squeeze3A_426 = vector.extract %slice3A_425[0] : i32 from vector<1xi32>
          %gt3A_427 = arith.constant 0 : i32
          %gt3A_428 = arith.cmpi sgt, %squeeze3A_426, %gt3A_427 : i32
          %and3A = arith.andi %lt3A_420, %gt3A_428 : i1
          scf.condition(%and3A) %while3A_417, %while3A_418 : i32, vector<16xf32>
        } do {
        ^bb0(%while3A_417: i32, %while3A_418: vector<16xf32>):
          %convert_element_type3A_419 = arith.sitofp %while3A_417 : i32 to f32
          %mul3A_420 = vector.broadcast %convert_element_type3A_419 : f32 to vector<16xf32>
          %mul3A_421 = arith.mulf %get3A_363, %mul3A_420 : vector<16xf32>
          %add3A_422 = vector.broadcast %squeeze3A_195 : f32 to vector<16xf32>
          %add3A_423 = arith.addf %add3A_422, %mul3A_421 : vector<16xf32>
          %mul3A_424 = vector.broadcast %convert_element_type3A_419 : f32 to vector<16xf32>
          %mul3A_425 = arith.mulf %get3A_366, %mul3A_424 : vector<16xf32>
          %add3A_426 = vector.broadcast %squeeze3A_197 : f32 to vector<16xf32>
          %add3A_427 = arith.addf %add3A_426, %mul3A_425 : vector<16xf32>
          %add3A_428 = arith.constant 0x4B400000 : f32
          %add3A_429 = vector.broadcast %add3A_428 : f32 to vector<16xf32>
          %add3A_430 = arith.addf %add3A_423, %add3A_429 : vector<16xf32>
          %sub3A_431 = arith.constant 0x4B400000 : f32
          %sub3A_432 = vector.broadcast %sub3A_431 : f32 to vector<16xf32>
          %sub3A_433 = arith.subf %add3A_430, %sub3A_432 : vector<16xf32>
          %convert_element_type3A_434 = arith.fptosi %sub3A_433 : vector<16xf32> to vector<16xi32>
          %max3A_435 = arith.constant 0 : i32
          %max3A_436 = vector.broadcast %max3A_435 : i32 to vector<16xi32>
          %max3A_437 = arith.maxsi %convert_element_type3A_434, %max3A_436 : vector<16xi32>
          %min3A_438 = arith.constant 799 : i32
          %min3A_439 = vector.broadcast %min3A_438 : i32 to vector<16xi32>
          %min3A_440 = arith.minsi %max3A_437, %min3A_439 : vector<16xi32>
          %add3A_441 = arith.constant 0x4B400000 : f32
          %add3A_442 = vector.broadcast %add3A_441 : f32 to vector<16xf32>
          %add3A_443 = arith.addf %add3A_427, %add3A_442 : vector<16xf32>
          %sub3A_444 = arith.constant 0x4B400000 : f32
          %sub3A_445 = vector.broadcast %sub3A_444 : f32 to vector<16xf32>
          %sub3A_446 = arith.subf %add3A_443, %sub3A_445 : vector<16xf32>
          %convert_element_type3A_447 = arith.fptosi %sub3A_446 : vector<16xf32> to vector<16xi32>
          %max3A_448 = arith.constant 0 : i32
          %max3A_449 = vector.broadcast %max3A_448 : i32 to vector<16xi32>
          %max3A_450 = arith.maxsi %convert_element_type3A_447, %max3A_449 : vector<16xi32>
          %min3A_451 = arith.constant 799 : i32
          %min3A_452 = vector.broadcast %min3A_451 : i32 to vector<16xi32>
          %min3A_453 = arith.minsi %max3A_450, %min3A_452 : vector<16xi32>
          %sub3A_454 = vector.broadcast %min3A_321 : i32 to vector<16xi32>
          %sub3A_455 = arith.subi %min3A_453, %sub3A_454 : vector<16xi32>
          %sub3A_456 = vector.broadcast %shift_left3A_331 : i32 to vector<16xi32>
          %sub3A_457 = arith.subi %min3A_440, %sub3A_456 : vector<16xi32>
          %gather3A = tpu.vector_load_idx %arg12[%sub3A_455, %sub3A_457] : memref<104x112xf32, #tpu.memory_space<vmem>>[vector<16xi32>, vector<16xi32>], vector<16xf32>,
          %gt3A_458 = arith.constant 3.500000e-01 : f32
          %gt3A_459 = vector.broadcast %gt3A_458 : f32 to vector<16xf32>
          %gt3A_460 = arith.cmpf ogt, %gather3A, %gt3A_459 : vector<16xf32>
          %jit3A = arith.constant 5.000000e+01 : f32
          %broadcast_in_dim3A_461 = vector.broadcast %convert_element_type3A_419 : f32 to vector<16xf32>
          %broadcast_in_dim3A_462 = vector.broadcast %jit3A : f32 to vector<16xf32>
          %select_n3A = arith.select %gt3A_460, %broadcast_in_dim3A_461, %broadcast_in_dim3A_462 : vector<16xi1>, vector<16xf32>
          %add3A_463 = arith.constant 1 : i32
          %add3A_464 = arith.addi %while3A_417, %add3A_463 : i32
          %min3A_465 = arith.minimumf %while3A_418, %select_n3A : vector<16xf32>
          scf.yield %add3A_464, %min3A_465 : i32, vector<16xf32>
        }
        %swap3A_372 = arith.index_cast %scan3A_169 : i32 to index
        %swap3A_373 = arith.constant 32 : index
        %swap3A_374 = tpu.vector_load %arg10[%swap3A_372, %swap3A_373] {strides = array<i32>} : memref<160x96xf32, #tpu.memory_space<vmem>>, vector<16xf32>,
        tpu.vector_store %arg10[%swap3A_372, %swap3A_373], %while3A_371#1 {strides = array<i32>} : memref<160x96xf32, #tpu.memory_space<vmem>>, vector<16xf32>,
        %get3A_375 = arith.index_cast %scan3A_169 : i32 to index
        %get3A_376 = arith.constant 48 : index
        %get3A_377 = tpu.vector_load %arg8[%get3A_375, %get3A_376] {strides = array<i32>} : memref<160x96xf32, #tpu.memory_space<vmem>>, vector<16xf32>,
        %get3A_378 = arith.index_cast %scan3A_169 : i32 to index
        %get3A_379 = arith.constant 48 : index
        %get3A_380 = tpu.vector_load %arg9[%get3A_378, %get3A_379] {strides = array<i32>} : memref<160x96xf32, #tpu.memory_space<vmem>>, vector<16xf32>,
        %get3A_381 = arith.index_cast %scan3A_169 : i32 to index
        %get3A_382 = arith.constant 48 : index
        %get3A_383 = tpu.vector_load %arg10[%get3A_381, %get3A_382] {strides = array<i32>} : memref<160x96xf32, #tpu.memory_space<vmem>>, vector<16xf32>,
        %while3A_384 = arith.constant 15 : i32
        %while3A_385:2 = scf.while (%while3A_417 = %while3A_384, %while3A_418 = %get3A_383) : (i32, vector<16xf32>) -> (i32, vector<16xf32>) {
          %lt3A_419 = arith.constant 51 : i32
          %lt3A_420 = arith.cmpi slt, %while3A_417, %lt3A_419 : i32
          %ge3A_421 = arith.constant 5.000000e+01 : f32
          %ge3A_422 = vector.broadcast %ge3A_421 : f32 to vector<16xf32>
          %ge3A_423 = arith.cmpf oge, %while3A_418, %ge3A_422 : vector<16xf32>
          %all_reduce_population_count3A_424 = tpu.all_reduce %ge3A_423 {dim = 0 : i64, kind = #tpu.reduction_kind<sum>} : vector<16xi1> -> vector<16xi32>
          %slice3A_425 = vector.extract_strided_slice %all_reduce_population_count3A_424 {offsets = [0], sizes = [1], strides = [1]} : vector<16xi32> to vector<1xi32>
          %squeeze3A_426 = vector.extract %slice3A_425[0] : i32 from vector<1xi32>
          %gt3A_427 = arith.constant 0 : i32
          %gt3A_428 = arith.cmpi sgt, %squeeze3A_426, %gt3A_427 : i32
          %and3A = arith.andi %lt3A_420, %gt3A_428 : i1
          scf.condition(%and3A) %while3A_417, %while3A_418 : i32, vector<16xf32>
        } do {
        ^bb0(%while3A_417: i32, %while3A_418: vector<16xf32>):
          %convert_element_type3A_419 = arith.sitofp %while3A_417 : i32 to f32
          %mul3A_420 = vector.broadcast %convert_element_type3A_419 : f32 to vector<16xf32>
          %mul3A_421 = arith.mulf %get3A_377, %mul3A_420 : vector<16xf32>
          %add3A_422 = vector.broadcast %squeeze3A_195 : f32 to vector<16xf32>
          %add3A_423 = arith.addf %add3A_422, %mul3A_421 : vector<16xf32>
          %mul3A_424 = vector.broadcast %convert_element_type3A_419 : f32 to vector<16xf32>
          %mul3A_425 = arith.mulf %get3A_380, %mul3A_424 : vector<16xf32>
          %add3A_426 = vector.broadcast %squeeze3A_197 : f32 to vector<16xf32>
          %add3A_427 = arith.addf %add3A_426, %mul3A_425 : vector<16xf32>
          %add3A_428 = arith.constant 0x4B400000 : f32
          %add3A_429 = vector.broadcast %add3A_428 : f32 to vector<16xf32>
          %add3A_430 = arith.addf %add3A_423, %add3A_429 : vector<16xf32>
          %sub3A_431 = arith.constant 0x4B400000 : f32
          %sub3A_432 = vector.broadcast %sub3A_431 : f32 to vector<16xf32>
          %sub3A_433 = arith.subf %add3A_430, %sub3A_432 : vector<16xf32>
          %convert_element_type3A_434 = arith.fptosi %sub3A_433 : vector<16xf32> to vector<16xi32>
          %max3A_435 = arith.constant 0 : i32
          %max3A_436 = vector.broadcast %max3A_435 : i32 to vector<16xi32>
          %max3A_437 = arith.maxsi %convert_element_type3A_434, %max3A_436 : vector<16xi32>
          %min3A_438 = arith.constant 799 : i32
          %min3A_439 = vector.broadcast %min3A_438 : i32 to vector<16xi32>
          %min3A_440 = arith.minsi %max3A_437, %min3A_439 : vector<16xi32>
          %add3A_441 = arith.constant 0x4B400000 : f32
          %add3A_442 = vector.broadcast %add3A_441 : f32 to vector<16xf32>
          %add3A_443 = arith.addf %add3A_427, %add3A_442 : vector<16xf32>
          %sub3A_444 = arith.constant 0x4B400000 : f32
          %sub3A_445 = vector.broadcast %sub3A_444 : f32 to vector<16xf32>
          %sub3A_446 = arith.subf %add3A_443, %sub3A_445 : vector<16xf32>
          %convert_element_type3A_447 = arith.fptosi %sub3A_446 : vector<16xf32> to vector<16xi32>
          %max3A_448 = arith.constant 0 : i32
          %max3A_449 = vector.broadcast %max3A_448 : i32 to vector<16xi32>
          %max3A_450 = arith.maxsi %convert_element_type3A_447, %max3A_449 : vector<16xi32>
          %min3A_451 = arith.constant 799 : i32
          %min3A_452 = vector.broadcast %min3A_451 : i32 to vector<16xi32>
          %min3A_453 = arith.minsi %max3A_450, %min3A_452 : vector<16xi32>
          %sub3A_454 = vector.broadcast %min3A_321 : i32 to vector<16xi32>
          %sub3A_455 = arith.subi %min3A_453, %sub3A_454 : vector<16xi32>
          %sub3A_456 = vector.broadcast %shift_left3A_331 : i32 to vector<16xi32>
          %sub3A_457 = arith.subi %min3A_440, %sub3A_456 : vector<16xi32>
          %gather3A = tpu.vector_load_idx %arg12[%sub3A_455, %sub3A_457] : memref<104x112xf32, #tpu.memory_space<vmem>>[vector<16xi32>, vector<16xi32>], vector<16xf32>,
          %gt3A_458 = arith.constant 3.500000e-01 : f32
          %gt3A_459 = vector.broadcast %gt3A_458 : f32 to vector<16xf32>
          %gt3A_460 = arith.cmpf ogt, %gather3A, %gt3A_459 : vector<16xf32>
          %jit3A = arith.constant 5.000000e+01 : f32
          %broadcast_in_dim3A_461 = vector.broadcast %convert_element_type3A_419 : f32 to vector<16xf32>
          %broadcast_in_dim3A_462 = vector.broadcast %jit3A : f32 to vector<16xf32>
          %select_n3A = arith.select %gt3A_460, %broadcast_in_dim3A_461, %broadcast_in_dim3A_462 : vector<16xi1>, vector<16xf32>
          %add3A_463 = arith.constant 1 : i32
          %add3A_464 = arith.addi %while3A_417, %add3A_463 : i32
          %min3A_465 = arith.minimumf %while3A_418, %select_n3A : vector<16xf32>
          scf.yield %add3A_464, %min3A_465 : i32, vector<16xf32>
        }
        %swap3A_386 = arith.index_cast %scan3A_169 : i32 to index
        %swap3A_387 = arith.constant 48 : index
        %swap3A_388 = tpu.vector_load %arg10[%swap3A_386, %swap3A_387] {strides = array<i32>} : memref<160x96xf32, #tpu.memory_space<vmem>>, vector<16xf32>,
        tpu.vector_store %arg10[%swap3A_386, %swap3A_387], %while3A_385#1 {strides = array<i32>} : memref<160x96xf32, #tpu.memory_space<vmem>>, vector<16xf32>,
        %get3A_389 = arith.index_cast %scan3A_169 : i32 to index
        %get3A_390 = arith.constant 64 : index
        %get3A_391 = tpu.vector_load %arg8[%get3A_389, %get3A_390] {strides = array<i32>} : memref<160x96xf32, #tpu.memory_space<vmem>>, vector<16xf32>,
        %get3A_392 = arith.index_cast %scan3A_169 : i32 to index
        %get3A_393 = arith.constant 64 : index
        %get3A_394 = tpu.vector_load %arg9[%get3A_392, %get3A_393] {strides = array<i32>} : memref<160x96xf32, #tpu.memory_space<vmem>>, vector<16xf32>,
        %get3A_395 = arith.index_cast %scan3A_169 : i32 to index
        %get3A_396 = arith.constant 64 : index
        %get3A_397 = tpu.vector_load %arg10[%get3A_395, %get3A_396] {strides = array<i32>} : memref<160x96xf32, #tpu.memory_space<vmem>>, vector<16xf32>,
        %while3A_398 = arith.constant 15 : i32
        %while3A_399:2 = scf.while (%while3A_417 = %while3A_398, %while3A_418 = %get3A_397) : (i32, vector<16xf32>) -> (i32, vector<16xf32>) {
          %lt3A_419 = arith.constant 51 : i32
          %lt3A_420 = arith.cmpi slt, %while3A_417, %lt3A_419 : i32
          %ge3A_421 = arith.constant 5.000000e+01 : f32
          %ge3A_422 = vector.broadcast %ge3A_421 : f32 to vector<16xf32>
          %ge3A_423 = arith.cmpf oge, %while3A_418, %ge3A_422 : vector<16xf32>
          %all_reduce_population_count3A_424 = tpu.all_reduce %ge3A_423 {dim = 0 : i64, kind = #tpu.reduction_kind<sum>} : vector<16xi1> -> vector<16xi32>
          %slice3A_425 = vector.extract_strided_slice %all_reduce_population_count3A_424 {offsets = [0], sizes = [1], strides = [1]} : vector<16xi32> to vector<1xi32>
          %squeeze3A_426 = vector.extract %slice3A_425[0] : i32 from vector<1xi32>
          %gt3A_427 = arith.constant 0 : i32
          %gt3A_428 = arith.cmpi sgt, %squeeze3A_426, %gt3A_427 : i32
          %and3A = arith.andi %lt3A_420, %gt3A_428 : i1
          scf.condition(%and3A) %while3A_417, %while3A_418 : i32, vector<16xf32>
        } do {
        ^bb0(%while3A_417: i32, %while3A_418: vector<16xf32>):
          %convert_element_type3A_419 = arith.sitofp %while3A_417 : i32 to f32
          %mul3A_420 = vector.broadcast %convert_element_type3A_419 : f32 to vector<16xf32>
          %mul3A_421 = arith.mulf %get3A_391, %mul3A_420 : vector<16xf32>
          %add3A_422 = vector.broadcast %squeeze3A_195 : f32 to vector<16xf32>
          %add3A_423 = arith.addf %add3A_422, %mul3A_421 : vector<16xf32>
          %mul3A_424 = vector.broadcast %convert_element_type3A_419 : f32 to vector<16xf32>
          %mul3A_425 = arith.mulf %get3A_394, %mul3A_424 : vector<16xf32>
          %add3A_426 = vector.broadcast %squeeze3A_197 : f32 to vector<16xf32>
          %add3A_427 = arith.addf %add3A_426, %mul3A_425 : vector<16xf32>
          %add3A_428 = arith.constant 0x4B400000 : f32
          %add3A_429 = vector.broadcast %add3A_428 : f32 to vector<16xf32>
          %add3A_430 = arith.addf %add3A_423, %add3A_429 : vector<16xf32>
          %sub3A_431 = arith.constant 0x4B400000 : f32
          %sub3A_432 = vector.broadcast %sub3A_431 : f32 to vector<16xf32>
          %sub3A_433 = arith.subf %add3A_430, %sub3A_432 : vector<16xf32>
          %convert_element_type3A_434 = arith.fptosi %sub3A_433 : vector<16xf32> to vector<16xi32>
          %max3A_435 = arith.constant 0 : i32
          %max3A_436 = vector.broadcast %max3A_435 : i32 to vector<16xi32>
          %max3A_437 = arith.maxsi %convert_element_type3A_434, %max3A_436 : vector<16xi32>
          %min3A_438 = arith.constant 799 : i32
          %min3A_439 = vector.broadcast %min3A_438 : i32 to vector<16xi32>
          %min3A_440 = arith.minsi %max3A_437, %min3A_439 : vector<16xi32>
          %add3A_441 = arith.constant 0x4B400000 : f32
          %add3A_442 = vector.broadcast %add3A_441 : f32 to vector<16xf32>
          %add3A_443 = arith.addf %add3A_427, %add3A_442 : vector<16xf32>
          %sub3A_444 = arith.constant 0x4B400000 : f32
          %sub3A_445 = vector.broadcast %sub3A_444 : f32 to vector<16xf32>
          %sub3A_446 = arith.subf %add3A_443, %sub3A_445 : vector<16xf32>
          %convert_element_type3A_447 = arith.fptosi %sub3A_446 : vector<16xf32> to vector<16xi32>
          %max3A_448 = arith.constant 0 : i32
          %max3A_449 = vector.broadcast %max3A_448 : i32 to vector<16xi32>
          %max3A_450 = arith.maxsi %convert_element_type3A_447, %max3A_449 : vector<16xi32>
          %min3A_451 = arith.constant 799 : i32
          %min3A_452 = vector.broadcast %min3A_451 : i32 to vector<16xi32>
          %min3A_453 = arith.minsi %max3A_450, %min3A_452 : vector<16xi32>
          %sub3A_454 = vector.broadcast %min3A_321 : i32 to vector<16xi32>
          %sub3A_455 = arith.subi %min3A_453, %sub3A_454 : vector<16xi32>
          %sub3A_456 = vector.broadcast %shift_left3A_331 : i32 to vector<16xi32>
          %sub3A_457 = arith.subi %min3A_440, %sub3A_456 : vector<16xi32>
          %gather3A = tpu.vector_load_idx %arg12[%sub3A_455, %sub3A_457] : memref<104x112xf32, #tpu.memory_space<vmem>>[vector<16xi32>, vector<16xi32>], vector<16xf32>,
          %gt3A_458 = arith.constant 3.500000e-01 : f32
          %gt3A_459 = vector.broadcast %gt3A_458 : f32 to vector<16xf32>
          %gt3A_460 = arith.cmpf ogt, %gather3A, %gt3A_459 : vector<16xf32>
          %jit3A = arith.constant 5.000000e+01 : f32
          %broadcast_in_dim3A_461 = vector.broadcast %convert_element_type3A_419 : f32 to vector<16xf32>
          %broadcast_in_dim3A_462 = vector.broadcast %jit3A : f32 to vector<16xf32>
          %select_n3A = arith.select %gt3A_460, %broadcast_in_dim3A_461, %broadcast_in_dim3A_462 : vector<16xi1>, vector<16xf32>
          %add3A_463 = arith.constant 1 : i32
          %add3A_464 = arith.addi %while3A_417, %add3A_463 : i32
          %min3A_465 = arith.minimumf %while3A_418, %select_n3A : vector<16xf32>
          scf.yield %add3A_464, %min3A_465 : i32, vector<16xf32>
        }
        %swap3A_400 = arith.index_cast %scan3A_169 : i32 to index
        %swap3A_401 = arith.constant 64 : index
        %swap3A_402 = tpu.vector_load %arg10[%swap3A_400, %swap3A_401] {strides = array<i32>} : memref<160x96xf32, #tpu.memory_space<vmem>>, vector<16xf32>,
        tpu.vector_store %arg10[%swap3A_400, %swap3A_401], %while3A_399#1 {strides = array<i32>} : memref<160x96xf32, #tpu.memory_space<vmem>>, vector<16xf32>,
        %get3A_403 = arith.index_cast %scan3A_169 : i32 to index
        %get3A_404 = arith.constant 80 : index
        %get3A_405 = tpu.vector_load %arg8[%get3A_403, %get3A_404] {strides = array<i32>} : memref<160x96xf32, #tpu.memory_space<vmem>>, vector<16xf32>,
        %get3A_406 = arith.index_cast %scan3A_169 : i32 to index
        %get3A_407 = arith.constant 80 : index
        %get3A_408 = tpu.vector_load %arg9[%get3A_406, %get3A_407] {strides = array<i32>} : memref<160x96xf32, #tpu.memory_space<vmem>>, vector<16xf32>,
        %get3A_409 = arith.index_cast %scan3A_169 : i32 to index
        %get3A_410 = arith.constant 80 : index
        %get3A_411 = tpu.vector_load %arg10[%get3A_409, %get3A_410] {strides = array<i32>} : memref<160x96xf32, #tpu.memory_space<vmem>>, vector<16xf32>,
        %while3A_412 = arith.constant 15 : i32
        %while3A_413:2 = scf.while (%while3A_417 = %while3A_412, %while3A_418 = %get3A_411) : (i32, vector<16xf32>) -> (i32, vector<16xf32>) {
          %lt3A_419 = arith.constant 51 : i32
          %lt3A_420 = arith.cmpi slt, %while3A_417, %lt3A_419 : i32
          %ge3A_421 = arith.constant 5.000000e+01 : f32
          %ge3A_422 = vector.broadcast %ge3A_421 : f32 to vector<16xf32>
          %ge3A_423 = arith.cmpf oge, %while3A_418, %ge3A_422 : vector<16xf32>
          %all_reduce_population_count3A_424 = tpu.all_reduce %ge3A_423 {dim = 0 : i64, kind = #tpu.reduction_kind<sum>} : vector<16xi1> -> vector<16xi32>
          %slice3A_425 = vector.extract_strided_slice %all_reduce_population_count3A_424 {offsets = [0], sizes = [1], strides = [1]} : vector<16xi32> to vector<1xi32>
          %squeeze3A_426 = vector.extract %slice3A_425[0] : i32 from vector<1xi32>
          %gt3A_427 = arith.constant 0 : i32
          %gt3A_428 = arith.cmpi sgt, %squeeze3A_426, %gt3A_427 : i32
          %and3A = arith.andi %lt3A_420, %gt3A_428 : i1
          scf.condition(%and3A) %while3A_417, %while3A_418 : i32, vector<16xf32>
        } do {
        ^bb0(%while3A_417: i32, %while3A_418: vector<16xf32>):
          %convert_element_type3A_419 = arith.sitofp %while3A_417 : i32 to f32
          %mul3A_420 = vector.broadcast %convert_element_type3A_419 : f32 to vector<16xf32>
          %mul3A_421 = arith.mulf %get3A_405, %mul3A_420 : vector<16xf32>
          %add3A_422 = vector.broadcast %squeeze3A_195 : f32 to vector<16xf32>
          %add3A_423 = arith.addf %add3A_422, %mul3A_421 : vector<16xf32>
          %mul3A_424 = vector.broadcast %convert_element_type3A_419 : f32 to vector<16xf32>
          %mul3A_425 = arith.mulf %get3A_408, %mul3A_424 : vector<16xf32>
          %add3A_426 = vector.broadcast %squeeze3A_197 : f32 to vector<16xf32>
          %add3A_427 = arith.addf %add3A_426, %mul3A_425 : vector<16xf32>
          %add3A_428 = arith.constant 0x4B400000 : f32
          %add3A_429 = vector.broadcast %add3A_428 : f32 to vector<16xf32>
          %add3A_430 = arith.addf %add3A_423, %add3A_429 : vector<16xf32>
          %sub3A_431 = arith.constant 0x4B400000 : f32
          %sub3A_432 = vector.broadcast %sub3A_431 : f32 to vector<16xf32>
          %sub3A_433 = arith.subf %add3A_430, %sub3A_432 : vector<16xf32>
          %convert_element_type3A_434 = arith.fptosi %sub3A_433 : vector<16xf32> to vector<16xi32>
          %max3A_435 = arith.constant 0 : i32
          %max3A_436 = vector.broadcast %max3A_435 : i32 to vector<16xi32>
          %max3A_437 = arith.maxsi %convert_element_type3A_434, %max3A_436 : vector<16xi32>
          %min3A_438 = arith.constant 799 : i32
          %min3A_439 = vector.broadcast %min3A_438 : i32 to vector<16xi32>
          %min3A_440 = arith.minsi %max3A_437, %min3A_439 : vector<16xi32>
          %add3A_441 = arith.constant 0x4B400000 : f32
          %add3A_442 = vector.broadcast %add3A_441 : f32 to vector<16xf32>
          %add3A_443 = arith.addf %add3A_427, %add3A_442 : vector<16xf32>
          %sub3A_444 = arith.constant 0x4B400000 : f32
          %sub3A_445 = vector.broadcast %sub3A_444 : f32 to vector<16xf32>
          %sub3A_446 = arith.subf %add3A_443, %sub3A_445 : vector<16xf32>
          %convert_element_type3A_447 = arith.fptosi %sub3A_446 : vector<16xf32> to vector<16xi32>
          %max3A_448 = arith.constant 0 : i32
          %max3A_449 = vector.broadcast %max3A_448 : i32 to vector<16xi32>
          %max3A_450 = arith.maxsi %convert_element_type3A_447, %max3A_449 : vector<16xi32>
          %min3A_451 = arith.constant 799 : i32
          %min3A_452 = vector.broadcast %min3A_451 : i32 to vector<16xi32>
          %min3A_453 = arith.minsi %max3A_450, %min3A_452 : vector<16xi32>
          %sub3A_454 = vector.broadcast %min3A_321 : i32 to vector<16xi32>
          %sub3A_455 = arith.subi %min3A_453, %sub3A_454 : vector<16xi32>
          %sub3A_456 = vector.broadcast %shift_left3A_331 : i32 to vector<16xi32>
          %sub3A_457 = arith.subi %min3A_440, %sub3A_456 : vector<16xi32>
          %gather3A = tpu.vector_load_idx %arg12[%sub3A_455, %sub3A_457] : memref<104x112xf32, #tpu.memory_space<vmem>>[vector<16xi32>, vector<16xi32>], vector<16xf32>,
          %gt3A_458 = arith.constant 3.500000e-01 : f32
          %gt3A_459 = vector.broadcast %gt3A_458 : f32 to vector<16xf32>
          %gt3A_460 = arith.cmpf ogt, %gather3A, %gt3A_459 : vector<16xf32>
          %jit3A = arith.constant 5.000000e+01 : f32
          %broadcast_in_dim3A_461 = vector.broadcast %convert_element_type3A_419 : f32 to vector<16xf32>
          %broadcast_in_dim3A_462 = vector.broadcast %jit3A : f32 to vector<16xf32>
          %select_n3A = arith.select %gt3A_460, %broadcast_in_dim3A_461, %broadcast_in_dim3A_462 : vector<16xi1>, vector<16xf32>
          %add3A_463 = arith.constant 1 : i32
          %add3A_464 = arith.addi %while3A_417, %add3A_463 : i32
          %min3A_465 = arith.minimumf %while3A_418, %select_n3A : vector<16xf32>
          scf.yield %add3A_464, %min3A_465 : i32, vector<16xf32>
        }
        %swap3A_414 = arith.index_cast %scan3A_169 : i32 to index
        %swap3A_415 = arith.constant 80 : index
        %swap3A_416 = tpu.vector_load %arg10[%swap3A_414, %swap3A_415] {strides = array<i32>} : memref<160x96xf32, #tpu.memory_space<vmem>>, vector<16xf32>,
        tpu.vector_store %arg10[%swap3A_414, %swap3A_415], %while3A_413#1 {strides = array<i32>} : memref<160x96xf32, #tpu.memory_space<vmem>>, vector<16xf32>,
      } else {
      }
      %add3A_300 = arith.constant 4 : i32
      %add3A_301 = arith.addi %scan3A_169, %add3A_300 : i32
      %lt3A = arith.constant 160 : i32
      %lt3A_302 = arith.cmpi slt, %add3A_301, %lt3A : i32
      %convert_element_type3A_303 = arith.extui %lt3A_302 : i1 to i32
      %cond3A_304 = arith.constant 0 : i32
      %cond3A_305 = arith.cmpi ne, %convert_element_type3A_303, %cond3A_304 : i32
      scf.if %cond3A_305 {
        %eq3A_306 = arith.constant 0 : i32
        %eq3A_307 = arith.cmpi eq, %rem3A_170, %eq3A_306 : i32
        %convert_element_type3A_308 = arith.extui %eq3A_307 : i1 to i32
        %cond3A_309 = arith.constant 0 : i32
        %cond3A_310 = arith.cmpi ne, %convert_element_type3A_308, %cond3A_309 : i32
        scf.if %cond3A_310 {
          %add3A_326 = arith.constant 4 : i32
          %add3A_327 = arith.addi %scan3A_169, %add3A_326 : i32
          %get3A_328 = arith.index_cast %add3A_327 : i32 to index
          %get3A_329 = arith.constant 0 : index
          %get3A_330 = tpu.vector_load %arg7[%get3A_328, %get3A_329] {strides = array<i32>} : memref<162x16xf32, #tpu.memory_space<vmem>>, vector<16xf32>,
          %slice3A_331 = vector.extract_strided_slice %get3A_330 {offsets = [1], sizes = [1], strides = [1]} : vector<16xf32> to vector<1xf32>
          %squeeze3A_332 = vector.extract %slice3A_331[0] : f32 from vector<1xf32>
          %add3A_333 = arith.constant 0x4B400000 : f32
          %add3A_334 = arith.addf %squeeze3A_332, %add3A_333 : f32
          %sub3A_335 = arith.constant 0x4B400000 : f32
          %sub3A_336 = arith.subf %add3A_334, %sub3A_335 : f32
          %convert_element_type3A_337 = arith.fptosi %sub3A_336 : f32 to i32
          %slice3A_338 = vector.extract_strided_slice %get3A_330 {offsets = [0], sizes = [1], strides = [1]} : vector<16xf32> to vector<1xf32>
          %squeeze3A_339 = vector.extract %slice3A_338[0] : f32 from vector<1xf32>
          %add3A_340 = arith.constant 0x4B400000 : f32
          %add3A_341 = arith.addf %squeeze3A_339, %add3A_340 : f32
          %sub3A_342 = arith.constant 0x4B400000 : f32
          %sub3A_343 = arith.subf %add3A_341, %sub3A_342 : f32
          %convert_element_type3A_344 = arith.fptosi %sub3A_343 : f32 to i32
          %sub3A_345 = arith.constant 15 : i32
          %sub3A_346 = arith.subi %convert_element_type3A_337, %sub3A_345 : i32
          %max3A_347 = arith.constant 0 : i32
          %max3A_348 = arith.maxsi %sub3A_346, %max3A_347 : i32
          %min3A_349 = arith.constant 769 : i32
          %min3A_350 = arith.minsi %max3A_348, %min3A_349 : i32
          %sub3A_351 = arith.constant 15 : i32
          %sub3A_352 = arith.subi %convert_element_type3A_344, %sub3A_351 : i32
          %max3A_353 = arith.constant 0 : i32
          %max3A_354 = arith.maxsi %sub3A_352, %max3A_353 : i32
          %min3A_355 = arith.constant 760 : i32
          %min3A_356 = arith.minsi %max3A_354, %min3A_355 : i32
          %shift_right_arithmetic3A_357 = arith.constant 3 : i32
          %shift_right_arithmetic3A_358 = arith.shrsi %min3A_356, %shift_right_arithmetic3A_357 : i32
          %shift_left3A_359 = arith.constant 3 : i32
          %shift_left3A_360 = arith.shli %shift_right_arithmetic3A_358, %shift_left3A_359 : i32
          %multiple_of3A_361 = tpu.assume_multiple %shift_left3A_360, 8 : i32
          %dma_start3A_362 = arith.constant 0 : i32
          %dma_start3A_363 = arith.constant 0 : i32
          %dma_start3A_364 = tpu.memref_slice %arg11[%dma_start3A_362, %dma_start3A_363] : memref<124x40xf32, #tpu.memory_space<vmem>> -> memref<31x40xf32, #tpu.memory_space<vmem>>
          %dma_start3A_365 = tpu.memref_slice %arg2[%min3A_350, %multiple_of3A_361] : memref<800x800xf32, #tpu.memory_space<hbm>> -> memref<31x40xf32, #tpu.memory_space<hbm>>
          %dma_start3A_366 = arith.constant 0 : i32
          %dma_start3A_367 = arith.constant 0 : i32
          %dma_start3A_368 = tpu.memref_slice %arg11[%dma_start3A_366, %dma_start3A_367] : memref<124x40xf32, #tpu.memory_space<vmem>> -> memref<31x40xf32, #tpu.memory_space<vmem>>
          %dma_start3A_369 = tpu.memref_slice %arg2[%min3A_350, %multiple_of3A_361] : memref<800x800xf32, #tpu.memory_space<hbm>> -> memref<31x40xf32, #tpu.memory_space<hbm>>
          tpu.enqueue_dma source(%dma_start3A_369 : memref<31x40xf32, #tpu.memory_space<hbm>>) target(%dma_start3A_368 : memref<31x40xf32, #tpu.memory_space<vmem>>) target_semaphore(%arg13 : memref<!tpu.dma_semaphore, #tpu.memory_space<semaphore_mem>>)
        } else {
        }
        %eq3A_311 = arith.constant 1 : i32
        %eq3A_312 = arith.cmpi eq, %rem3A_170, %eq3A_311 : i32
        %convert_element_type3A_313 = arith.extui %eq3A_312 : i1 to i32
        %cond3A_314 = arith.constant 0 : i32
        %cond3A_315 = arith.cmpi ne, %convert_element_type3A_313, %cond3A_314 : i32
        scf.if %cond3A_315 {
          %add3A_326 = arith.constant 4 : i32
          %add3A_327 = arith.addi %scan3A_169, %add3A_326 : i32
          %get3A_328 = arith.index_cast %add3A_327 : i32 to index
          %get3A_329 = arith.constant 0 : index
          %get3A_330 = tpu.vector_load %arg7[%get3A_328, %get3A_329] {strides = array<i32>} : memref<162x16xf32, #tpu.memory_space<vmem>>, vector<16xf32>,
          %slice3A_331 = vector.extract_strided_slice %get3A_330 {offsets = [1], sizes = [1], strides = [1]} : vector<16xf32> to vector<1xf32>
          %squeeze3A_332 = vector.extract %slice3A_331[0] : f32 from vector<1xf32>
          %add3A_333 = arith.constant 0x4B400000 : f32
          %add3A_334 = arith.addf %squeeze3A_332, %add3A_333 : f32
          %sub3A_335 = arith.constant 0x4B400000 : f32
          %sub3A_336 = arith.subf %add3A_334, %sub3A_335 : f32
          %convert_element_type3A_337 = arith.fptosi %sub3A_336 : f32 to i32
          %slice3A_338 = vector.extract_strided_slice %get3A_330 {offsets = [0], sizes = [1], strides = [1]} : vector<16xf32> to vector<1xf32>
          %squeeze3A_339 = vector.extract %slice3A_338[0] : f32 from vector<1xf32>
          %add3A_340 = arith.constant 0x4B400000 : f32
          %add3A_341 = arith.addf %squeeze3A_339, %add3A_340 : f32
          %sub3A_342 = arith.constant 0x4B400000 : f32
          %sub3A_343 = arith.subf %add3A_341, %sub3A_342 : f32
          %convert_element_type3A_344 = arith.fptosi %sub3A_343 : f32 to i32
          %sub3A_345 = arith.constant 15 : i32
          %sub3A_346 = arith.subi %convert_element_type3A_337, %sub3A_345 : i32
          %max3A_347 = arith.constant 0 : i32
          %max3A_348 = arith.maxsi %sub3A_346, %max3A_347 : i32
          %min3A_349 = arith.constant 769 : i32
          %min3A_350 = arith.minsi %max3A_348, %min3A_349 : i32
          %sub3A_351 = arith.constant 15 : i32
          %sub3A_352 = arith.subi %convert_element_type3A_344, %sub3A_351 : i32
          %max3A_353 = arith.constant 0 : i32
          %max3A_354 = arith.maxsi %sub3A_352, %max3A_353 : i32
          %min3A_355 = arith.constant 760 : i32
          %min3A_356 = arith.minsi %max3A_354, %min3A_355 : i32
          %shift_right_arithmetic3A_357 = arith.constant 3 : i32
          %shift_right_arithmetic3A_358 = arith.shrsi %min3A_356, %shift_right_arithmetic3A_357 : i32
          %shift_left3A_359 = arith.constant 3 : i32
          %shift_left3A_360 = arith.shli %shift_right_arithmetic3A_358, %shift_left3A_359 : i32
          %multiple_of3A_361 = tpu.assume_multiple %shift_left3A_360, 8 : i32
          %dma_start3A_362 = arith.constant 31 : i32
          %dma_start3A_363 = arith.constant 0 : i32
          %dma_start3A_364 = tpu.memref_slice %arg11[%dma_start3A_362, %dma_start3A_363] : memref<124x40xf32, #tpu.memory_space<vmem>> -> memref<31x40xf32, #tpu.memory_space<vmem>>
          %dma_start3A_365 = tpu.memref_slice %arg2[%min3A_350, %multiple_of3A_361] : memref<800x800xf32, #tpu.memory_space<hbm>> -> memref<31x40xf32, #tpu.memory_space<hbm>>
          %dma_start3A_366 = arith.constant 31 : i32
          %dma_start3A_367 = arith.constant 0 : i32
          %dma_start3A_368 = tpu.memref_slice %arg11[%dma_start3A_366, %dma_start3A_367] : memref<124x40xf32, #tpu.memory_space<vmem>> -> memref<31x40xf32, #tpu.memory_space<vmem>>
          %dma_start3A_369 = tpu.memref_slice %arg2[%min3A_350, %multiple_of3A_361] : memref<800x800xf32, #tpu.memory_space<hbm>> -> memref<31x40xf32, #tpu.memory_space<hbm>>
          tpu.enqueue_dma source(%dma_start3A_369 : memref<31x40xf32, #tpu.memory_space<hbm>>) target(%dma_start3A_368 : memref<31x40xf32, #tpu.memory_space<vmem>>) target_semaphore(%arg14 : memref<!tpu.dma_semaphore, #tpu.memory_space<semaphore_mem>>)
        } else {
        }
        %eq3A_316 = arith.constant 2 : i32
        %eq3A_317 = arith.cmpi eq, %rem3A_170, %eq3A_316 : i32
        %convert_element_type3A_318 = arith.extui %eq3A_317 : i1 to i32
        %cond3A_319 = arith.constant 0 : i32
        %cond3A_320 = arith.cmpi ne, %convert_element_type3A_318, %cond3A_319 : i32
        scf.if %cond3A_320 {
          %add3A_326 = arith.constant 4 : i32
          %add3A_327 = arith.addi %scan3A_169, %add3A_326 : i32
          %get3A_328 = arith.index_cast %add3A_327 : i32 to index
          %get3A_329 = arith.constant 0 : index
          %get3A_330 = tpu.vector_load %arg7[%get3A_328, %get3A_329] {strides = array<i32>} : memref<162x16xf32, #tpu.memory_space<vmem>>, vector<16xf32>,
          %slice3A_331 = vector.extract_strided_slice %get3A_330 {offsets = [1], sizes = [1], strides = [1]} : vector<16xf32> to vector<1xf32>
          %squeeze3A_332 = vector.extract %slice3A_331[0] : f32 from vector<1xf32>
          %add3A_333 = arith.constant 0x4B400000 : f32
          %add3A_334 = arith.addf %squeeze3A_332, %add3A_333 : f32
          %sub3A_335 = arith.constant 0x4B400000 : f32
          %sub3A_336 = arith.subf %add3A_334, %sub3A_335 : f32
          %convert_element_type3A_337 = arith.fptosi %sub3A_336 : f32 to i32
          %slice3A_338 = vector.extract_strided_slice %get3A_330 {offsets = [0], sizes = [1], strides = [1]} : vector<16xf32> to vector<1xf32>
          %squeeze3A_339 = vector.extract %slice3A_338[0] : f32 from vector<1xf32>
          %add3A_340 = arith.constant 0x4B400000 : f32
          %add3A_341 = arith.addf %squeeze3A_339, %add3A_340 : f32
          %sub3A_342 = arith.constant 0x4B400000 : f32
          %sub3A_343 = arith.subf %add3A_341, %sub3A_342 : f32
          %convert_element_type3A_344 = arith.fptosi %sub3A_343 : f32 to i32
          %sub3A_345 = arith.constant 15 : i32
          %sub3A_346 = arith.subi %convert_element_type3A_337, %sub3A_345 : i32
          %max3A_347 = arith.constant 0 : i32
          %max3A_348 = arith.maxsi %sub3A_346, %max3A_347 : i32
          %min3A_349 = arith.constant 769 : i32
          %min3A_350 = arith.minsi %max3A_348, %min3A_349 : i32
          %sub3A_351 = arith.constant 15 : i32
          %sub3A_352 = arith.subi %convert_element_type3A_344, %sub3A_351 : i32
          %max3A_353 = arith.constant 0 : i32
          %max3A_354 = arith.maxsi %sub3A_352, %max3A_353 : i32
          %min3A_355 = arith.constant 760 : i32
          %min3A_356 = arith.minsi %max3A_354, %min3A_355 : i32
          %shift_right_arithmetic3A_357 = arith.constant 3 : i32
          %shift_right_arithmetic3A_358 = arith.shrsi %min3A_356, %shift_right_arithmetic3A_357 : i32
          %shift_left3A_359 = arith.constant 3 : i32
          %shift_left3A_360 = arith.shli %shift_right_arithmetic3A_358, %shift_left3A_359 : i32
          %multiple_of3A_361 = tpu.assume_multiple %shift_left3A_360, 8 : i32
          %dma_start3A_362 = arith.constant 62 : i32
          %dma_start3A_363 = arith.constant 0 : i32
          %dma_start3A_364 = tpu.memref_slice %arg11[%dma_start3A_362, %dma_start3A_363] : memref<124x40xf32, #tpu.memory_space<vmem>> -> memref<31x40xf32, #tpu.memory_space<vmem>>
          %dma_start3A_365 = tpu.memref_slice %arg2[%min3A_350, %multiple_of3A_361] : memref<800x800xf32, #tpu.memory_space<hbm>> -> memref<31x40xf32, #tpu.memory_space<hbm>>
          %dma_start3A_366 = arith.constant 62 : i32
          %dma_start3A_367 = arith.constant 0 : i32
          %dma_start3A_368 = tpu.memref_slice %arg11[%dma_start3A_366, %dma_start3A_367] : memref<124x40xf32, #tpu.memory_space<vmem>> -> memref<31x40xf32, #tpu.memory_space<vmem>>
          %dma_start3A_369 = tpu.memref_slice %arg2[%min3A_350, %multiple_of3A_361] : memref<800x800xf32, #tpu.memory_space<hbm>> -> memref<31x40xf32, #tpu.memory_space<hbm>>
          tpu.enqueue_dma source(%dma_start3A_369 : memref<31x40xf32, #tpu.memory_space<hbm>>) target(%dma_start3A_368 : memref<31x40xf32, #tpu.memory_space<vmem>>) target_semaphore(%arg15 : memref<!tpu.dma_semaphore, #tpu.memory_space<semaphore_mem>>)
        } else {
        }
        %eq3A_321 = arith.constant 3 : i32
        %eq3A_322 = arith.cmpi eq, %rem3A_170, %eq3A_321 : i32
        %convert_element_type3A_323 = arith.extui %eq3A_322 : i1 to i32
        %cond3A_324 = arith.constant 0 : i32
        %cond3A_325 = arith.cmpi ne, %convert_element_type3A_323, %cond3A_324 : i32
        scf.if %cond3A_325 {
          %add3A_326 = arith.constant 4 : i32
          %add3A_327 = arith.addi %scan3A_169, %add3A_326 : i32
          %get3A_328 = arith.index_cast %add3A_327 : i32 to index
          %get3A_329 = arith.constant 0 : index
          %get3A_330 = tpu.vector_load %arg7[%get3A_328, %get3A_329] {strides = array<i32>} : memref<162x16xf32, #tpu.memory_space<vmem>>, vector<16xf32>,
          %slice3A_331 = vector.extract_strided_slice %get3A_330 {offsets = [1], sizes = [1], strides = [1]} : vector<16xf32> to vector<1xf32>
          %squeeze3A_332 = vector.extract %slice3A_331[0] : f32 from vector<1xf32>
          %add3A_333 = arith.constant 0x4B400000 : f32
          %add3A_334 = arith.addf %squeeze3A_332, %add3A_333 : f32
          %sub3A_335 = arith.constant 0x4B400000 : f32
          %sub3A_336 = arith.subf %add3A_334, %sub3A_335 : f32
          %convert_element_type3A_337 = arith.fptosi %sub3A_336 : f32 to i32
          %slice3A_338 = vector.extract_strided_slice %get3A_330 {offsets = [0], sizes = [1], strides = [1]} : vector<16xf32> to vector<1xf32>
          %squeeze3A_339 = vector.extract %slice3A_338[0] : f32 from vector<1xf32>
          %add3A_340 = arith.constant 0x4B400000 : f32
          %add3A_341 = arith.addf %squeeze3A_339, %add3A_340 : f32
          %sub3A_342 = arith.constant 0x4B400000 : f32
          %sub3A_343 = arith.subf %add3A_341, %sub3A_342 : f32
          %convert_element_type3A_344 = arith.fptosi %sub3A_343 : f32 to i32
          %sub3A_345 = arith.constant 15 : i32
          %sub3A_346 = arith.subi %convert_element_type3A_337, %sub3A_345 : i32
          %max3A_347 = arith.constant 0 : i32
          %max3A_348 = arith.maxsi %sub3A_346, %max3A_347 : i32
          %min3A_349 = arith.constant 769 : i32
          %min3A_350 = arith.minsi %max3A_348, %min3A_349 : i32
          %sub3A_351 = arith.constant 15 : i32
          %sub3A_352 = arith.subi %convert_element_type3A_344, %sub3A_351 : i32
          %max3A_353 = arith.constant 0 : i32
          %max3A_354 = arith.maxsi %sub3A_352, %max3A_353 : i32
          %min3A_355 = arith.constant 760 : i32
          %min3A_356 = arith.minsi %max3A_354, %min3A_355 : i32
          %shift_right_arithmetic3A_357 = arith.constant 3 : i32
          %shift_right_arithmetic3A_358 = arith.shrsi %min3A_356, %shift_right_arithmetic3A_357 : i32
          %shift_left3A_359 = arith.constant 3 : i32
          %shift_left3A_360 = arith.shli %shift_right_arithmetic3A_358, %shift_left3A_359 : i32
          %multiple_of3A_361 = tpu.assume_multiple %shift_left3A_360, 8 : i32
          %dma_start3A_362 = arith.constant 93 : i32
          %dma_start3A_363 = arith.constant 0 : i32
          %dma_start3A_364 = tpu.memref_slice %arg11[%dma_start3A_362, %dma_start3A_363] : memref<124x40xf32, #tpu.memory_space<vmem>> -> memref<31x40xf32, #tpu.memory_space<vmem>>
          %dma_start3A_365 = tpu.memref_slice %arg2[%min3A_350, %multiple_of3A_361] : memref<800x800xf32, #tpu.memory_space<hbm>> -> memref<31x40xf32, #tpu.memory_space<hbm>>
          %dma_start3A_366 = arith.constant 93 : i32
          %dma_start3A_367 = arith.constant 0 : i32
          %dma_start3A_368 = tpu.memref_slice %arg11[%dma_start3A_366, %dma_start3A_367] : memref<124x40xf32, #tpu.memory_space<vmem>> -> memref<31x40xf32, #tpu.memory_space<vmem>>
          %dma_start3A_369 = tpu.memref_slice %arg2[%min3A_350, %multiple_of3A_361] : memref<800x800xf32, #tpu.memory_space<hbm>> -> memref<31x40xf32, #tpu.memory_space<hbm>>
          tpu.enqueue_dma source(%dma_start3A_369 : memref<31x40xf32, #tpu.memory_space<hbm>>) target(%dma_start3A_368 : memref<31x40xf32, #tpu.memory_space<vmem>>) target_semaphore(%arg16 : memref<!tpu.dma_semaphore, #tpu.memory_space<semaphore_mem>>)
        } else {
        }
      } else {
      }
    }
    %scan3A_168 = arith.constant 160 : i32
    "tpu.region"() ({
      %run_scoped3A = tpu.sem_alloc : memref<!tpu.dma_semaphore, #tpu.memory_space<semaphore_mem>>
      %dma_start3A_169 = arith.constant 0 : i32
      %dma_start3A_170 = tpu.memref_slice %arg6[%mul3A_2, %dma_start3A_169] : memref<5120x96xf32, #tpu.memory_space<hbm>> -> memref<160x96xf32, #tpu.memory_space<hbm>>
      %dma_start3A_171 = arith.constant 0 : i32
      %dma_start3A_172 = tpu.memref_slice %arg6[%mul3A_2, %dma_start3A_171] : memref<5120x96xf32, #tpu.memory_space<hbm>> -> memref<160x96xf32, #tpu.memory_space<hbm>>
      tpu.enqueue_dma source(%arg10 : memref<160x96xf32, #tpu.memory_space<vmem>>) target(%dma_start3A_172 : memref<160x96xf32, #tpu.memory_space<hbm>>) target_semaphore(%run_scoped3A : memref<!tpu.dma_semaphore, #tpu.memory_space<semaphore_mem>>)
      %dma_wait3A = arith.constant 0 : i32
      %dma_wait3A_173 = tpu.memref_slice %arg6[%mul3A_2, %dma_wait3A] : memref<5120x96xf32, #tpu.memory_space<hbm>> -> memref<160x96xf32, #tpu.memory_space<hbm>>
      %dma_wait3A_174 = arith.constant 0 : i32
      %dma_wait3A_175 = tpu.memref_slice %arg6[%mul3A_2, %dma_wait3A_174] : memref<5120x96xf32, #tpu.memory_space<hbm>> -> memref<160x96xf32, #tpu.memory_space<hbm>>
      tpu.wait_dma2 semaphore(%run_scoped3A : memref<!tpu.dma_semaphore, #tpu.memory_space<semaphore_mem>>) src(%arg10 : memref<160x96xf32, #tpu.memory_space<vmem>>) dst(%dma_wait3A_175 : memref<160x96xf32, #tpu.memory_space<hbm>>)
      tpu.yield
    }) : () -> ()
    return
  }
}

</mosaic_0001>

<sc_bundles>
// kernel: kernel.3.cloned.1.call-start
scs
__scs_entry_jumppad:
0x0: {  	(pc) =	sbr.rel $0x88, $3  }
0x1: {  	(tag) =	ssettag $0x0;
	lr =	simm.s32 $0x1  }
0x2: {  	[smem:$0x3F9F] =	sst lr;
	_ =	strace $0xD0000000  }
0x3: {  	_ = 	snop  }
0x4: {  	_ = 	snop  }
0x5: {  	_ = 	snop  }
0x6: {  	_ = 	snop  }
0x7: {  	_ = 	snop  }
__scs_overlays_trampoline_lowered:
0x8: {  	[smem:$0x3FAE] =	sst s0  }
0x9: {  	[smem:$0x3FAF] =	sst s1  }
0xa: {  	[smem:$0x3FB0] =	sst s2  }
0xb: {  	[smem:$0x3FB1] =	sst s3  }
0xc: {  	[smem:$0x3FB2] =	sst s4  }
0xd: {  	[smem:$0x3FB3] =	sst s5  }
0xe: {  	[smem:$0x3FB4] =	sst s6  }
0xf: {  	[smem:$0x3FB5] =	sst s7  }
0x10: {  	[smem:$0x3FB6] =	sst s8  }
0x11: {  	[smem:$0x3FB7] =	sst s9;
	s0 =	simm.s32 @!p0 $0x0  }
0x12: {  	s1 =	sld [smem:$0x3F9D];
	s0 =	simm.s32 @p0 $0x1  }
0x13: {  	[smem:$0x3FB8] =	sst s0;
	s0 =	simm.s32 @!p1 $0x0  }
0x14: {  	s2 =	sld [smem:$0x3F9C];
	s0 =	simm.s32 @p1 $0x1  }
0x15: {  	[smem:$0x3FB9] =	sst s0;
	s0 =	simm.s32 @!p2 $0x0  }
0x16: {  	s3 =	sld [smem:$0x3FDB];
	s0 =	simm.s32 @p2 $0x1  }
0x17: {  	s4 =	simm.s32 $0x1BF5;
	[smem:$0x3FBB] =	sst s0  }
0x18: {  	s0 =	sld [smem:$0x3F9E];
	_ =	swait.ge [sflag:s4], $0x0  }
0x19: {  	s7 =	sld [smem:$0x3F9F]  }
0x1a: {  	s8 =	sadd.s32 $0xFFFFE003, lr  }
0x1b: {  	s9 =	sadd.s32 $0xFFFFFEF7, lr;
	s5 =	simm.s32 $0xFFFFFFFF;
	p2 =	slt.u32 s8, $0xFFFFF086  }
0x1c: {  	p1 =	slt.u32 s9, $0xF7A;
	s5 =	simm.s32 @!p2 $0x0  }
0x1d: {  	s5 =	simm.s32 @p1 $0x1;
	p0 =	seq.s32 s7, s2  }
0x1e: {  	s7 =	smul.u32 @!p0 $0xF7A, s2;
	p2 =	seq.s32 @!p0 s5, $0x0  }
0x1f: {  	s9 =	smul.u32 $0xF7A, s1;
	s8 =	simm.s32 @!p0 $0x1BF5;
	p2 =	por !p2, p0  }
0x20: {  	[sflag:s8] =	ssyncset.s32 @!p0 $0xFFFFF086;
	s6 =	sadd.s32 @!p0 s3, s7;
	s7 =	simm.s32 @!p0 $0x108  }
0x21: {  	s3 =	sadd.s32 s3, s9;
	s6 =	sadd.s32 @!p0 $0x88, s6;
	s7 =	simm.s32 @p2 $0x1082  }
0x22: {  	[simem:s7], [sflag:s8] =	dma.local @!p0 [hbm:s6], $0xF7A  }
0x23: {  	s9 =	sor.u32 $0xD0000000, s2;
	s6 =	simm.s32 $0x108;
	_ =	swait.ge @!p0 [sflag:s8], $0x0  }
0x24: {  	s3 =	sadd.s32 $0x88, s3;
	s6 =	simm.s32 @!p1 $0x1082;
	[sflag:s4] =	ssyncset.s32 $0xFFFFF086  }
0x25: {  	[simem:s6], [sflag:s4] =	dma.local [hbm:s3], $0xF7A  }
0x26: {  	[smem:$0x3F9F] =	sst s1;
	(tag) =	ssettag s2;
	_ =	strace s9  }
0x27: {  	s1 =	sld [smem:$0x3FAF]  }
0x28: {  	s2 =	sld [smem:$0x3FB0]  }
0x29: {  	s4 =	sld [smem:$0x3FB2]  }
0x2a: {  	p0 =	seq.s32 s5, $0x0;
	s5 =	sld [smem:$0x3FB3]  }
0x2b: {  	s6 =	sld [smem:$0x3FB4]  }
0x2c: {  	s7 =	sld [smem:$0x3FB5]  }
0x2d: {  	s3 =	simm.s32 $0x108;
	s8 =	sld [smem:$0x3FB6]  }
0x2e: {  	s3 =	simm.s32 @!p0 $0x1082;
	s9 =	sld [smem:$0x3FB7]  }
0x2f: {  	lr =	sadd.s32 s0, s3;
	s0 =	sld [smem:$0x3FAE]  }
0x30: {  	s3 =	sld [smem:$0x3FB1]  }
0x31: {  	[smem:$0x3FBA] =	sst s10  }
0x32: {  	s10 =	sld [smem:$0x3FB8];
	_ =	sdelay $0x3  }
0x33: {  	p0 =	seq.s32 s10, $0x1;
	s10 =	sld [smem:$0x3FBA];
	_ =	sdelay $0x3  }
0x34: {  	[smem:$0x3FBA] =	sst s10  }
0x35: {  	s10 =	sld [smem:$0x3FB9];
	_ =	sdelay $0x3  }
0x36: {  	p1 =	seq.s32 s10, $0x1;
	s10 =	sld [smem:$0x3FBA];
	_ =	sdelay $0x3  }
0x37: {  	[smem:$0x3FBA] =	sst s10  }
0x38: {  	s10 =	sld [smem:$0x3FBB]  }
0x39: {  	_ = 	snop;
	(pc) =	sbr.ind lr, $3  }
0x3a: {  	_ = 	snop  }
0x3b: {  	_ = 	snop  }
0x3c: {  	p2 =	seq.s32 s10, $0x1;
	s10 =	sld [smem:$0x3FBA]  }
0x3d: {  	_ =	shalt  }
0x3e: {  	_ =	shalt  }
0x3f: {  	_ =	shalt  }
0x40: {  	_ =	shalt  }
0x41: {  	_ =	shalt  }
0x42: {  	_ =	shalt  }
0x43: {  	_ =	shalt  }
0x44: {  	_ =	shalt  }
0x45: {  	_ =	shalt  }
0x46: {  	_ =	shalt  }
0x47: {  	_ =	shalt  }
0x48: {  	_ =	shalt  }
0x49: {  	_ =	shalt  }
0x4a: {  	_ =	shalt  }
0x4b: {  	_ =	shalt  }
0x4c: {  	_ =	shalt  }
0x4d: {  	_ =	shalt  }
0x4e: {  	_ =	shalt  }
0x4f: {  	_ =	shalt  }
0x50: {  	_ =	shalt  }
0x51: {  	_ =	shalt  }
0x52: {  	_ =	shalt  }
0x53: {  	_ =	shalt  }
0x54: {  	_ =	shalt  }
0x55: {  	_ =	shalt  }
0x56: {  	_ =	shalt  }
0x57: {  	_ =	shalt  }
0x58: {  	_ =	shalt  }
0x59: {  	_ =	shalt  }
0x5a: {  	_ =	shalt  }
0x5b: {  	_ =	shalt  }
0x5c: {  	_ =	shalt  }
0x5d: {  	_ =	shalt  }
0x5e: {  	_ =	shalt  }
0x5f: {  	_ =	shalt  }
0x60: {  	_ =	shalt  }
0x61: {  	_ =	shalt  }
0x62: {  	_ =	shalt  }
0x63: {  	_ =	shalt  }
0x64: {  	_ =	shalt  }
0x65: {  	_ =	shalt  }
0x66: {  	_ =	shalt  }
0x67: {  	_ =	shalt  }
0x68: {  	_ =	shalt  }
0x69: {  	_ =	shalt  }
0x6a: {  	_ =	shalt  }
0x6b: {  	_ =	shalt  }
0x6c: {  	_ =	shalt  }
0x6d: {  	_ =	shalt  }
0x6e: {  	_ =	shalt  }
0x6f: {  	_ =	shalt  }
0x70: {  	_ =	shalt  }
0x71: {  	_ =	shalt  }
0x72: {  	_ =	shalt  }
0x73: {  	_ =	shalt  }
0x74: {  	_ =	shalt  }
0x75: {  	_ =	shalt  }
0x76: {  	_ =	shalt  }
0x77: {  	_ =	shalt  }
0x78: {  	_ =	shalt  }
0x79: {  	_ =	shalt  }
0x7a: {  	_ =	shalt  }
0x7b: {  	_ =	shalt  }
0x7c: {  	_ =	shalt  }
0x7d: {  	_ =	shalt  }
0x7e: {  	_ =	shalt  }
0x7f: {  	_ =	shalt  }
0x80: {  	_ =	shalt  }
0x81: {  	_ =	shalt  }
0x82: {  	_ =	shalt  }
0x83: {  	_ =	shalt  }
0x84: {  	_ =	shalt  }
0x85: {  	_ =	shalt  }
0x86: {  	_ =	shalt  }
0x87: {  	_ =	shalt  }
.Lfunc_end0:
.L_simem_size_0:
called_computation_lowered:
.L_overlay_start_0:
0x88: {  	s2 =	sld [smem:$0x3FD9]  }
0x89: {  	s3 =	sld [smem:$0x3FFE];
	_ =	sdelay $0x1  }
0x8a: {  	s1 =	srdreg.scid  }
0x8b: {  	s0 =	sand.u32 $0x1, s1  }
0x8c: {  	s17 =	sshll.u32 s0, $0xA;
	s2 =	sadd.s32 s3, s2  }
0x8d: {  	s2 =	sadd.s32 s2, s17  }
0x8e: {  	[smem:$0x3FC6] =	sst s2  }
0x8f: {  	_ = 	snop  }
0x90: {  	s2 =	sld [smem:$0x3FD0];
	(tm) =	ssettm $0x1  }
0x91: {  	s18 =	sld [smem:$0x3FFB];
	_ =	sdelay $0x3  }
0x92: {  	_ =	strace s18  }
0x93: {  	s3 =	sld [smem:$0x3FFC];
	_ =	sdelay $0x3  }
0x94: {  	_ =	strace s3  }
0x95: {  	s3 =	sld [smem:$0x3FFD];
	_ =	sdelay $0x3  }
0x96: {  	_ =	strace s3  }
0x97: {  	_ =	strace $0x8FFFFFFF  }
0x98: {  	s19 =	sld [smem:$0x3FDB];
	_ =	sdelay $0x1  }
0x99: {  	s4 =	simm.s32 $_scs_section_size  }
0x9a: {  	s5 =	simm.s32 $_size__tile_overlayer_lowered;
	s6 =	simm.s32 $_tile_overlayer_lowered  }
0x9b: {  	s22 =	simm.s32 $0x1BFF;
	s21 =	sshll.u32 s6, $0x1;
	s3 =	sadd.s32 s4, s19  }
0x9c: {  	s7 =	simm.s32 $0x0;
	s20 =	sshll.u32 s5, $0x1;
	s5 =	sadd.s32 s21, s3  }
0x9d: {  	[timem:s7], [sflag:s22] =	dma.local [hbm:s5], s20  }
0x9e: {  	_ =	swait.ge [sflag:s22], s20  }
0x9f: {  	s4 =	ssub.s32 $0x0, s20;
	[sflag:s22] =	ssyncset.done $0x0  }
0xa0: {  	[sflag:s22] =	ssyncadd.s32 s4;
	_ =	sdelay $0x1  }
0xa1: {  	s23 =	simm.s32 $0x1B8B  }
0xa2: {  	_ =	swait.ge [sflag:s23], $0x1  }
0xa3: {  	[sflag:s23] =	ssyncset.done $0x0  }
0xa4: {  	s25 =	simm.s32 $0x1B8E;
	s24 =	sld [smem:$0x3FFE];
	[sflag:s23] =	ssyncadd.s32 $0xFFFFFFFF  }
0xa5: {  	s26 =	simm.s32 $execute0_lowered;
	[smem:$0x3FD2] =	sst s25  }
0xa6: {  	s5 =	sshll.u32 s26, $0x1;
	_ =	strace $0x80000046;
	[dreg:$0x1] =	wrdreg $0xFFFFFFFF  }
0xa7: {  	s28 =	simm.s32 $_size_execute0_lowered;
	s3 =	sadd.s32 s3, s5;
	[dreg:$0x0] =	wrdreg $0x0  }
0xa8: {  	s5 =	sshll.u32 s28, $0x1;
	[dreg:$0x2] =	wrdreg s3  }
0xa9: {  	[dreg:$0x3] =	wrdreg s5  }
0xaa: {  	[dreg:$0x4] =	wrdreg $0xC0  }
0xab: {  	_ =	task [dreg:s7], $0x5FFFF  }
0xac: {  	[dreg:$0x1] =	wrdreg $0xFFFFFFFF  }
0xad: {  	[dreg:$0x0] =	wrdreg $0x60  }
0xae: {  	[dreg:$0x2] =	wrdreg s24  }
0xaf: {  	[dreg:$0x3] =	wrdreg s2  }
0xb0: {  	[dreg:$0x4] =	wrdreg $0x9  }
0xb1: {  	_ =	task.clear_ibuf [dreg:s7], $0x5FFFF;
	_ =	strace $0x90000046  }
0xb2: {  	s29 =	simm.s32 $0x9;
	_ =	strace $0x80000048  }
0xb3: {  	_ =	swait.ge [sflag:s29], $0x1  }
0xb4: {  	[sflag:s29] =	ssyncadd.s32 $0xFFFFFFFF  }
0xb5: {  	_ =	strace $0x90000048  }
0xb6: {  	_ =	sfence  }
0xb7: {  	s30 =	sld [smem:$0x0];
	_ =	sdelay $0x2  }
0xb8: {  	s31 =	sshll.u32 s1, $0xD;
	s1 =	sshrl.u32 s1, $0x2  }
0xb9: {  	s3 =	sand.u32 $0x4000, s31;
	s1 =	sadd.s32 s1, s30  }
0xba: {  	s0 =	sor.u32 s3, s0;
	s1 =	sshll.u32 s1, $0x11  }
0xbb: {  	s0 =	sor.u32 s1, s0  }
0xbc: {  	s0 =	sadd.s32 $0x8F2B, s0  }
0xbd: {  	[sflag:s0] =	ssyncadd.remote.s32 $0x1  }
0xbe: {  	_ =	sfence.sel $0xFFFF  }
0xbf: {  	[dreg:$0x0] =	wrdreg $0xFFFFFFFF;
	(pc) =	sbr.abs _section_cstart, $3  }
0xc0: {  	[dreg:$0x1] =	wrdreg $0xFFFFFFFF  }
0xc1: {  	_ =	task.clear_ibuf [dreg:s7], $0x2FFFF;
	_ =	strace $0x9FFFFFFF  }
0xc2: {  	(tm) =	ssettm $0x7FFFFFFF  }
0xc3: {  	_ =	shalt  }
tec
execute0_lowered:
.L_overlay_start_1:
0x0: {  	(tag) =	ssettag $0x1  }
0x1: {  	s0 =	srdreg.scid;
	s4 =	rddreg [dreg:$0x0]  }
0x2: {  	s31 =	stileid.u32;
	s5 =	rddreg [dreg:$0x1]  }
0x3: {  	s10 =	simm.s32 $0xA20;
	s11 =	simm.s32 $0x4620;
	s12 =	simm.s32 $0x28  }
0x4: {  	s13 =	simm.s32 $0x320;
	s14 =	simm.s32 $0xBE20;
	s15 =	simm.s32 $0xC2F8  }
0x5: {  	s16 =	simm.s32 $0xC7D0;
	s17 =	simm.s32 $0xCCA8;
	s1 =	sand.u32 $0x1, s0  }
0x6: {  	s18 =	simm.s32 $0x70;
	s19 =	simm.s32 $0xD180;
	s2 =	sshll.u32 s1, $0x4  }
0x7: {  	s20 =	simm.s32 $0x8220;
	s21 =	simm.s32 $0x0;
	s3 =	sor.u32 s31, s2  }
0x8: {  	s1 =	ssub.s32 $0x2, s1;
	s2 =	simm.s32 $0x0;
	s6 =	smul.u32 $0x140, s3  }
.Ltmp0:
0x9: {  	s8 =	sshrl.u32 s1, $0x1;
	[smem:$0x7FF] =	sst s2;
	(pc) =	sbr.rel .LBB2_1-.Ltmp0, $4  }
0xa: {  	s7 =	smul.u32 $0x780, s3;
	s3 =	sadd.s32 $0x12400, s4;
	s1 =	ssub.s32 s1, s8  }
0xb: {  	_ =	strace $0x80000047;
	s8 =	smax.u32 s1, $0x1;
	s6 =	sadd.s32 s6, s4  }
0xc: {  	vm0 =	vmmov $0xffff;
	s9 =	sadd.s32 s7, s4;
	s5 =	sadd.s32 s5, s7;
	s4 =	sadd.s32 $0xA00, s6  }
0xd: {  	v0 =	vmpcnt.ones.xlane vm0;
	s6 =	sadd.s32 $0x3400, s9;
	s7 =	sadd.s32 $0x25E00, s9;
	s9 =	simm.s32 $0x5  }
.LBB2_41:
0xe: {  	s21 =	sadd.s32 $0x1, s21  }
0xf: {  	p0 =	sne.s32 s21, s8  }
.Ltmp1:
0x10: {  	_ = 	snop;
	(pc) =	sbr.rel @!p0 .LBB2_42-.Ltmp1, $4  }
0x11: {  	[hbm4b:s7+s2] =	stream.linear.scatter [tilespmem:s20], [sflag:$0x5], $0x3C00, $0x38;
	[tilespmem:$0xFF00] =	vst v63  }
0x12: {  	_ =	swait.ge [sflag:s9], $0x3C00  }
0x13: {  	[sflag:s9] =	ssyncset.done $0x0  }
0x14: {  	[sflag:s9] =	ssyncadd.s32 $0xFFFFC400  }
.LBB2_1:
0x15: {  	[tilespmem:s2], [sflag:$0x5] =	stream.linear.gather [hbm4b:s4+s2], $0xA20, $0x38;
	[tilespmem:$0xFF00] =	vst v63  }
0x16: {  	_ =	swait.ge [sflag:s9], $0xA20  }
0x17: {  	[sflag:s9] =	ssyncset.done $0x0  }
0x18: {  	[sflag:s9] =	ssyncadd.s32 $0xFFFFF5E0  }
0x19: {  	[tilespmem:s10], [sflag:$0x5] =	stream.linear.gather [hbm4b:s5+s2], $0x3C00, $0x38;
	[tilespmem:$0xFF00] =	vst v63  }
0x1a: {  	_ =	swait.ge [sflag:s9], $0x3C00  }
0x1b: {  	[sflag:s9] =	ssyncset.done $0x0  }
0x1c: {  	[sflag:s9] =	ssyncadd.s32 $0xFFFFC400  }
0x1d: {  	[tilespmem:s11], [sflag:$0x5] =	stream.linear.gather [hbm4b:s6+s2], $0x3C00, $0x38;
	[tilespmem:$0xFF00] =	vst v63  }
0x1e: {  	_ =	swait.ge [sflag:s9], $0x3C00  }
0x1f: {  	[sflag:s9] =	ssyncset.done $0x0  }
0x20: {  	[sflag:s9] =	ssyncadd.s32 $0xFFFFC400  }
0x21: {  	v1 =	vld [tilespmem:$0x0];
	_ =	sdelay $0x4  }
0x22: {  	(v2sf) =	vpush v1, $0x1  }
0x23: {  	(v2sf) =	vpush v1, $0x0;
	_ =	sdelay $0xd  }
0x24: {  	s1 =	spop (v2sf)  }
0x25: {  	s1 =	sadd.f32 $1.258291200e+07, s1;
	s22 =	spop (v2sf)  }
0x26: {  	s22 =	sadd.f32 $1.258291200e+07, s22  }
0x27: {  	s1 =	sadd.f32 $-1.258291200e+07, s1  }
0x28: {  	s22 =	sadd.f32 $-1.258291200e+07, s22  }
0x29: {  	s1 =	scvt.f32.s32 s1  }
0x2a: {  	s22 =	scvt.f32.s32 s22  }
0x2b: {  	s1 =	sadd.s32 $0xFFFFFFF1, s1  }
0x2c: {  	p0 =	sgt.s32 s1, $0x0;
	s22 =	sadd.s32 $0xFFFFFFF1, s22  }
0x2d: {  	s1 =	simm.s32 @!p0 $0x0;
	p0 =	sgt.s32 s22, $0x0  }
0x2e: {  	s1 =	smin.u32 s1, $0x301;
	s22 =	simm.s32 @!p0 $0x0  }
0x2f: {  	s1 =	smul.u32 $0x320, s1;
	s22 =	smin.u32 s22, $0x2F8  }
0x30: {  	s22 =	sand.u32 $0x3F8, s22  }
0x31: {  	s1 =	sadd.s32 s22, s1  }
0x32: {  	s1 =	sshrl.u32 s1, $0x3  }
0x33: {  	s1 =	sadd.s32 s3, s1  }
0x34: {  	[tilespmem:s14], [sflag:$0x1] =	stream.strided.gather [hbm4b:s1+s12], $0x4D8, s13, s12, $0x38;
	[tilespmem:$0xFF00] =	vst v63  }
0x35: {  	v1 =	vld [tilespmem:$0x10];
	_ =	sdelay $0x4  }
0x36: {  	(v2sf) =	vpush v1, $0x1  }
0x37: {  	(v2sf) =	vpush v1, $0x0;
	_ =	sdelay $0xd  }
0x38: {  	s25 =	spop (v2sf)  }
0x39: {  	s1 =	sadd.f32 $1.258291200e+07, s25;
	s26 =	spop (v2sf)  }
0x3a: {  	s22 =	sadd.f32 $1.258291200e+07, s26  }
0x3b: {  	s1 =	sadd.f32 $-1.258291200e+07, s1  }
0x3c: {  	s22 =	sadd.f32 $-1.258291200e+07, s22  }
0x3d: {  	s1 =	scvt.f32.s32 s1  }
0x3e: {  	s22 =	scvt.f32.s32 s22  }
0x3f: {  	s1 =	sadd.s32 $0xFFFFFFF1, s1  }
0x40: {  	p0 =	sgt.s32 s1, $0x0;
	s22 =	sadd.s32 $0xFFFFFFF1, s22  }
0x41: {  	s1 =	simm.s32 @!p0 $0x0;
	p0 =	sgt.s32 s22, $0x0  }
0x42: {  	s1 =	smin.u32 s1, $0x301;
	s22 =	simm.s32 @!p0 $0x0  }
0x43: {  	s1 =	smul.u32 $0x320, s1;
	s22 =	smin.u32 s22, $0x2F8  }
0x44: {  	s22 =	sand.u32 $0x3F8, s22  }
0x45: {  	s1 =	sadd.s32 s22, s1  }
0x46: {  	s1 =	sshrl.u32 s1, $0x3  }
0x47: {  	s1 =	sadd.s32 s3, s1  }
0x48: {  	[tilespmem:s15], [sflag:$0x2] =	stream.strided.gather [hbm4b:s1+s12], $0x4D8, s13, s12, $0x38;
	[tilespmem:$0xFF00] =	vst v63  }
0x49: {  	v1 =	vld [tilespmem:$0x20];
	_ =	sdelay $0x4  }
0x4a: {  	(v2sf) =	vpush v1, $0x1  }
0x4b: {  	(v2sf) =	vpush v1, $0x0;
	_ =	sdelay $0xd  }
0x4c: {  	s28 =	spop (v2sf)  }
0x4d: {  	s1 =	sadd.f32 $1.258291200e+07, s28;
	s29 =	spop (v2sf)  }
0x4e: {  	s22 =	sadd.f32 $1.258291200e+07, s29  }
0x4f: {  	s1 =	sadd.f32 $-1.258291200e+07, s1  }
0x50: {  	s22 =	sadd.f32 $-1.258291200e+07, s22  }
0x51: {  	s1 =	scvt.f32.s32 s1  }
0x52: {  	s22 =	scvt.f32.s32 s22  }
0x53: {  	s1 =	sadd.s32 $0xFFFFFFF1, s1  }
0x54: {  	p0 =	sgt.s32 s1, $0x0;
	s22 =	sadd.s32 $0xFFFFFFF1, s22  }
0x55: {  	s1 =	simm.s32 @!p0 $0x0;
	p0 =	sgt.s32 s22, $0x0  }
0x56: {  	s1 =	smin.u32 s1, $0x301;
	s22 =	simm.s32 @!p0 $0x0  }
0x57: {  	s1 =	smul.u32 $0x320, s1;
	s22 =	smin.u32 s22, $0x2F8  }
0x58: {  	s22 =	sand.u32 $0x3F8, s22  }
0x59: {  	s1 =	sadd.s32 s22, s1  }
0x5a: {  	s1 =	sshrl.u32 s1, $0x3  }
0x5b: {  	s1 =	sadd.s32 s3, s1  }
0x5c: {  	[tilespmem:s16], [sflag:$0x3] =	stream.strided.gather [hbm4b:s1+s12], $0x4D8, s13, s12, $0x38;
	[tilespmem:$0xFF00] =	vst v63  }
0x5d: {  	v1 =	vld [tilespmem:$0x30];
	_ =	sdelay $0x4  }
0x5e: {  	(v2sf) =	vpush v1, $0x1  }
0x5f: {  	(v2sf) =	vpush v1, $0x0;
	_ =	sdelay $0xd  }
0x60: {  	s30 =	spop (v2sf)  }
0x61: {  	s1 =	sadd.f32 $1.258291200e+07, s30;
	s31 =	spop (v2sf)  }
0x62: {  	s22 =	sadd.f32 $1.258291200e+07, s31  }
0x63: {  	s1 =	sadd.f32 $-1.258291200e+07, s1  }
0x64: {  	s22 =	sadd.f32 $-1.258291200e+07, s22  }
0x65: {  	s1 =	scvt.f32.s32 s1  }
0x66: {  	s22 =	scvt.f32.s32 s22  }
0x67: {  	s1 =	sadd.s32 $0xFFFFFFF1, s1  }
0x68: {  	p0 =	sgt.s32 s1, $0x0;
	s22 =	sadd.s32 $0xFFFFFFF1, s22  }
0x69: {  	s1 =	simm.s32 @!p0 $0x0;
	p0 =	sgt.s32 s22, $0x0  }
0x6a: {  	s1 =	smin.u32 s1, $0x301;
	s22 =	simm.s32 @!p0 $0x0  }
0x6b: {  	s1 =	smul.u32 $0x320, s1;
	s22 =	smin.u32 s22, $0x2F8  }
.Ltmp2:
0x6c: {  	s22 =	sand.u32 $0x3F8, s22;
	(pc) =	sbr.rel .LBB2_2-.Ltmp2, $4  }
0x6d: {  	s1 =	sadd.s32 s22, s1  }
0x6e: {  	s1 =	sshrl.u32 s1, $0x3  }
0x6f: {  	s22 =	simm.s32 $0x0;
	s1 =	sadd.s32 s3, s1  }
0x70: {  	[tilespmem:s17], [sflag:$0x4] =	stream.strided.gather [hbm4b:s1+s12], $0x4D8, s13, s12, $0x38;
	[tilespmem:$0xFF00] =	vst v63  }
.LBB2_40:
0x71: {  	s22 =	sadd.s32 $0x1, s22  }
0x72: {  	p0 =	sne.s32 s22, $0xA0  }
.Ltmp3:
0x73: {  	_ = 	snop;
	(pc) =	sbr.rel @!p0 .LBB2_41-.Ltmp3, $1  }
0x74: {  	_ =	sdelay $0x3  }
.LBB2_2:
0x75: {  	s23 =	sand.u32 $0x3, s22  }
0x76: {  	p0 =	sgt.s32 s23, $0x1  }
.Ltmp4:
0x77: {  	_ = 	snop;
	(pc) =	sbr.rel @p0 .LBB2_4-.Ltmp4, $1  }
0x78: {  	_ =	sdelay $0x3  }
.Ltmp5:
0x79: {  	(pc) =	sbr.rel .LBB2_7-.Ltmp5, $4  }
0x7a: {  	p3 =	seq.s32 s23, $0x0;
	p0 =	por $0x0, $0x0  }
0x7b: {  	p2 =	por $0x0, $0x0;
	p1 =	por $0x0, $0x0;
	s1 =	simm.s32 @!p3 $0x2  }
0x7c: {  	p4 =	por @!p3 $0x1, $0x1;
	p5 =	por @!p3 $0x0, $0x0;
	s1 =	simm.s32 @p3 $0x1  }
0x7d: {  	p0 =	por @!p3 p5, p5;
	p2 =	por @!p3 p4, p4;
	p1 =	por @!p3 p5, p5  }
.LBB2_4:
0x7e: {  	p0 =	seq.s32 s23, $0x3  }
.Ltmp6:
0x7f: {  	_ = 	snop;
	(pc) =	sbr.rel @!p0 .LBB2_5-.Ltmp6, $1  }
0x80: {  	_ =	sdelay $0x3  }
.Ltmp7:
0x81: {  	(pc) =	sbr.rel .LBB2_7-.Ltmp7, $3  }
0x82: {  	_ =	sdelay $0x1  }
0x83: {  	p2 =	por $0x0, $0x0  }
0x84: {  	p0 =	por $0x1, $0x1;
	s1 =	simm.s32 $0x4;
	p1 =	por $0x0, $0x0  }
.LBB2_5:
0x85: {  	p1 =	por $0x1, $0x1  }
0x86: {  	p0 =	por $0x0, $0x0;
	s1 =	simm.s32 $0x3;
	p2 =	por $0x0, $0x0  }
.LBB2_7:
0x87: {  	_ =	swait.ge [sflag:s1], $0x4D8  }
0x88: {  	s24 =	sshll.u32 s22, $0x4;
	[sflag:s1] =	ssyncset.done $0x0  }
0x89: {  	s30 =	sand.u32 $0x3FFFFFF0, s24;
	[sflag:s1] =	ssyncadd.s32 $0xFFFFFB28  }
0x8a: {  	v1 =	vld [tilespmem:s30+$0x0];
	_ =	sdelay $0x4  }
0x8b: {  	(v2sf) =	vpush v1, $0x0  }
0x8c: {  	(v2sf) =	vpush v1, $0x1  }
0x8d: {  	(v2sf) =	vpush v0, $0x0;
	_ =	sdelay $0x7  }
0x8e: {  	s24 =	smul.u32 $0x60, s22;
	_ =	sdelay $0x1  }
0x8f: {  	v2 =	vld [tilespmem:s24+$0xA20]  }
0x90: {  	v3 =	vld [tilespmem:s24+$0xA30]  }
0x91: {  	v4 =	vld [tilespmem:s24+$0xA40]  }
0x92: {  	v5 =	vld [tilespmem:s24+$0xA50];
	s31 =	spop (v2sf)  }
0x93: {  	v6 =	vld [tilespmem:s24+$0xA60];
	s25 =	spop (v2sf)  }
0x94: {  	v7 =	vld [tilespmem:s24+$0xA70];
	s26 =	spop (v2sf)  }
0x95: {  	v8 =	vld [tilespmem:s24+$0x4620];
	s1 =	sadd.f32 $1.258291200e+07, s31;
	p3 =	slt.s32 s26, $0x1  }
.Ltmp8:
0x96: {  	v9 =	vld [tilespmem:s24+$0x4630];
	s25 =	sadd.f32 $1.258291200e+07, s25;
	(pc) =	sbr.rel @p3 .LBB2_8-.Ltmp8, $4  }
0x97: {  	v10 =	vld [tilespmem:s24+$0x4640];
	s1 =	sadd.f32 $-1.258291200e+07, s1  }
0x98: {  	v11 =	vld [tilespmem:s24+$0x4650];
	s25 =	sadd.f32 $-1.258291200e+07, s25  }
0x99: {  	v12 =	vld [tilespmem:s24+$0x4660]  }
0x9a: {  	v13 =	vld [tilespmem:s24+$0x4670];
	s26 =	scvt.f32.s32 s25;
	s25 =	scvt.f32.s32 s1  }
0x9b: {  	_ = 	snop  }
0x9c: {  	s1 =	sadd.s32 $0xFFFFFFF1, s26  }
0x9d: {  	s28 =	sadd.s32 $0xFFFFFFF1, s25;
	p3 =	sgt.s32 s1, $0x0  }
0x9e: {  	s1 =	simm.s32 @!p3 $0x0;
	p3 =	sgt.s32 s28, $0x0  }
0x9f: {  	s29 =	smul.u32 $0xFFFFFFE1, s23;
	v14 =	vbroadcast v1, $0x0;
	s28 =	simm.s32 @!p3 $0x0  }
0xa0: {  	v15 =	vbroadcast v1, $0x1;
	v19 =	vimm.f32 $5.000000000e+01;
	v20 =	vimm.f32 $5.000000000e+01;
	s1 =	smin.u32 s1, $0x301;
	s28 =	smin.u32 s28, $0x2F8  }
0xa1: {  	v21 =	vimm.f32 $5.000000000e+01;
	v18 =	vimm.f32 $5.000000000e+01;
	v22 =	vimm.f32 $5.000000000e+01;
	s1 =	sadd.s32 s29, s1;
	s28 =	sand.u32 $0x3F8, s28  }
0xa2: {  	v24 =	vimm.f32 $5.000000000e+01;
	v16 =	vmov s1;
	v17 =	vmov s28;
	s28 =	simm.s32 $0x0  }
.LBB2_10:
0xa3: {  	s1 =	scvt.s32.f32 s28;
	_ =	sdelay $0x1  }
0xa4: {  	v25 =	vmul.f32 s1, v8  }
0xa5: {  	v23 =	vmul.f32 s1, v2  }
0xa6: {  	v25 =	vadd.f32 v25, v15  }
0xa7: {  	v23 =	vadd.f32 v23, v14  }
0xa8: {  	v25 =	vadd.f32 $1.258291200e+07, v25  }
0xa9: {  	v26 =	vmul.f32 s1, v9;
	v23 =	vadd.f32 $1.258291200e+07, v23  }
0xaa: {  	v27 =	vmul.f32 s1, v3;
	v29 =	vmul.f32 s1, v10;
	v25 =	vadd.f32 $-1.258291200e+07, v25  }
0xab: {  	v52 =	vmul.f32 s1, v4;
	v54 =	vmul.f32 s1, v11;
	v23 =	vadd.f32 $-1.258291200e+07, v23  }
0xac: {  	v26 =	vadd.f32 v26, v15;
	v27 =	vadd.f32 v27, v14;
	v25 =	vtrunc.f32 v25  }
0xad: {  	v29 =	vadd.f32 v29, v15;
	v23 =	vtrunc.f32 v23;
	v25 =	vcvt.f32.s32 v25  }
0xae: {  	v31 =	vmul.f32 s1, v5;
	v27 =	vadd.f32 $1.258291200e+07, v27;
	v23 =	vcvt.f32.s32 v23  }
0xaf: {  	v26 =	vadd.f32 $1.258291200e+07, v26;
	v53 =	vadd.f32 $1.258291200e+07, v29;
	v25 =	vsub.s32 v25, v16  }
0xb0: {  	v27 =	vadd.f32 $-1.258291200e+07, v27;
	v28 =	vsub.s32 v23, v17;
	v25 =	vmul.u32 $0x28, v25  }
0xb1: {  	v29 =	vadd.f32 v54, v15;
	v26 =	vadd.f32 $-1.258291200e+07, v26;
	v28 =	vand.u32 $0xFFFFFFF8, v28  }
0xb2: {  	v27 =	vtrunc.f32 v27;
	v23 =	vand.u32 $0x7, v23;
	v25 =	vadd.s32 v28, v25  }
0xb3: {  	v23 =	vor.u32 v23, v25;
	v25 =	vcvt.f32.s32 v27;
	v27 =	vadd.f32 v52, v14  }
0xb4: {  	v31 =	vadd.f32 v31, v14;
	v26 =	vtrunc.f32 v26  }
0xb5: {  	v29 =	vadd.f32 $1.258291200e+07, v29;
	v26 =	vcvt.f32.s32 v26;
	v27 =	vadd.f32 $1.258291200e+07, v27  }
0xb6: {  	v31 =	vadd.f32 $1.258291200e+07, v31;
	v28 =	vadd.f32 $-1.258291200e+07, v53  }
0xb7: {  	v29 =	vadd.f32 $-1.258291200e+07, v29;
	v26 =	vsub.s32 v26, v16;
	v27 =	vadd.f32 $-1.258291200e+07, v27  }
0xb8: {  	v26 =	vmul.u32 $0x28, v26;
	v28 =	vtrunc.f32 v28;
	v30 =	vsub.s32 v25, v17  }
0xb9: {  	v28 =	vcvt.f32.s32 v28;
	v30 =	vand.u32 $0xFFFFFFF8, v30;
	v27 =	vtrunc.f32 v27  }
0xba: {  	v25 =	vand.u32 $0x7, v25;
	v26 =	vadd.s32 v30, v26;
	v27 =	vcvt.f32.s32 v27  }
0xbb: {  	v55 =	vadd.f32 $-1.258291200e+07, v31;
	v25 =	vor.u32 v25, v26;
	v26 =	vsub.s32 v28, v16  }
0xbc: {  	v29 =	vtrunc.f32 v29;
	v26 =	vmul.u32 $0x28, v26;
	v56 =	vsub.s32 v27, v17  }
0xbd: {  	v29 =	vcvt.f32.s32 v29;
	v28 =	vtrunc.f32 v55;
	v30 =	vand.u32 $0xFFFFFFF8, v56  }
0xbe: {  	v28 =	vcvt.f32.s32 v28;
	v27 =	vand.u32 $0x7, v27;
	v26 =	vadd.s32 v30, v26  }
0xbf: {  	v26 =	vor.u32 v27, v26;
	v27 =	vsub.s32 v29, v16  }
0xc0: {  	v57 =	vsub.s32 v28, v17;
	v27 =	vmul.u32 $0x28, v27  }
0xc1: {  	v58 =	vld.idx.msk [tilespmem:v23+s14+$0x0], $0xffff;
	v23 =	vand.u32 $0xFFFFFFF8, v57  }
0xc2: {  	v28 =	vand.u32 $0x7, v28;
	v23 =	vadd.s32 v23, v27  }
0xc3: {  	v59 =	vmul.f32 s1, v6;
	v25 =	vld.idx.msk [tilespmem:v25+s14+$0x0], $0xffff;
	v27 =	vor.u32 v28, v23  }
0xc4: {  	v23 =	vmul.f32 s1, v12  }
0xc5: {  	v62 =	vmul.f32 s1, v13;
	v28 =	vadd.f32 v59, v14;
	v26 =	vld.idx.msk [tilespmem:v26+s14+$0x0], $0xffff  }
0xc6: {  	v60 =	vadd.f32 v23, v15  }
0xc7: {  	v29 =	vadd.f32 v62, v15;
	v28 =	vadd.f32 $1.258291200e+07, v28  }
0xc8: {  	vm10 =	vgt.f32 v25, $3.499999940e-01;
	v25 =	vadd.f32 $1.258291200e+07, v60;
	v27 =	vld.idx.msk [tilespmem:v27+s14+$0x0], $0xffff  }
0xc9: {  	vm0 =	vgt.f32 v58, $3.499999940e-01;
	v29 =	vadd.f32 $1.258291200e+07, v29;
	v28 =	vadd.f32 $-1.258291200e+07, v28  }
0xca: {  	v23 =	vmov s1;
	vm11 =	vgt.f32 v26, $3.499999940e-01;
	v25 =	vadd.f32 $-1.258291200e+07, v25  }
0xcb: {  	s0 =	sadd.s32 $0x1, s28;
	v29 =	vadd.f32 $-1.258291200e+07, v29;
	v28 =	vtrunc.f32 v28;
	v26 =	vnsel vm11, $0x42480000, v23  }
0xcc: {  	v18 =	vmin.f32 v18, v26;
	v25 =	vtrunc.f32 v25;
	v26 =	vmul.f32 s1, v7;
	s1 =	scvt.s32.f32 s0  }
0xcd: {  	v25 =	vcvt.f32.s32 v25;
	vm12 =	vgt.f32 v27, $3.499999940e-01;
	v27 =	vcvt.f32.s32 v28  }
0xce: {  	v30 =	vnsel vm0, $0x42480000, v23;
	v41 =	vmul.f32 s1, v8;
	v42 =	vmul.f32 s1, v2  }
0xcf: {  	v61 =	vnsel vm10, $0x42480000, v23;
	v43 =	vmul.f32 s1, v9;
	v32 =	vmul.f32 s1, v3  }
0xd0: {  	v24 =	vmin.f32 v24, v30;
	v46 =	vmul.f32 s1, v4;
	v34 =	vmul.f32 s1, v10  }
0xd1: {  	v26 =	vadd.f32 v26, v14;
	v48 =	vmul.f32 s1, v5;
	v35 =	vmul.f32 s1, v11  }
0xd2: {  	v22 =	vmin.f32 v22, v61;
	v54 =	vmul.f32 s1, v12;
	v55 =	vmul.f32 s1, v6  }
0xd3: {  	v63 =	vnsel vm12, $0x42480000, v23;
	v25 =	vsub.s32 v25, v16;
	v26 =	vadd.f32 $1.258291200e+07, v26  }
0xd4: {  	v40 =	vsub.s32 v27, v17;
	v31 =	vadd.f32 v43, v15;
	v32 =	vadd.f32 v32, v14  }
0xd5: {  	v25 =	vmul.u32 $0x28, v25;
	v34 =	vadd.f32 v34, v15;
	v50 =	vadd.f32 v48, v14  }
0xd6: {  	v27 =	vand.u32 $0x7, v27;
	v53 =	vadd.f32 v35, v15;
	v35 =	vadd.f32 v55, v14  }
0xd7: {  	v21 =	vmin.f32 v21, v63;
	v30 =	vand.u32 $0xFFFFFFF8, v40;
	v26 =	vadd.f32 $-1.258291200e+07, v26  }
0xd8: {  	v25 =	vadd.s32 v30, v25;
	v30 =	vadd.f32 v41, v15;
	v31 =	vadd.f32 $1.258291200e+07, v31  }
0xd9: {  	v63 =	vmul.f32 s1, v7;
	v32 =	vadd.f32 $1.258291200e+07, v32;
	v34 =	vadd.f32 $1.258291200e+07, v34  }
0xda: {  	v35 =	vadd.f32 $1.258291200e+07, v35;
	v25 =	vor.u32 v27, v25;
	v27 =	vtrunc.f32 v29  }
0xdb: {  	v29 =	vadd.f32 v42, v14;
	v26 =	vtrunc.f32 v26;
	v30 =	vadd.f32 $1.258291200e+07, v30  }
0xdc: {  	v27 =	vcvt.f32.s32 v27;
	v31 =	vadd.f32 $-1.258291200e+07, v31;
	v32 =	vadd.f32 $-1.258291200e+07, v32  }
0xdd: {  	v34 =	vadd.f32 $-1.258291200e+07, v34;
	v35 =	vadd.f32 $-1.258291200e+07, v35;
	v26 =	vcvt.f32.s32 v26  }
0xde: {  	v29 =	vadd.f32 $1.258291200e+07, v29;
	v27 =	vsub.s32 v27, v16;
	v44 =	vtrunc.f32 v31  }
0xdf: {  	v30 =	vadd.f32 $-1.258291200e+07, v30;
	v32 =	vtrunc.f32 v32;
	v52 =	vtrunc.f32 v34  }
0xe0: {  	v34 =	vadd.f32 v54, v15;
	v35 =	vtrunc.f32 v35;
	v33 =	vsub.s32 v26, v17  }
0xe1: {  	v26 =	vand.u32 $0x7, v26;
	v29 =	vadd.f32 $-1.258291200e+07, v29;
	v27 =	vmul.u32 $0x28, v27  }
0xe2: {  	v32 =	vcvt.f32.s32 v32;
	v35 =	vcvt.f32.s32 v35;
	v33 =	vand.u32 $0xFFFFFFF8, v33  }
0xe3: {  	v30 =	vtrunc.f32 v30;
	v34 =	vadd.f32 $1.258291200e+07, v34;
	v29 =	vtrunc.f32 v29  }
0xe4: {  	v30 =	vcvt.f32.s32 v30;
	v27 =	vadd.s32 v33, v27;
	v33 =	vadd.f32 v46, v14  }
0xe5: {  	v47 =	vsub.s32 v32, v17;
	v32 =	vand.u32 $0x7, v32;
	v59 =	vsub.s32 v35, v17  }
0xe6: {  	v25 =	vld.idx.msk [tilespmem:v25+s14+$0x0], $0xffff;
	v61 =	vand.u32 $0x7, v35;
	v35 =	vadd.f32 v63, v14;
	v29 =	vcvt.f32.s32 v29  }
0xe7: {  	v26 =	vor.u32 v26, v27;
	v34 =	vadd.f32 $-1.258291200e+07, v34;
	v27 =	vsub.s32 v30, v16  }
0xe8: {  	v30 =	vcvt.f32.s32 v44;
	v33 =	vadd.f32 $1.258291200e+07, v33;
	v45 =	vsub.s32 v29, v17  }
0xe9: {  	v29 =	vand.u32 $0x7, v29;
	v27 =	vmul.u32 $0x28, v27;
	v34 =	vtrunc.f32 v34  }
0xea: {  	v31 =	vand.u32 $0xFFFFFFF8, v45;
	v30 =	vsub.s32 v30, v16;
	v33 =	vadd.f32 $-1.258291200e+07, v33  }
0xeb: {  	v34 =	vcvt.f32.s32 v34;
	vm13 =	vgt.f32 v25, $3.499999940e-01;
	v30 =	vmul.u32 $0x28, v30  }
0xec: {  	v27 =	vadd.s32 v31, v27;
	v31 =	vand.u32 $0xFFFFFFF8, v47;
	v60 =	vnsel vm13, $0x42480000, v23  }
0xed: {  	v51 =	vtrunc.f32 v33;
	v33 =	vadd.f32 $1.258291200e+07, v53;
	v30 =	vadd.s32 v31, v30  }
0xee: {  	v58 =	vsub.s32 v34, v16;
	v49 =	vor.u32 v32, v30;
	v30 =	vadd.f32 $1.258291200e+07, v50  }
0xef: {  	v34 =	vmul.f32 s1, v13;
	v31 =	vcvt.f32.s32 v51;
	v33 =	vadd.f32 $-1.258291200e+07, v33  }
0xf0: {  	v27 =	vor.u32 v29, v27;
	v26 =	vld.idx.msk [tilespmem:v26+s14+$0x0], $0xffff;
	v32 =	vcvt.f32.s32 v52;
	v30 =	vadd.f32 $-1.258291200e+07, v30  }
0xf1: {  	v28 =	vadd.f32 v34, v15;
	v36 =	vsub.s32 v31, v17;
	v33 =	vtrunc.f32 v33  }
0xf2: {  	v31 =	vand.u32 $0x7, v31;
	v33 =	vcvt.f32.s32 v33;
	v30 =	vtrunc.f32 v30  }
0xf3: {  	v32 =	vsub.s32 v32, v16;
	v36 =	vand.u32 $0xFFFFFFF8, v36;
	v30 =	vcvt.f32.s32 v30  }
0xf4: {  	v28 =	vadd.f32 $1.258291200e+07, v28;
	v32 =	vmul.u32 $0x28, v32;
	v33 =	vsub.s32 v33, v16  }
0xf5: {  	vm14 =	vgt.f32 v26, $3.499999940e-01;
	v33 =	vmul.u32 $0x28, v33;
	v56 =	vsub.s32 v30, v17  }
0xf6: {  	v27 =	vld.idx.msk [tilespmem:v27+s14+$0x0], $0xffff;
	v28 =	vadd.f32 $-1.258291200e+07, v28;
	v32 =	vadd.s32 v36, v32;
	v57 =	vand.u32 $0xFFFFFFF8, v56  }
0xf7: {  	v29 =	vld.idx.msk [tilespmem:v49+s14+$0x0], $0xffff;
	v31 =	vor.u32 v31, v32;
	v32 =	vadd.s32 v57, v33;
	v33 =	vmul.u32 $0x28, v58  }
0xf8: {  	v25 =	vand.u32 $0xFFFFFFF8, v59;
	v20 =	vmin.f32 v20, v60;
	v23 =	vnsel vm14, $0x42480000, v23  }
0xf9: {  	s29 =	sadd.s32 $0x2, s28;
	v23 =	vmin.f32 v19, v23;
	v28 =	vtrunc.f32 v28;
	v25 =	vadd.s32 v25, v33  }
0xfa: {  	v30 =	vand.u32 $0x7, v30;
	v62 =	vor.u32 v61, v25;
	v25 =	vmov s1;
	s1 =	scvt.s32.f32 s29  }
0xfb: {  	v39 =	vcvt.f32.s32 v28;
	vm15 =	vgt.f32 v27, $3.499999940e-01;
	v30 =	vor.u32 v30, v32  }
0xfc: {  	vm4 =	vgt.f32 v29, $3.499999940e-01;
	v19 =	vnsel vm15, $0x42480000, v25;
	v37 =	vmul.f32 s1, v2  }
0xfd: {  	v26 =	vld.idx.msk [tilespmem:v31+s14+$0x0], $0xffff;
	v29 =	vnsel vm4, $0x42480000, v25;
	v38 =	vmul.f32 s1, v8;
	v41 =	vmul.f32 s1, v9  }
0xfe: {  	v19 =	vmin.f32 v24, v19;
	v42 =	vmul.f32 s1, v3;
	v46 =	vmul.f32 s1, v10  }
0xff: {  	v24 =	vadd.f32 $1.258291200e+07, v35;
	v47 =	vmul.f32 s1, v4;
	v52 =	vmul.f32 s1, v5  }
0x100: {  	v22 =	vmin.f32 v22, v29;
	v56 =	vmul.f32 s1, v12;
	v58 =	vmul.f32 s1, v6  }
0x101: {  	v59 =	vmul.f32 s1, v13;
	v27 =	vld.idx.msk [tilespmem:v30+s14+$0x0], $0xffff;
	v30 =	vsub.s32 v39, v16;
	v24 =	vadd.f32 $-1.258291200e+07, v24  }
0x102: {  	vm5 =	vgt.f32 v26, $3.499999940e-01;
	v29 =	vadd.f32 v37, v14;
	v31 =	vadd.f32 v38, v15  }
0x103: {  	v30 =	vmul.u32 $0x28, v30;
	v43 =	vadd.f32 v41, v15;
	v44 =	vadd.f32 v42, v14  }
0x104: {  	v35 =	vadd.f32 v46, v15;
	v48 =	vadd.f32 v47, v14;
	v37 =	vmul.f32 s1, v11  }
0x105: {  	v38 =	vmul.f32 s1, v7;
	v29 =	vadd.f32 $1.258291200e+07, v29;
	v31 =	vadd.f32 $1.258291200e+07, v31  }
0x106: {  	v26 =	vnsel vm5, $0x42480000, v25;
	v33 =	vadd.f32 $1.258291200e+07, v44;
	v50 =	vadd.f32 $1.258291200e+07, v35  }
0x107: {  	v36 =	vld.idx.msk [tilespmem:v62+s14+$0x0], $0xffff;
	v24 =	vtrunc.f32 v24;
	v37 =	vadd.f32 v37, v15;
	v38 =	vadd.f32 v38, v14  }
0x108: {  	v18 =	vmin.f32 v18, v26;
	v29 =	vadd.f32 $-1.258291200e+07, v29;
	v31 =	vadd.f32 $-1.258291200e+07, v31  }
0x109: {  	v24 =	vcvt.f32.s32 v24;
	v33 =	vadd.f32 $-1.258291200e+07, v33;
	v53 =	vadd.f32 $1.258291200e+07, v37  }
0x10a: {  	vm6 =	vgt.f32 v27, $3.499999940e-01;
	v37 =	vadd.f32 v59, v15;
	v38 =	vadd.f32 $1.258291200e+07, v38  }
0x10b: {  	v27 =	vnsel vm6, $0x42480000, v25;
	v40 =	vsub.s32 v24, v17;
	v24 =	vand.u32 $0x7, v24  }
0x10c: {  	vm7 =	vgt.f32 v36, $3.499999940e-01;
	v32 =	vand.u32 $0xFFFFFFF8, v40;
	v29 =	vtrunc.f32 v29  }
0x10d: {  	v31 =	vtrunc.f32 v31;
	v33 =	vtrunc.f32 v33;
	v36 =	vadd.f32 v52, v14  }
0x10e: {  	v37 =	vadd.f32 $1.258291200e+07, v37;
	v38 =	vadd.f32 $-1.258291200e+07, v38;
	v21 =	vmin.f32 v21, v27  }
0x10f: {  	v28 =	vnsel vm7, $0x42480000, v25;
	v30 =	vadd.s32 v32, v30;
	v29 =	vcvt.f32.s32 v29  }
0x110: {  	v31 =	vcvt.f32.s32 v31;
	v32 =	vadd.f32 $1.258291200e+07, v43;
	v33 =	vcvt.f32.s32 v33  }
0x111: {  	v30 =	vor.u32 v24, v30;
	v24 =	vmov s1;
	v36 =	vadd.f32 $1.258291200e+07, v36  }
0x112: {  	v37 =	vadd.f32 $-1.258291200e+07, v37;
	v62 =	vtrunc.f32 v38;
	v28 =	vmin.f32 v20, v28  }
0x113: {  	s30 =	sadd.s32 $0x3, s28;
	v45 =	vsub.s32 v29, v17;
	v31 =	vsub.s32 v31, v16;
	v32 =	vadd.f32 $-1.258291200e+07, v32  }
0x114: {  	s1 =	scvt.s32.f32 s30;
	v29 =	vand.u32 $0x7, v29;
	v51 =	vsub.s32 v33, v17;
	v33 =	vand.u32 $0x7, v33  }
0x115: {  	v34 =	vand.u32 $0xFFFFFFF8, v45;
	v31 =	vmul.u32 $0x28, v31;
	v61 =	vtrunc.f32 v37  }
0x116: {  	v35 =	vand.u32 $0xFFFFFFF8, v51;
	v37 =	vcvt.f32.s32 v62;
	v46 =	vmul.f32 s1, v8  }
0x117: {  	v54 =	vadd.f32 $-1.258291200e+07, v36;
	v27 =	vmul.f32 s1, v2;
	v32 =	vtrunc.f32 v32  }
0x118: {  	s31 =	sadd.s32 $0x4, s28;
	v52 =	vmul.f32 s1, v4;
	v32 =	vcvt.f32.s32 v32;
	v31 =	vadd.s32 v34, v31  }
0x119: {  	s29 =	scvt.s32.f32 s31;
	v34 =	vadd.f32 $1.258291200e+07, v48;
	v40 =	vsub.s32 v37, v17;
	v43 =	vand.u32 $0x7, v37  }
0x11a: {  	v47 =	vadd.f32 v46, v15;
	v27 =	vadd.f32 v27, v14;
	v48 =	vmul.f32 s1, v3  }
0x11b: {  	v46 =	vmul.f32 s29, v2;
	v29 =	vor.u32 v29, v31;
	v42 =	vand.u32 $0xFFFFFFF8, v40  }
0x11c: {  	v30 =	vld.idx.msk [tilespmem:v30+s14+$0x0], $0xffff;
	v49 =	vsub.s32 v32, v16;
	v32 =	vadd.f32 $-1.258291200e+07, v50;
	v34 =	vadd.f32 $-1.258291200e+07, v34  }
0x11d: {  	v40 =	vmul.f32 s1, v7;
	v31 =	vmul.u32 $0x28, v49;
	v49 =	vmul.f32 s1, v9  }
0x11e: {  	v27 =	vadd.f32 $1.258291200e+07, v27;
	v32 =	vtrunc.f32 v32;
	v34 =	vtrunc.f32 v34  }
0x11f: {  	v32 =	vcvt.f32.s32 v32;
	v31 =	vadd.s32 v35, v31;
	v34 =	vcvt.f32.s32 v34  }
0x120: {  	v35 =	vadd.f32 $-1.258291200e+07, v53;
	v31 =	vor.u32 v33, v31;
	v33 =	vtrunc.f32 v54  }
0x121: {  	vm8 =	vgt.f32 v30, $3.499999940e-01;
	v32 =	vsub.s32 v32, v16;
	v55 =	vsub.s32 v34, v17  }
0x122: {  	v34 =	vand.u32 $0x7, v34;
	v35 =	vtrunc.f32 v35;
	v33 =	vcvt.f32.s32 v33  }
0x123: {  	v29 =	vld.idx.msk [tilespmem:v29+s14+$0x0], $0xffff;
	v25 =	vnsel vm8, $0x42480000, v25;
	v32 =	vmul.u32 $0x28, v32;
	v36 =	vand.u32 $0xFFFFFFF8, v55  }
0x124: {  	v57 =	vcvt.f32.s32 v35;
	v35 =	vadd.f32 v58, v14;
	v25 =	vmin.f32 v23, v25  }
0x125: {  	v55 =	vmul.f32 s1, v5;
	v39 =	vsub.s32 v33, v17;
	v33 =	vand.u32 $0x7, v33  }
0x126: {  	v32 =	vadd.s32 v36, v32;
	v36 =	vadd.f32 v56, v15;
	v39 =	vand.u32 $0xFFFFFFF8, v39  }
0x127: {  	v35 =	vadd.f32 $1.258291200e+07, v35;
	v56 =	vmul.f32 s1, v11;
	v32 =	vor.u32 v34, v32  }
0x128: {  	v34 =	vsub.s32 v57, v16;
	v31 =	vld.idx.msk [tilespmem:v31+s14+$0x0], $0xffff;
	vm9 =	vgt.f32 v29, $3.499999940e-01;
	v36 =	vadd.f32 $1.258291200e+07, v36  }
0x129: {  	v34 =	vmul.u32 $0x28, v34;
	v35 =	vadd.f32 $-1.258291200e+07, v35;
	v26 =	vnsel vm9, $0x42480000, v24  }
0x12a: {  	v58 =	vadd.f32 v56, v15;
	v23 =	vmin.f32 v19, v26;
	v36 =	vadd.f32 $-1.258291200e+07, v36  }
0x12b: {  	v34 =	vadd.s32 v39, v34;
	v35 =	vtrunc.f32 v35;
	v39 =	vmul.f32 s1, v13  }
0x12c: {  	v33 =	vor.u32 v33, v34;
	v60 =	vcvt.f32.s32 v35;
	v35 =	vcvt.f32.s32 v61  }
0x12d: {  	v36 =	vtrunc.f32 v36;
	vm10 =	vgt.f32 v31, $3.499999940e-01;
	v31 =	vadd.f32 $1.258291200e+07, v47  }
0x12e: {  	v32 =	vld.idx.msk [tilespmem:v32+s14+$0x0], $0xffff;
	v47 =	vmul.f32 s29, v8;
	v36 =	vcvt.f32.s32 v36;
	v63 =	vsub.s32 v60, v17  }
0x12f: {  	v34 =	vand.u32 $0x7, v60;
	v35 =	vsub.s32 v35, v16;
	v20 =	vnsel vm10, $0x42480000, v24  }
0x130: {  	v60 =	vadd.f32 $1.258291200e+07, v58;
	v58 =	vmul.f32 s29, v10;
	v38 =	vand.u32 $0xFFFFFFF8, v63  }
0x131: {  	v35 =	vmul.u32 $0x28, v35;
	v31 =	vadd.f32 $-1.258291200e+07, v31;
	v36 =	vsub.s32 v36, v16  }
0x132: {  	v20 =	vmin.f32 v22, v20;
	v63 =	vmul.f32 s1, v12;
	v36 =	vmul.u32 $0x28, v36  }
0x133: {  	v44 =	vld.idx.msk [tilespmem:v33+s14+$0x0], $0xffff;
	v22 =	vtrunc.f32 v31;
	v31 =	vadd.f32 v55, v14;
	vm11 =	vgt.f32 v32, $3.499999940e-01  }
0x134: {  	v22 =	vcvt.f32.s32 v22;
	v32 =	vadd.f32 v63, v15;
	v36 =	vadd.s32 v38, v36  }
0x135: {  	v19 =	vnsel vm11, $0x42480000, v24;
	v31 =	vadd.f32 $1.258291200e+07, v31;
	v41 =	vor.u32 v34, v36  }
0x136: {  	v34 =	vadd.s32 v42, v35;
	v19 =	vmin.f32 v18, v19;
	v36 =	vmul.f32 s1, v6  }
0x137: {  	v32 =	vadd.f32 $1.258291200e+07, v32;
	v35 =	vadd.f32 v40, v14;
	v45 =	vor.u32 v43, v34  }
0x138: {  	v61 =	vadd.f32 $-1.258291200e+07, v31;
	v34 =	vadd.f32 v39, v15;
	vm12 =	vgt.f32 v44, $3.499999940e-01  }
0x139: {  	v37 =	vadd.f32 v36, v14;
	v32 =	vadd.f32 $-1.258291200e+07, v32;
	v29 =	vnsel vm12, $0x42480000, v24  }
0x13a: {  	v34 =	vadd.f32 $1.258291200e+07, v34;
	v18 =	vmin.f32 v21, v29;
	v21 =	vadd.f32 $-1.258291200e+07, v27  }
0x13b: {  	v29 =	vadd.f32 v48, v14;
	v32 =	vtrunc.f32 v32;
	v30 =	vld.idx.msk [tilespmem:v41+s14+$0x0], $0xffff;
	v41 =	vadd.f32 $1.258291200e+07, v35  }
0x13c: {  	v32 =	vcvt.f32.s32 v32;
	v34 =	vadd.f32 $-1.258291200e+07, v34;
	v35 =	vadd.f32 v47, v15  }
0x13d: {  	v26 =	vld.idx.msk [tilespmem:v45+s14+$0x0], $0xffff;
	v21 =	vtrunc.f32 v21;
	v29 =	vadd.f32 $1.258291200e+07, v29;
	v44 =	vadd.f32 $-1.258291200e+07, v41  }
0x13e: {  	v45 =	vtrunc.f32 v34;
	v34 =	vadd.f32 v46, v14;
	v35 =	vadd.f32 $1.258291200e+07, v35  }
0x13f: {  	v42 =	vsub.s32 v32, v16;
	v46 =	vmul.f32 s29, v13;
	v32 =	vtrunc.f32 v44  }
0x140: {  	v34 =	vadd.f32 $1.258291200e+07, v34;
	v35 =	vadd.f32 $-1.258291200e+07, v35;
	v44 =	vmul.f32 s29, v6  }
0x141: {  	v39 =	vadd.f32 v46, v15;
	vm13 =	vgt.f32 v30, $3.499999940e-01;
	v30 =	vadd.f32 v49, v15  }
0x142: {  	v32 =	vcvt.f32.s32 v32;
	v27 =	vnsel vm13, $0x42480000, v24;
	vm14 =	vgt.f32 v26, $3.499999940e-01  }
0x143: {  	v26 =	vcvt.f32.s32 v21;
	v34 =	vadd.f32 $-1.258291200e+07, v34;
	v35 =	vtrunc.f32 v35  }
0x144: {  	v21 =	vmin.f32 v28, v27;
	v24 =	vnsel vm14, $0x42480000, v24;
	v27 =	vsub.s32 v22, v16  }
0x145: {  	v30 =	vadd.f32 $1.258291200e+07, v30;
	v49 =	vsub.s32 v32, v17;
	v32 =	vand.u32 $0x7, v32  }
0x146: {  	v35 =	vcvt.f32.s32 v35;
	v50 =	vsub.s32 v26, v17;
	v22 =	vmin.f32 v25, v24  }
0x147: {  	v25 =	vmul.u32 $0x28, v27;
	v27 =	vadd.f32 $-1.258291200e+07, v29;
	v26 =	vand.u32 $0x7, v26  }
0x148: {  	v29 =	vadd.f32 v52, v14;
	v34 =	vtrunc.f32 v34;
	v24 =	vand.u32 $0xFFFFFFF8, v50  }
0x149: {  	v51 =	vadd.f32 $-1.258291200e+07, v30;
	v25 =	vadd.s32 v24, v25;
	v24 =	vmul.f32 s1, v10  }
0x14a: {  	v50 =	vmul.f32 s29, v9;
	v34 =	vcvt.f32.s32 v34;
	v55 =	vsub.s32 v35, v16  }
0x14b: {  	v27 =	vtrunc.f32 v27;
	v28 =	vtrunc.f32 v51;
	v53 =	vadd.f32 v24, v15  }
0x14c: {  	v27 =	vcvt.f32.s32 v27;
	v26 =	vor.u32 v26, v25;
	v25 =	vadd.f32 $1.258291200e+07, v29  }
0x14d: {  	v51 =	vmul.f32 s29, v3;
	v52 =	vadd.f32 v50, v15;
	v30 =	vadd.f32 $1.258291200e+07, v53  }
0x14e: {  	v56 =	vsub.s32 v34, v17;
	v28 =	vcvt.f32.s32 v28;
	v25 =	vadd.f32 $-1.258291200e+07, v25  }
0x14f: {  	v34 =	vand.u32 $0x7, v34;
	v24 =	vmov s1;
	v30 =	vadd.f32 $-1.258291200e+07, v30  }
0x150: {  	v54 =	vsub.s32 v27, v17;
	v28 =	vsub.s32 v28, v16;
	v25 =	vtrunc.f32 v25  }
0x151: {  	v28 =	vmul.u32 $0x28, v28;
	v57 =	vcvt.f32.s32 v25;
	v25 =	vtrunc.f32 v30  }
0x152: {  	v35 =	vand.u32 $0xFFFFFFF8, v56;
	v29 =	vand.u32 $0xFFFFFFF8, v54;
	v59 =	vcvt.f32.s32 v25  }
0x153: {  	v27 =	vand.u32 $0x7, v27;
	v53 =	vadd.f32 v51, v14;
	v28 =	vadd.s32 v29, v28  }
0x154: {  	v30 =	vtrunc.f32 v61;
	v25 =	vor.u32 v27, v28;
	v29 =	vsub.s32 v59, v16  }
0x155: {  	v27 =	vsub.s32 v57, v17;
	v28 =	vadd.f32 $-1.258291200e+07, v60;
	v29 =	vmul.u32 $0x28, v29  }
0x156: {  	v54 =	vadd.f32 $1.258291200e+07, v53;
	v26 =	vld.idx.msk [tilespmem:v26+s14+$0x0], $0xffff;
	v30 =	vcvt.f32.s32 v30;
	v27 =	vand.u32 $0xFFFFFFF8, v27  }
0x157: {  	v28 =	vtrunc.f32 v28;
	v27 =	vadd.s32 v27, v29;
	v29 =	vadd.f32 $1.258291200e+07, v37  }
0x158: {  	v62 =	vand.u32 $0x7, v57;
	v57 =	vmul.f32 s29, v4;
	v28 =	vcvt.f32.s32 v28  }
0x159: {  	v61 =	vmul.f32 s29, v11;
	v38 =	vsub.s32 v30, v17;
	v29 =	vadd.f32 $-1.258291200e+07, v29  }
0x15a: {  	v30 =	vand.u32 $0x7, v30;
	v36 =	vadd.f32 v57, v14;
	v28 =	vsub.s32 v28, v16  }
0x15b: {  	vm15 =	vgt.f32 v26, $3.499999940e-01;
	v28 =	vmul.u32 $0x28, v28;
	v29 =	vtrunc.f32 v29  }
0x15c: {  	v33 =	vand.u32 $0xFFFFFFF8, v38;
	v37 =	vadd.f32 v58, v15;
	v29 =	vcvt.f32.s32 v29  }
0x15d: {  	v31 =	vor.u32 v62, v27;
	v28 =	vadd.s32 v33, v28;
	v33 =	vcvt.f32.s32 v45  }
0x15e: {  	v27 =	vor.u32 v30, v28;
	v28 =	vmul.u32 $0x28, v42;
	v43 =	vsub.s32 v29, v17  }
0x15f: {  	v37 =	vadd.f32 $1.258291200e+07, v37;
	v48 =	vsub.s32 v33, v16;
	v30 =	vand.u32 $0xFFFFFFF8, v43  }
0x160: {  	v38 =	vadd.f32 v61, v15;
	v28 =	vadd.s32 v30, v28;
	v30 =	vmul.u32 $0x28, v48  }
0x161: {  	v59 =	vadd.f32 $1.258291200e+07, v36;
	v37 =	vadd.f32 $-1.258291200e+07, v37;
	v33 =	vand.u32 $0xFFFFFFF8, v49  }
0x162: {  	v29 =	vand.u32 $0x7, v29;
	v30 =	vadd.s32 v33, v30;
	v33 =	vadd.f32 $1.258291200e+07, v52  }
0x163: {  	v38 =	vadd.f32 $1.258291200e+07, v38;
	v37 =	vtrunc.f32 v37;
	v28 =	vor.u32 v29, v28  }
0x164: {  	v29 =	vor.u32 v32, v30;
	v30 =	vadd.f32 $-1.258291200e+07, v54;
	v33 =	vadd.f32 $-1.258291200e+07, v33  }
0x165: {  	v62 =	vmul.f32 s29, v5;
	v37 =	vcvt.f32.s32 v37;
	v32 =	vmul.u32 $0x28, v55  }
0x166: {  	v40 =	vadd.f32 $-1.258291200e+07, v38;
	v30 =	vtrunc.f32 v30;
	v33 =	vtrunc.f32 v33  }
0x167: {  	v32 =	vadd.s32 v35, v32;
	v35 =	vadd.f32 $-1.258291200e+07, v59;
	v33 =	vcvt.f32.s32 v33  }
0x168: {  	v63 =	vadd.f32 v62, v14;
	v43 =	vmul.f32 s29, v12;
	v30 =	vcvt.f32.s32 v30  }
0x169: {  	v41 =	vsub.s32 v37, v16;
	v35 =	vtrunc.f32 v35;
	v33 =	vsub.s32 v33, v16  }
0x16a: {  	v60 =	vsub.s32 v30, v17;
	v35 =	vcvt.f32.s32 v35;
	v33 =	vmul.u32 $0x28, v33  }
0x16b: {  	v32 =	vor.u32 v34, v32;
	v34 =	vmul.u32 $0x28, v41;
	v36 =	vand.u32 $0xFFFFFFF8, v60  }
0x16c: {  	v42 =	vsub.s32 v35, v17;
	v33 =	vadd.s32 v36, v33;
	v36 =	vadd.f32 $1.258291200e+07, v63  }
0x16d: {  	v30 =	vand.u32 $0x7, v30;
	v35 =	vand.u32 $0x7, v35;
	v37 =	vand.u32 $0xFFFFFFF8, v42  }
0x16e: {  	v34 =	vadd.s32 v37, v34;
	v37 =	vadd.f32 v43, v15;
	v36 =	vadd.f32 $-1.258291200e+07, v36  }
0x16f: {  	v30 =	vor.u32 v30, v33;
	v33 =	vtrunc.f32 v40;
	v34 =	vor.u32 v35, v34  }
0x170: {  	v35 =	vadd.f32 v44, v14;
	v33 =	vcvt.f32.s32 v33;
	v36 =	vtrunc.f32 v36  }
0x171: {  	v25 =	vld.idx.msk [tilespmem:v25+s14+$0x0], $0xffff;
	v48 =	vadd.f32 $1.258291200e+07, v39;
	v40 =	vmul.f32 s29, v7;
	v36 =	vcvt.f32.s32 v36  }
0x172: {  	v37 =	vadd.f32 $1.258291200e+07, v37;
	v35 =	vadd.f32 $1.258291200e+07, v35;
	v33 =	vsub.s32 v33, v16  }
0x173: {  	v47 =	vadd.f32 v40, v14;
	v33 =	vmul.u32 $0x28, v33;
	v45 =	vsub.s32 v36, v17  }
0x174: {  	v26 =	vadd.f32 $-1.258291200e+07, v37;
	v37 =	vadd.f32 $-1.258291200e+07, v48;
	v38 =	vand.u32 $0xFFFFFFF8, v45  }
0x175: {  	v35 =	vadd.f32 $-1.258291200e+07, v35;
	v33 =	vadd.s32 v38, v33;
	v38 =	vadd.f32 $1.258291200e+07, v47  }
0x176: {  	v49 =	vnsel vm15, $0x42480000, v24;
	vm4 =	vgt.f32 v25, $3.499999940e-01;
	v26 =	vtrunc.f32 v26  }
0x177: {  	v50 =	vtrunc.f32 v37;
	v35 =	vtrunc.f32 v35;
	v38 =	vadd.f32 $-1.258291200e+07, v38  }
0x178: {  	v36 =	vand.u32 $0x7, v36;
	v26 =	vcvt.f32.s32 v26;
	v35 =	vcvt.f32.s32 v35  }
0x179: {  	v33 =	vor.u32 v36, v33;
	v36 =	vcvt.f32.s32 v50;
	v51 =	vtrunc.f32 v38  }
0x17a: {  	v31 =	vld.idx.msk [tilespmem:v31+s14+$0x0], $0xffff;
	v23 =	vmin.f32 v23, v49;
	v26 =	vsub.s32 v26, v16;
	v37 =	vcvt.f32.s32 v51  }
0x17b: {  	v27 =	vld.idx.msk [tilespmem:v27+s14+$0x0], $0xffff;
	v52 =	vsub.s32 v35, v17;
	v26 =	vmul.u32 $0x28, v26;
	v36 =	vsub.s32 v36, v16  }
0x17c: {  	v28 =	vld.idx.msk [tilespmem:v28+s14+$0x0], $0xffff;
	v38 =	vand.u32 $0xFFFFFFF8, v52;
	v36 =	vmul.u32 $0x28, v36;
	v53 =	vsub.s32 v37, v17  }
0x17d: {  	v29 =	vld.idx.msk [tilespmem:v29+s14+$0x0], $0xffff;
	v35 =	vand.u32 $0x7, v35;
	v26 =	vadd.s32 v38, v26;
	v54 =	vand.u32 $0xFFFFFFF8, v53  }
0x17e: {  	v25 =	vld.idx.msk [tilespmem:v32+s14+$0x0], $0xffff;
	v26 =	vor.u32 v35, v26;
	v55 =	vand.u32 $0x7, v37;
	v35 =	vadd.s32 v54, v36  }
0x17f: {  	v56 =	vnsel vm4, $0x42480000, v24;
	vm5 =	vgt.f32 v31, $3.499999940e-01;
	v30 =	vld.idx.msk [tilespmem:v30+s14+$0x0], $0xffff;
	v57 =	vor.u32 v55, v35  }
0x180: {  	v20 =	vmin.f32 v20, v56;
	v58 =	vnsel vm5, $0x42480000, v24;
	vm6 =	vgt.f32 v27, $3.499999940e-01;
	v27 =	vld.idx.msk [tilespmem:v34+s14+$0x0], $0xffff  }
0x181: {  	v19 =	vmin.f32 v19, v58;
	v59 =	vnsel vm6, $0x42480000, v24;
	vm7 =	vgt.f32 v28, $3.499999940e-01;
	v60 =	vld.idx.msk [tilespmem:v33+s14+$0x0], $0xffff  }
0x182: {  	v32 =	vmin.f32 v18, v59;
	v18 =	vnsel vm7, $0x42480000, v24;
	vm8 =	vgt.f32 v29, $3.499999940e-01  }
0x183: {  	v24 =	vnsel vm8, $0x42480000, v24;
	vm9 =	vgt.f32 v25, $3.499999940e-01;
	v25 =	vmov s29;
	v26 =	vld.idx.msk [tilespmem:v26+s14+$0x0], $0xffff  }
0x184: {  	v61 =	vmin.f32 v21, v18;
	v63 =	vmin.f32 v22, v24;
	v18 =	vnsel vm9, $0x42480000, v25;
	v62 =	vld.idx.msk [tilespmem:v57+s14+$0x0], $0xffff  }
0x185: {  	v24 =	vmin.f32 v23, v18;
	vm10 =	vgt.f32 v30, $3.499999940e-01;
	vm11 =	vgt.f32 v27, $3.499999940e-01  }
0x186: {  	v21 =	vnsel vm10, $0x42480000, v25;
	v18 =	vnsel vm11, $0x42480000, v25;
	vm12 =	vgt.f32 v60, $3.499999940e-01  }
0x187: {  	v22 =	vmin.f32 v20, v21;
	v18 =	vmin.f32 v19, v18;
	v19 =	vnsel vm12, $0x42480000, v25  }
0x188: {  	v21 =	vmin.f32 v32, v19;
	v19 =	vmax.f32 v24, v22;
	vm13 =	vgt.f32 v26, $3.499999940e-01  }
0x189: {  	v19 =	vmax.f32 v19, v18;
	v20 =	vnsel vm13, $0x42480000, v25;
	vm14 =	vgt.f32 v62, $3.499999940e-01  }
0x18a: {  	v20 =	vmin.f32 v61, v20;
	v23 =	vnsel vm14, $0x42480000, v25;
	v25 =	vmax.f32 v19, v21  }
0x18b: {  	v19 =	vmin.f32 v63, v23;
	v23 =	vmax.f32 v25, v20  }
0x18c: {  	v23 =	vmax.f32 v23, v19  }
0x18d: {  	vm15 =	vge.f32 v23, $5.000000000e+01  }
0x18e: {  	v23 =	vmpcnt.ones.xlane vm15;
	_ =	sdelay $0x1  }
0x18f: {  	(v2sf) =	vpush v23, $0x0;
	_ =	sdelay $0xe  }
0x190: {  	p4 =	sgt.u32 s28, $0x9;
	s1 =	spop (v2sf)  }
0x191: {  	p3 =	sgt.s32 @!p4 s1, $0x0  }
0x192: {  	p3 =	por p4, !p3  }
.Ltmp9:
0x193: {  	_ = 	snop;
	(pc) =	sbr.rel @!p3 .LBB2_10-.Ltmp9, $2  }
0x194: {  	_ =	sdelay $0x2  }
0x195: {  	s28 =	sadd.s32 $0x5, s28  }
.Ltmp10:
0x196: {  	(pc) =	sbr.rel .LBB2_12-.Ltmp10, $3  }
0x197: {  	_ =	sdelay $0x1  }
0x198: {  	p3 =	sgt.s32 s1, $0x0;
	v2 =	vpsel p4, v24, v24;
	v3 =	vpsel p4, v22, v22;
	v4 =	vpsel p4, v18, v18  }
0x199: {  	v5 =	vpsel p4, v21, v21;
	v6 =	vpsel p4, v20, v20;
	v7 =	vpsel p4, v19, v19;
	p3 =	por @!p4 p3, p3  }
.LBB2_8:
0x19a: {  	v2 =	vimm.f32 $5.000000000e+01;
	v3 =	vimm.f32 $5.000000000e+01;
	v4 =	vimm.f32 $5.000000000e+01  }
0x19b: {  	p3 =	por $0x0, $0x0;
	v5 =	vimm.f32 $5.000000000e+01;
	v6 =	vimm.f32 $5.000000000e+01;
	v7 =	vimm.f32 $5.000000000e+01  }
.LBB2_12:
0x19c: {  	s1 =	sor.u32 $0x10, s24;
	[tilespmem:s24+$0x8220] =	vst v2  }
.Ltmp11:
0x19d: {  	s31 =	sadd.s32 $0x20, s24;
	[tilespmem:s1+$0x8220] =	vst v3;
	(pc) =	sbr.rel @!p3 .LBB2_38-.Ltmp11, $4  }
0x19e: {  	s30 =	sadd.s32 $0x30, s24;
	[tilespmem:s31+$0x8220] =	vst v4  }
0x19f: {  	s29 =	sadd.s32 $0x40, s24;
	[tilespmem:s30+$0x8220] =	vst v5  }
0x1a0: {  	s28 =	sadd.s32 $0x50, s24;
	[tilespmem:s29+$0x8220] =	vst v6  }
0x1a1: {  	[tilespmem:s28+$0x8220] =	vst v7  }
0x1a2: {  	s26 =	sadd.s32 $0xFFFFFFCD, s26  }
0x1a3: {  	s25 =	sadd.s32 $0xFFFFFFCD, s25;
	p3 =	sgt.s32 s26, $0x0  }
0x1a4: {  	s26 =	simm.s32 @!p3 $0x0;
	p3 =	sgt.s32 s25, $0x0  }
0x1a5: {  	s26 =	smin.u32 s26, $0x2B8;
	s25 =	simm.s32 @!p3 $0x0  }
0x1a6: {  	s25 =	smin.u32 s25, $0x2B0;
	s0 =	smul.u32 $0x320, s26  }
0x1a7: {  	s25 =	sand.u32 $0x3F8, s25  }
0x1a8: {  	s0 =	sadd.s32 s25, s0  }
0x1a9: {  	s0 =	sshrl.u32 s0, $0x3  }
0x1aa: {  	s0 =	sadd.s32 s3, s0  }
0x1ab: {  	[tilespmem:s19], [sflag:$0x5] =	stream.strided.gather [hbm4b:s0+s18], $0x2D80, s13, s18, $0x38;
	[tilespmem:$0xFF00] =	vst v63  }
0x1ac: {  	_ =	swait.ge [sflag:s9], $0x2D80  }
0x1ad: {  	[sflag:s9] =	ssyncset.done $0x0  }
0x1ae: {  	[sflag:s9] =	ssyncadd.s32 $0xFFFFD280  }
0x1af: {  	v5 =	vld [tilespmem:s24+$0x8220];
	_ =	sdelay $0x4  }
0x1b0: {  	vm0 =	vge.f32 v5, $5.000000000e+01  }
0x1b1: {  	v2 =	vmpcnt.ones.xlane vm0;
	_ =	sdelay $0x1  }
0x1b2: {  	(v2sf) =	vpush v2, $0x0;
	_ =	sdelay $0xe  }
0x1b3: {  	s0 =	spop (v2sf)  }
0x1b4: {  	p3 =	slt.s32 s0, $0x1  }
.Ltmp12:
0x1b5: {  	_ = 	snop;
	(pc) =	sbr.rel @p3 .LBB2_17-.Ltmp12, $4  }
0x1b6: {  	_ = 	snop  }
0x1b7: {  	v7 =	vld [tilespmem:s24+$0x4620]  }
0x1b8: {  	v3 =	vmov s26;
	v6 =	vld [tilespmem:s24+$0xA20]  }
0x1b9: {  	v4 =	vmov s25;
	v2 =	vbroadcast v1, $0x0;
	v1 =	vbroadcast v1, $0x1  }
0x1ba: {  	s25 =	simm.s32 $0xF  }
.LBB2_15:
0x1bb: {  	s0 =	scvt.s32.f32 s25;
	_ =	sdelay $0x1  }
0x1bc: {  	v8 =	vmul.f32 s0, v7  }
0x1bd: {  	v9 =	vmul.f32 s0, v6  }
0x1be: {  	v8 =	vadd.f32 v8, v1  }
0x1bf: {  	v9 =	vadd.f32 v9, v2  }
0x1c0: {  	v8 =	vadd.f32 $1.258291200e+07, v8  }
0x1c1: {  	v9 =	vadd.f32 $1.258291200e+07, v9  }
0x1c2: {  	v8 =	vadd.f32 $-1.258291200e+07, v8  }
0x1c3: {  	v9 =	vadd.f32 $-1.258291200e+07, v9  }
0x1c4: {  	v8 =	vtrunc.f32 v8  }
0x1c5: {  	v9 =	vtrunc.f32 v9;
	v8 =	vcvt.f32.s32 v8  }
0x1c6: {  	v9 =	vcvt.f32.s32 v9  }
0x1c7: {  	vm0 =	vgt.s32 v8, $0x0  }
0x1c8: {  	vm13 =	vgt.s32 v9, $0x0;
	v8 =	vnsel vm0, $0x0, v8  }
0x1c9: {  	v9 =	vnsel vm13, $0x0, v9;
	v8 =	vmin.u32 v8, $0x31F  }
0x1ca: {  	v9 =	vmin.u32 v9, $0x31F;
	v8 =	vsub.s32 v8, v3  }
0x1cb: {  	v10 =	vsub.s32 v9, v4;
	v8 =	vmul.u32 $0x70, v8  }
0x1cc: {  	v10 =	vand.u32 $0xFFFFFFF8, v10  }
0x1cd: {  	v9 =	vand.u32 $0x7, v9;
	v8 =	vadd.s32 v10, v8  }
0x1ce: {  	v8 =	vor.u32 v9, v8;
	_ =	sdelay $0x4  }
0x1cf: {  	v8 =	vld.idx.msk [tilespmem:v8+s19+$0x0], $0xffff;
	_ =	sdelay $0x4  }
0x1d0: {  	v63 =	vmov s0;
	vm14 =	vgt.f32 v8, $3.499999940e-01  }
0x1d1: {  	v8 =	vnsel vm14, $0x42480000, v63  }
0x1d2: {  	v5 =	vmin.f32 v5, v8  }
0x1d3: {  	vm15 =	vge.f32 v5, $5.000000000e+01  }
0x1d4: {  	v8 =	vmpcnt.ones.xlane vm15;
	_ =	sdelay $0x1  }
0x1d5: {  	(v2sf) =	vpush v8, $0x0;
	_ =	sdelay $0xe  }
0x1d6: {  	p3 =	sgt.u32 s25, $0x31;
	s0 =	spop (v2sf)  }
0x1d7: {  	p4 =	sgt.s32 @!p3 s0, $0x0  }
0x1d8: {  	p4 =	por p3, !p4  }
.Ltmp13:
0x1d9: {  	_ = 	snop;
	(pc) =	sbr.rel @!p4 .LBB2_15-.Ltmp13, $2  }
0x1da: {  	_ =	sdelay $0x2  }
0x1db: {  	s25 =	sadd.s32 $0x1, s25  }
0x1dc: {  	v5 =	vpsel p3, v5, v5  }
.LBB2_17:
0x1dd: {  	[tilespmem:s24+$0x8220] =	vst v5  }
0x1de: {  	v5 =	vld [tilespmem:s1+$0x8220];
	_ =	sdelay $0x4  }
0x1df: {  	vm0 =	vge.f32 v5, $5.000000000e+01  }
0x1e0: {  	v6 =	vmpcnt.ones.xlane vm0;
	_ =	sdelay $0x1  }
0x1e1: {  	(v2sf) =	vpush v6, $0x0;
	_ =	sdelay $0xe  }
0x1e2: {  	s0 =	spop (v2sf)  }
0x1e3: {  	p3 =	slt.s32 s0, $0x1  }
.Ltmp14:
0x1e4: {  	_ = 	snop;
	(pc) =	sbr.rel @p3 .LBB2_21-.Ltmp14, $3  }
0x1e5: {  	_ = 	snop  }
0x1e6: {  	v7 =	vld [tilespmem:s1+$0x4620]  }
0x1e7: {  	v6 =	vld [tilespmem:s1+$0xA20];
	_ =	sdelay $0x1  }
0x1e8: {  	s24 =	simm.s32 $0xF  }
.LBB2_19:
0x1e9: {  	s0 =	scvt.s32.f32 s24;
	_ =	sdelay $0x1  }
0x1ea: {  	v8 =	vmul.f32 s0, v7  }
0x1eb: {  	v9 =	vmul.f32 s0, v6  }
0x1ec: {  	v8 =	vadd.f32 v8, v1  }
0x1ed: {  	v9 =	vadd.f32 v9, v2  }
0x1ee: {  	v8 =	vadd.f32 $1.258291200e+07, v8  }
0x1ef: {  	v9 =	vadd.f32 $1.258291200e+07, v9  }
0x1f0: {  	v8 =	vadd.f32 $-1.258291200e+07, v8  }
0x1f1: {  	v9 =	vadd.f32 $-1.258291200e+07, v9  }
0x1f2: {  	v8 =	vtrunc.f32 v8  }
0x1f3: {  	v9 =	vtrunc.f32 v9;
	v8 =	vcvt.f32.s32 v8  }
0x1f4: {  	v9 =	vcvt.f32.s32 v9  }
0x1f5: {  	vm0 =	vgt.s32 v8, $0x0  }
0x1f6: {  	vm13 =	vgt.s32 v9, $0x0;
	v8 =	vnsel vm0, $0x0, v8  }
0x1f7: {  	v9 =	vnsel vm13, $0x0, v9;
	v8 =	vmin.u32 v8, $0x31F  }
0x1f8: {  	v9 =	vmin.u32 v9, $0x31F;
	v8 =	vsub.s32 v8, v3  }
0x1f9: {  	v10 =	vsub.s32 v9, v4;
	v8 =	vmul.u32 $0x70, v8  }
0x1fa: {  	v10 =	vand.u32 $0xFFFFFFF8, v10  }
0x1fb: {  	v9 =	vand.u32 $0x7, v9;
	v8 =	vadd.s32 v10, v8  }
0x1fc: {  	v8 =	vor.u32 v9, v8;
	_ =	sdelay $0x4  }
0x1fd: {  	v8 =	vld.idx.msk [tilespmem:v8+s19+$0x0], $0xffff;
	_ =	sdelay $0x4  }
0x1fe: {  	v63 =	vmov s0;
	vm14 =	vgt.f32 v8, $3.499999940e-01  }
0x1ff: {  	v8 =	vnsel vm14, $0x42480000, v63  }
0x200: {  	v5 =	vmin.f32 v5, v8  }
0x201: {  	vm15 =	vge.f32 v5, $5.000000000e+01  }
0x202: {  	v8 =	vmpcnt.ones.xlane vm15;
	_ =	sdelay $0x1  }
0x203: {  	(v2sf) =	vpush v8, $0x0;
	_ =	sdelay $0xe  }
0x204: {  	p3 =	sgt.u32 s24, $0x31;
	s0 =	spop (v2sf)  }
0x205: {  	p4 =	sgt.s32 @!p3 s0, $0x0  }
0x206: {  	p4 =	por p3, !p4  }
.Ltmp15:
0x207: {  	_ = 	snop;
	(pc) =	sbr.rel @!p4 .LBB2_19-.Ltmp15, $2  }
0x208: {  	_ =	sdelay $0x2  }
0x209: {  	s24 =	sadd.s32 $0x1, s24  }
0x20a: {  	v5 =	vpsel p3, v5, v5  }
.LBB2_21:
0x20b: {  	[tilespmem:s1+$0x8220] =	vst v5  }
0x20c: {  	v5 =	vld [tilespmem:s31+$0x8220];
	_ =	sdelay $0x4  }
0x20d: {  	vm0 =	vge.f32 v5, $5.000000000e+01  }
0x20e: {  	v6 =	vmpcnt.ones.xlane vm0;
	_ =	sdelay $0x1  }
0x20f: {  	(v2sf) =	vpush v6, $0x0;
	_ =	sdelay $0xe  }
0x210: {  	s0 =	spop (v2sf)  }
0x211: {  	p3 =	slt.s32 s0, $0x1  }
.Ltmp16:
0x212: {  	_ = 	snop;
	(pc) =	sbr.rel @p3 .LBB2_25-.Ltmp16, $3  }
0x213: {  	_ = 	snop  }
0x214: {  	v7 =	vld [tilespmem:s31+$0x4620]  }
0x215: {  	v6 =	vld [tilespmem:s31+$0xA20];
	_ =	sdelay $0x1  }
0x216: {  	s1 =	simm.s32 $0xF  }
.LBB2_23:
0x217: {  	s0 =	scvt.s32.f32 s1;
	_ =	sdelay $0x1  }
0x218: {  	v8 =	vmul.f32 s0, v7  }
0x219: {  	v9 =	vmul.f32 s0, v6  }
0x21a: {  	v8 =	vadd.f32 v8, v1  }
0x21b: {  	v9 =	vadd.f32 v9, v2  }
0x21c: {  	v8 =	vadd.f32 $1.258291200e+07, v8  }
0x21d: {  	v9 =	vadd.f32 $1.258291200e+07, v9  }
0x21e: {  	v8 =	vadd.f32 $-1.258291200e+07, v8  }
0x21f: {  	v9 =	vadd.f32 $-1.258291200e+07, v9  }
0x220: {  	v8 =	vtrunc.f32 v8  }
0x221: {  	v9 =	vtrunc.f32 v9;
	v8 =	vcvt.f32.s32 v8  }
0x222: {  	v9 =	vcvt.f32.s32 v9  }
0x223: {  	vm0 =	vgt.s32 v8, $0x0  }
0x224: {  	vm13 =	vgt.s32 v9, $0x0;
	v8 =	vnsel vm0, $0x0, v8  }
0x225: {  	v9 =	vnsel vm13, $0x0, v9;
	v8 =	vmin.u32 v8, $0x31F  }
0x226: {  	v9 =	vmin.u32 v9, $0x31F;
	v8 =	vsub.s32 v8, v3  }
0x227: {  	v10 =	vsub.s32 v9, v4;
	v8 =	vmul.u32 $0x70, v8  }
0x228: {  	v10 =	vand.u32 $0xFFFFFFF8, v10  }
0x229: {  	v9 =	vand.u32 $0x7, v9;
	v8 =	vadd.s32 v10, v8  }
0x22a: {  	v8 =	vor.u32 v9, v8;
	_ =	sdelay $0x4  }
0x22b: {  	v8 =	vld.idx.msk [tilespmem:v8+s19+$0x0], $0xffff;
	_ =	sdelay $0x4  }
0x22c: {  	v63 =	vmov s0;
	vm14 =	vgt.f32 v8, $3.499999940e-01  }
0x22d: {  	v8 =	vnsel vm14, $0x42480000, v63  }
0x22e: {  	v5 =	vmin.f32 v5, v8  }
0x22f: {  	vm15 =	vge.f32 v5, $5.000000000e+01  }
0x230: {  	v8 =	vmpcnt.ones.xlane vm15;
	_ =	sdelay $0x1  }
0x231: {  	(v2sf) =	vpush v8, $0x0;
	_ =	sdelay $0xe  }
0x232: {  	p3 =	sgt.u32 s1, $0x31;
	s0 =	spop (v2sf)  }
0x233: {  	p4 =	sgt.s32 @!p3 s0, $0x0  }
0x234: {  	p4 =	por p3, !p4  }
.Ltmp17:
0x235: {  	_ = 	snop;
	(pc) =	sbr.rel @!p4 .LBB2_23-.Ltmp17, $2  }
0x236: {  	_ =	sdelay $0x2  }
0x237: {  	s1 =	sadd.s32 $0x1, s1  }
0x238: {  	v5 =	vpsel p3, v5, v5  }
.LBB2_25:
0x239: {  	[tilespmem:s31+$0x8220] =	vst v5  }
0x23a: {  	v5 =	vld [tilespmem:s30+$0x8220];
	_ =	sdelay $0x4  }
0x23b: {  	vm0 =	vge.f32 v5, $5.000000000e+01  }
0x23c: {  	v6 =	vmpcnt.ones.xlane vm0;
	_ =	sdelay $0x1  }
0x23d: {  	(v2sf) =	vpush v6, $0x0;
	_ =	sdelay $0xe  }
0x23e: {  	s0 =	spop (v2sf)  }
0x23f: {  	p3 =	slt.s32 s0, $0x1  }
.Ltmp18:
0x240: {  	_ = 	snop;
	(pc) =	sbr.rel @p3 .LBB2_29-.Ltmp18, $3  }
0x241: {  	_ = 	snop  }
0x242: {  	v7 =	vld [tilespmem:s30+$0x4620]  }
0x243: {  	v6 =	vld [tilespmem:s30+$0xA20];
	_ =	sdelay $0x1  }
0x244: {  	s1 =	simm.s32 $0xF  }
.LBB2_27:
0x245: {  	s0 =	scvt.s32.f32 s1;
	_ =	sdelay $0x1  }
0x246: {  	v8 =	vmul.f32 s0, v7  }
0x247: {  	v9 =	vmul.f32 s0, v6  }
0x248: {  	v8 =	vadd.f32 v8, v1  }
0x249: {  	v9 =	vadd.f32 v9, v2  }
0x24a: {  	v8 =	vadd.f32 $1.258291200e+07, v8  }
0x24b: {  	v9 =	vadd.f32 $1.258291200e+07, v9  }
0x24c: {  	v8 =	vadd.f32 $-1.258291200e+07, v8  }
0x24d: {  	v9 =	vadd.f32 $-1.258291200e+07, v9  }
0x24e: {  	v8 =	vtrunc.f32 v8  }
0x24f: {  	v9 =	vtrunc.f32 v9;
	v8 =	vcvt.f32.s32 v8  }
0x250: {  	v9 =	vcvt.f32.s32 v9  }
0x251: {  	vm0 =	vgt.s32 v8, $0x0  }
0x252: {  	vm13 =	vgt.s32 v9, $0x0;
	v8 =	vnsel vm0, $0x0, v8  }
0x253: {  	v9 =	vnsel vm13, $0x0, v9;
	v8 =	vmin.u32 v8, $0x31F  }
0x254: {  	v9 =	vmin.u32 v9, $0x31F;
	v8 =	vsub.s32 v8, v3  }
0x255: {  	v10 =	vsub.s32 v9, v4;
	v8 =	vmul.u32 $0x70, v8  }
0x256: {  	v10 =	vand.u32 $0xFFFFFFF8, v10  }
0x257: {  	v9 =	vand.u32 $0x7, v9;
	v8 =	vadd.s32 v10, v8  }
0x258: {  	v8 =	vor.u32 v9, v8;
	_ =	sdelay $0x4  }
0x259: {  	v8 =	vld.idx.msk [tilespmem:v8+s19+$0x0], $0xffff;
	_ =	sdelay $0x4  }
0x25a: {  	v63 =	vmov s0;
	vm14 =	vgt.f32 v8, $3.499999940e-01  }
0x25b: {  	v8 =	vnsel vm14, $0x42480000, v63  }
0x25c: {  	v5 =	vmin.f32 v5, v8  }
0x25d: {  	vm15 =	vge.f32 v5, $5.000000000e+01  }
0x25e: {  	v8 =	vmpcnt.ones.xlane vm15;
	_ =	sdelay $0x1  }
0x25f: {  	(v2sf) =	vpush v8, $0x0;
	_ =	sdelay $0xe  }
0x260: {  	p3 =	sgt.u32 s1, $0x31;
	s0 =	spop (v2sf)  }
0x261: {  	p4 =	sgt.s32 @!p3 s0, $0x0  }
0x262: {  	p4 =	por p3, !p4  }
.Ltmp19:
0x263: {  	_ = 	snop;
	(pc) =	sbr.rel @!p4 .LBB2_27-.Ltmp19, $2  }
0x264: {  	_ =	sdelay $0x2  }
0x265: {  	s1 =	sadd.s32 $0x1, s1  }
0x266: {  	v5 =	vpsel p3, v5, v5  }
.LBB2_29:
0x267: {  	[tilespmem:s30+$0x8220] =	vst v5  }
0x268: {  	v5 =	vld [tilespmem:s29+$0x8220];
	_ =	sdelay $0x4  }
0x269: {  	vm0 =	vge.f32 v5, $5.000000000e+01  }
0x26a: {  	v6 =	vmpcnt.ones.xlane vm0;
	_ =	sdelay $0x1  }
0x26b: {  	(v2sf) =	vpush v6, $0x0;
	_ =	sdelay $0xe  }
0x26c: {  	s0 =	spop (v2sf)  }
0x26d: {  	p3 =	slt.s32 s0, $0x1  }
.Ltmp20:
0x26e: {  	_ = 	snop;
	(pc) =	sbr.rel @p3 .LBB2_33-.Ltmp20, $3  }
0x26f: {  	_ = 	snop  }
0x270: {  	v7 =	vld [tilespmem:s29+$0x4620]  }
0x271: {  	v6 =	vld [tilespmem:s29+$0xA20];
	_ =	sdelay $0x1  }
0x272: {  	s1 =	simm.s32 $0xF  }
.LBB2_31:
0x273: {  	s0 =	scvt.s32.f32 s1;
	_ =	sdelay $0x1  }
0x274: {  	v8 =	vmul.f32 s0, v7  }
0x275: {  	v9 =	vmul.f32 s0, v6  }
0x276: {  	v8 =	vadd.f32 v8, v1  }
0x277: {  	v9 =	vadd.f32 v9, v2  }
0x278: {  	v8 =	vadd.f32 $1.258291200e+07, v8  }
0x279: {  	v9 =	vadd.f32 $1.258291200e+07, v9  }
0x27a: {  	v8 =	vadd.f32 $-1.258291200e+07, v8  }
0x27b: {  	v9 =	vadd.f32 $-1.258291200e+07, v9  }
0x27c: {  	v8 =	vtrunc.f32 v8  }
0x27d: {  	v9 =	vtrunc.f32 v9;
	v8 =	vcvt.f32.s32 v8  }
0x27e: {  	v9 =	vcvt.f32.s32 v9  }
0x27f: {  	vm0 =	vgt.s32 v8, $0x0  }
0x280: {  	vm13 =	vgt.s32 v9, $0x0;
	v8 =	vnsel vm0, $0x0, v8  }
0x281: {  	v9 =	vnsel vm13, $0x0, v9;
	v8 =	vmin.u32 v8, $0x31F  }
0x282: {  	v9 =	vmin.u32 v9, $0x31F;
	v8 =	vsub.s32 v8, v3  }
0x283: {  	v10 =	vsub.s32 v9, v4;
	v8 =	vmul.u32 $0x70, v8  }
0x284: {  	v10 =	vand.u32 $0xFFFFFFF8, v10  }
0x285: {  	v9 =	vand.u32 $0x7, v9;
	v8 =	vadd.s32 v10, v8  }
0x286: {  	v8 =	vor.u32 v9, v8;
	_ =	sdelay $0x4  }
0x287: {  	v8 =	vld.idx.msk [tilespmem:v8+s19+$0x0], $0xffff;
	_ =	sdelay $0x4  }
0x288: {  	v63 =	vmov s0;
	vm14 =	vgt.f32 v8, $3.499999940e-01  }
0x289: {  	v8 =	vnsel vm14, $0x42480000, v63  }
0x28a: {  	v5 =	vmin.f32 v5, v8  }
0x28b: {  	vm15 =	vge.f32 v5, $5.000000000e+01  }
0x28c: {  	v8 =	vmpcnt.ones.xlane vm15;
	_ =	sdelay $0x1  }
0x28d: {  	(v2sf) =	vpush v8, $0x0;
	_ =	sdelay $0xe  }
0x28e: {  	p3 =	sgt.u32 s1, $0x31;
	s0 =	spop (v2sf)  }
0x28f: {  	p4 =	sgt.s32 @!p3 s0, $0x0  }
0x290: {  	p4 =	por p3, !p4  }
.Ltmp21:
0x291: {  	_ = 	snop;
	(pc) =	sbr.rel @!p4 .LBB2_31-.Ltmp21, $2  }
0x292: {  	_ =	sdelay $0x2  }
0x293: {  	s1 =	sadd.s32 $0x1, s1  }
0x294: {  	v5 =	vpsel p3, v5, v5  }
.LBB2_33:
0x295: {  	[tilespmem:s29+$0x8220] =	vst v5  }
0x296: {  	v5 =	vld [tilespmem:s28+$0x8220];
	_ =	sdelay $0x4  }
0x297: {  	vm0 =	vge.f32 v5, $5.000000000e+01  }
0x298: {  	v6 =	vmpcnt.ones.xlane vm0;
	_ =	sdelay $0x1  }
0x299: {  	(v2sf) =	vpush v6, $0x0;
	_ =	sdelay $0xe  }
0x29a: {  	s0 =	spop (v2sf)  }
0x29b: {  	p3 =	slt.s32 s0, $0x1  }
.Ltmp22:
0x29c: {  	_ = 	snop;
	(pc) =	sbr.rel @p3 .LBB2_37-.Ltmp22, $3  }
0x29d: {  	_ = 	snop  }
0x29e: {  	v7 =	vld [tilespmem:s28+$0x4620]  }
0x29f: {  	v6 =	vld [tilespmem:s28+$0xA20];
	_ =	sdelay $0x1  }
0x2a0: {  	s1 =	simm.s32 $0xF  }
.LBB2_35:
0x2a1: {  	s0 =	scvt.s32.f32 s1;
	_ =	sdelay $0x1  }
0x2a2: {  	v8 =	vmul.f32 s0, v7  }
0x2a3: {  	v9 =	vmul.f32 s0, v6  }
0x2a4: {  	v8 =	vadd.f32 v8, v1  }
0x2a5: {  	v9 =	vadd.f32 v9, v2  }
0x2a6: {  	v8 =	vadd.f32 $1.258291200e+07, v8  }
0x2a7: {  	v9 =	vadd.f32 $1.258291200e+07, v9  }
0x2a8: {  	v8 =	vadd.f32 $-1.258291200e+07, v8  }
0x2a9: {  	v9 =	vadd.f32 $-1.258291200e+07, v9  }
0x2aa: {  	v8 =	vtrunc.f32 v8  }
0x2ab: {  	v9 =	vtrunc.f32 v9;
	v8 =	vcvt.f32.s32 v8  }
0x2ac: {  	v9 =	vcvt.f32.s32 v9  }
0x2ad: {  	vm0 =	vgt.s32 v8, $0x0  }
0x2ae: {  	vm13 =	vgt.s32 v9, $0x0;
	v8 =	vnsel vm0, $0x0, v8  }
0x2af: {  	v9 =	vnsel vm13, $0x0, v9;
	v8 =	vmin.u32 v8, $0x31F  }
0x2b0: {  	v9 =	vmin.u32 v9, $0x31F;
	v8 =	vsub.s32 v8, v3  }
0x2b1: {  	v10 =	vsub.s32 v9, v4;
	v8 =	vmul.u32 $0x70, v8  }
0x2b2: {  	v10 =	vand.u32 $0xFFFFFFF8, v10  }
0x2b3: {  	v9 =	vand.u32 $0x7, v9;
	v8 =	vadd.s32 v10, v8  }
0x2b4: {  	v8 =	vor.u32 v9, v8;
	_ =	sdelay $0x4  }
0x2b5: {  	v8 =	vld.idx.msk [tilespmem:v8+s19+$0x0], $0xffff;
	_ =	sdelay $0x4  }
0x2b6: {  	v63 =	vmov s0;
	vm14 =	vgt.f32 v8, $3.499999940e-01  }
0x2b7: {  	v8 =	vnsel vm14, $0x42480000, v63  }
0x2b8: {  	v5 =	vmin.f32 v5, v8  }
0x2b9: {  	vm15 =	vge.f32 v5, $5.000000000e+01  }
0x2ba: {  	v8 =	vmpcnt.ones.xlane vm15;
	_ =	sdelay $0x1  }
0x2bb: {  	(v2sf) =	vpush v8, $0x0;
	_ =	sdelay $0xe  }
0x2bc: {  	p3 =	sgt.u32 s1, $0x31;
	s0 =	spop (v2sf)  }
0x2bd: {  	p4 =	sgt.s32 @!p3 s0, $0x0  }
0x2be: {  	p4 =	por p3, !p4  }
.Ltmp23:
0x2bf: {  	_ = 	snop;
	(pc) =	sbr.rel @!p4 .LBB2_35-.Ltmp23, $2  }
0x2c0: {  	_ =	sdelay $0x2  }
0x2c1: {  	s1 =	sadd.s32 $0x1, s1  }
0x2c2: {  	v5 =	vpsel p3, v5, v5  }
.LBB2_37:
0x2c3: {  	[tilespmem:s28+$0x8220] =	vst v5  }
.LBB2_38:
0x2c4: {  	p3 =	sgt.u32 s22, $0x9B  }
.Ltmp24:
0x2c5: {  	_ = 	snop;
	(pc) =	sbr.rel @p3 .LBB2_40-.Ltmp24, $1  }
0x2c6: {  	_ =	sdelay $0x3  }
0x2c7: {  	s1 =	sadd.s32 $0x4, s22;
	p3 =	sne.s32 s23, $0x0  }
0x2c8: {  	s0 =	sshll.u32 @!p3 s1, $0x4  }
0x2c9: {  	s0 =	sand.u32 @!p3 $0x3FFFFFF0, s0  }
0x2ca: {  	v1 =	vld @!p3 [tilespmem:s0+$0x0];
	_ =	sdelay $0x4  }
0x2cb: {  	(v2sf) =	vpush @!p3 v1, $0x1  }
0x2cc: {  	(v2sf) =	vpush @!p3 v1, $0x0;
	_ =	sdelay $0xd  }
0x2cd: {  	s0 =	spop @!p3 (v2sf)  }
0x2ce: {  	s0 =	sadd.f32 @!p3 $1.258291200e+07, s0;
	s23 =	spop @!p3 (v2sf)  }
0x2cf: {  	s23 =	sadd.f32 @!p3 $1.258291200e+07, s23  }
0x2d0: {  	s0 =	sadd.f32 @!p3 $-1.258291200e+07, s0  }
0x2d1: {  	s23 =	sadd.f32 @!p3 $-1.258291200e+07, s23  }
0x2d2: {  	s0 =	scvt.f32.s32 @!p3 s0  }
0x2d3: {  	s23 =	scvt.f32.s32 @!p3 s23  }
0x2d4: {  	s0 =	sadd.s32 @!p3 $0xFFFFFFF1, s0  }
0x2d5: {  	p4 =	sgt.s32 @!p3 s0, $0x0;
	s23 =	sadd.s32 @!p3 $0xFFFFFFF1, s23  }
0x2d6: {  	p4 =	por !p4, p3;
	p5 =	sgt.s32 @!p3 s23, $0x0  }
0x2d7: {  	s0 =	simm.s32 @p4 $0x0;
	p4 =	por !p5, p3  }
0x2d8: {  	s0 =	smin.u32 @!p3 s0, $0x301;
	s23 =	simm.s32 @p4 $0x0  }
0x2d9: {  	s0 =	smul.u32 @!p3 $0x320, s0;
	s23 =	smin.u32 @!p3 s23, $0x2F8  }
0x2da: {  	s23 =	sand.u32 @!p3 $0x3F8, s23  }
0x2db: {  	s0 =	sadd.s32 @!p3 s23, s0  }
0x2dc: {  	s24 =	simm.s32 @!p3 $0x320;
	s0 =	sshrl.u32 @!p3 s0, $0x3  }
0x2dd: {  	s25 =	simm.s32 @!p3 $0xBE20;
	s23 =	simm.s32 @!p3 $0x28;
	s0 =	sadd.s32 @!p3 s3, s0  }
0x2de: {  	[tilespmem:s25], [sflag:$0x1] =	stream.strided.gather @!p3 [hbm4b:s0+s23], $0x4D8, s24, s23, $0x38;
	[tilespmem:$0xFF00] =	vst v63  }
0x2df: {  	s0 =	sshll.u32 @p2 s1, $0x4  }
0x2e0: {  	s0 =	sand.u32 @p2 $0x3FFFFFF0, s0  }
0x2e1: {  	v1 =	vld @p2 [tilespmem:s0+$0x0];
	_ =	sdelay $0x4  }
0x2e2: {  	(v2sf) =	vpush @p2 v1, $0x1  }
0x2e3: {  	(v2sf) =	vpush @p2 v1, $0x0;
	_ =	sdelay $0xd  }
0x2e4: {  	s0 =	spop @p2 (v2sf)  }
0x2e5: {  	s0 =	sadd.f32 @p2 $1.258291200e+07, s0;
	s23 =	spop @p2 (v2sf)  }
0x2e6: {  	s23 =	sadd.f32 @p2 $1.258291200e+07, s23  }
0x2e7: {  	s0 =	sadd.f32 @p2 $-1.258291200e+07, s0  }
0x2e8: {  	s23 =	sadd.f32 @p2 $-1.258291200e+07, s23  }
0x2e9: {  	s0 =	scvt.f32.s32 @p2 s0  }
0x2ea: {  	s23 =	scvt.f32.s32 @p2 s23  }
0x2eb: {  	s0 =	sadd.s32 @p2 $0xFFFFFFF1, s0  }
0x2ec: {  	p3 =	sgt.s32 @p2 s0, $0x0;
	s23 =	sadd.s32 @p2 $0xFFFFFFF1, s23  }
0x2ed: {  	p3 =	por !p3, !p2;
	p4 =	sgt.s32 @p2 s23, $0x0  }
0x2ee: {  	s0 =	simm.s32 @p3 $0x0;
	p3 =	por !p4, !p2  }
0x2ef: {  	s0 =	smin.u32 @p2 s0, $0x301;
	s23 =	simm.s32 @p3 $0x0  }
0x2f0: {  	s0 =	smul.u32 @p2 $0x320, s0;
	s23 =	smin.u32 @p2 s23, $0x2F8  }
0x2f1: {  	s23 =	sand.u32 @p2 $0x3F8, s23  }
0x2f2: {  	s0 =	sadd.s32 @p2 s23, s0  }
0x2f3: {  	s24 =	simm.s32 @p2 $0x320;
	s0 =	sshrl.u32 @p2 s0, $0x3  }
0x2f4: {  	s25 =	simm.s32 @p2 $0xC2F8;
	s23 =	simm.s32 @p2 $0x28;
	s0 =	sadd.s32 @p2 s3, s0  }
0x2f5: {  	[tilespmem:s25], [sflag:$0x2] =	stream.strided.gather @p2 [hbm4b:s0+s23], $0x4D8, s24, s23, $0x38;
	[tilespmem:$0xFF00] =	vst v63  }
0x2f6: {  	s0 =	sshll.u32 @p1 s1, $0x4  }
0x2f7: {  	s0 =	sand.u32 @p1 $0x3FFFFFF0, s0  }
0x2f8: {  	v1 =	vld @p1 [tilespmem:s0+$0x0];
	_ =	sdelay $0x4  }
0x2f9: {  	(v2sf) =	vpush @p1 v1, $0x1  }
0x2fa: {  	(v2sf) =	vpush @p1 v1, $0x0;
	_ =	sdelay $0xd  }
0x2fb: {  	s0 =	spop @p1 (v2sf)  }
0x2fc: {  	s0 =	sadd.f32 @p1 $1.258291200e+07, s0;
	s23 =	spop @p1 (v2sf)  }
0x2fd: {  	s23 =	sadd.f32 @p1 $1.258291200e+07, s23  }
0x2fe: {  	s0 =	sadd.f32 @p1 $-1.258291200e+07, s0  }
0x2ff: {  	s23 =	sadd.f32 @p1 $-1.258291200e+07, s23  }
0x300: {  	s0 =	scvt.f32.s32 @p1 s0  }
0x301: {  	s23 =	scvt.f32.s32 @p1 s23  }
0x302: {  	s0 =	sadd.s32 @p1 $0xFFFFFFF1, s0  }
0x303: {  	p2 =	sgt.s32 @p1 s0, $0x0;
	s23 =	sadd.s32 @p1 $0xFFFFFFF1, s23  }
0x304: {  	p2 =	por !p2, !p1;
	p3 =	sgt.s32 @p1 s23, $0x0  }
0x305: {  	s0 =	simm.s32 @p2 $0x0;
	p2 =	por !p3, !p1  }
0x306: {  	s0 =	smin.u32 @p1 s0, $0x301;
	s23 =	simm.s32 @p2 $0x0  }
0x307: {  	s0 =	smul.u32 @p1 $0x320, s0;
	s23 =	smin.u32 @p1 s23, $0x2F8  }
0x308: {  	s23 =	sand.u32 @p1 $0x3F8, s23  }
0x309: {  	s0 =	sadd.s32 @p1 s23, s0  }
0x30a: {  	s24 =	simm.s32 @p1 $0x320;
	s0 =	sshrl.u32 @p1 s0, $0x3  }
0x30b: {  	s25 =	simm.s32 @p1 $0xC7D0;
	s23 =	simm.s32 @p1 $0x28;
	s0 =	sadd.s32 @p1 s3, s0  }
0x30c: {  	[tilespmem:s25], [sflag:$0x3] =	stream.strided.gather @p1 [hbm4b:s0+s23], $0x4D8, s24, s23, $0x38;
	[tilespmem:$0xFF00] =	vst v63  }
0x30d: {  	s0 =	sshll.u32 @p0 s1, $0x4  }
0x30e: {  	s0 =	sand.u32 @p0 $0x3FFFFFF0, s0  }
0x30f: {  	v1 =	vld @p0 [tilespmem:s0+$0x0];
	_ =	sdelay $0x4  }
0x310: {  	(v2sf) =	vpush @p0 v1, $0x1  }
0x311: {  	(v2sf) =	vpush @p0 v1, $0x0;
	_ =	sdelay $0xd  }
0x312: {  	s0 =	spop @p0 (v2sf)  }
0x313: {  	s0 =	sadd.f32 @p0 $1.258291200e+07, s0;
	s1 =	spop @p0 (v2sf)  }
0x314: {  	s1 =	sadd.f32 @p0 $1.258291200e+07, s1  }
0x315: {  	s0 =	sadd.f32 @p0 $-1.258291200e+07, s0  }
0x316: {  	s1 =	sadd.f32 @p0 $-1.258291200e+07, s1  }
0x317: {  	s0 =	scvt.f32.s32 @p0 s0  }
0x318: {  	s1 =	scvt.f32.s32 @p0 s1  }
0x319: {  	s0 =	sadd.s32 @p0 $0xFFFFFFF1, s0  }
0x31a: {  	p1 =	sgt.s32 @p0 s0, $0x0;
	s1 =	sadd.s32 @p0 $0xFFFFFFF1, s1  }
0x31b: {  	p1 =	por !p1, !p0;
	p2 =	sgt.s32 @p0 s1, $0x0  }
0x31c: {  	s0 =	simm.s32 @p1 $0x0;
	p1 =	por !p2, !p0  }
0x31d: {  	s0 =	smin.u32 @p0 s0, $0x301;
	s1 =	simm.s32 @p1 $0x0  }
0x31e: {  	s0 =	smul.u32 @p0 $0x320, s0;
	s1 =	smin.u32 @p0 s1, $0x2F8  }
.Ltmp25:
0x31f: {  	s1 =	sand.u32 @p0 $0x3F8, s1;
	(pc) =	sbr.rel .LBB2_40-.Ltmp25, $4  }
0x320: {  	s0 =	sadd.s32 @p0 s1, s0  }
0x321: {  	s23 =	simm.s32 @p0 $0x320;
	s0 =	sshrl.u32 @p0 s0, $0x3  }
0x322: {  	s24 =	simm.s32 @p0 $0xCCA8;
	s1 =	simm.s32 @p0 $0x28;
	s0 =	sadd.s32 @p0 s3, s0  }
0x323: {  	[tilespmem:s24], [sflag:$0x4] =	stream.strided.gather @p0 [hbm4b:s0+s1], $0x4D8, s23, s1, $0x38;
	[tilespmem:$0xFF00] =	vst v63  }
.LBB2_42:
0x324: {  	_ =	sfence.sel $0x180000  }
0x325: {  	[bflag:$0x0] =	sbarrier.arrive $0xFFFF  }
0x326: {  	_ =	strace $0x90000047  }
0x327: {  	s0 =	stileid.u32;
	[bflag:$0x2] =	sbarrier.arrive $0xFFFF  }
0x328: {  	p0 =	sne.s32 s0, $0x0;
	s0 =	rddreg [dreg:$0x2]  }
0x329: {  	s0 =	sadd.s32 @!p0 $0x100000, s0  }
0x32a: {  	[sflag:s0] =	ssyncadd.tile.s32 @!p0 $0x1;
	_ =	shalt  }
.Lfunc_end2:
_tile_overlayer_lowered:
.L_overlay_start_2:
0x32b: {  	(tag) =	ssettag $0x2  }
0x32c: {  	s0 =	rddreg [dreg:$0x0];
	s2 =	stileid.u32  }
0x32d: {  	s1 =	rddreg [dreg:$0x1];
	p0 =	sne.s32 s2, $0x0  }
0x32e: {  	s3 =	rddreg [dreg:$0x2];
	[bflag:$0x3] =	sbarrier.arrive $0xFFFF;
	s2 =	simm.s32 @!p0 $0x1C05  }
0x32f: {  	[timem:s3], [sflag:s2] =	dma.local @!p0 [hbm:s0], s1  }
0x330: {  	s0 =	simm.s32 @!p0 $0x5  }
0x331: {  	_ =	swait.ge @!p0 [sflag:s0], s1  }
0x332: {  	s1 =	ssub.s32 @!p0 $0x0, s1;
	[sflag:s0] =	ssyncset.done @!p0 $0x0  }
0x333: {  	[sflag:s0] =	ssyncadd.s32 @!p0 s1  }
0x334: {  	[bflag:$0x3] =	sbarrier.arrive $0xFFFF  }
0x335: {  	_ =	shalt  }

</sc_bundles>
